<compile_context>
chip_gen: v7x
topology: tpu7x:2x2x1
jax: 0.10.2.dev20260603
libtpu: 0.0.44.dev20260713+nightly
codegen_flags: <defaults>
</compile_context>

<pallas_src>
import functools

import jax
import jax.numpy as jnp
from jax import lax
from jax.experimental import pallas as pl
from jax.experimental.pallas import tpu as pltpu
from jax.experimental.pallas import tpu_sc as plsc

_T = 20
_B = 4096
_E = 32
_H = 64
_V = 1000000
_DT = 0.1

_NC, _NS = 2, 16
_NW = _NC * _NS
_TOTAL = _T * _B
_PER_W = _TOTAL // _NW

_CHL = 61 * 128
_NCHIP = 16
_QL = 976 * 128
_VMAIN = 8 * _QL
_VTAIL = _V - _VMAIN
_VPAD = 640
_VPITCH = _VMAIN + _VPAD



def _detile_body(embt_hbm, tail_hbm, out_hbm, buf_a, buf_b, tbuf,
                 si0, si1, so0, so1):
    wid = lax.axis_index("s") * _NC + lax.axis_index("c")
    band = jnp.bitwise_and(wid, 3) * 8
    grp = jnp.right_shift(wid, 2)
    base = grp * _QL
    bufs = (buf_a, buf_b)
    s_in = (si0, si1)
    s_out = (so0, so1)

    @pl.when(grp == 7)
    def _():
        icp = pltpu.make_async_copy(
            tail_hbm.at[pl.ds(band, 8)], tbuf, si0
        )
        icp.start()
        icp.wait()
        for jj in range(8):
            ocp = pltpu.make_async_copy(
                tbuf.at[jj],
                out_hbm.at[pl.ds((band + jj) * _VPITCH + _VMAIN, _VPAD)],
                so0,
            )
            ocp.start()
            ocp.wait()

    plsc.subcore_barrier()

    def in_copy(c, bi):
        return pltpu.make_async_copy(
            embt_hbm.at[pl.ds(band, 8), pl.ds(base + c * _CHL, _CHL)],
            bufs[bi],
            s_in[bi],
        )

    def out_copy(c, bi, jj):
        return pltpu.make_async_copy(
            bufs[bi].at[jj],
            out_hbm.at[pl.ds((band + jj) * _VPITCH + base + c * _CHL, _CHL)],
            s_out[bi],
        )

    in_copy(0, 0).start()

    def chunk_step(c, bi):
        ob = 1 - bi
        in_copy(c, bi).wait()

        @pl.when(c >= 1)
        def _():
            for jj in range(8):
                out_copy(c - 1, ob, jj).wait()

        @pl.when(c + 1 < _NCHIP)
        def _():
            in_copy(c + 1, ob).start()

        for jj in range(8):
            out_copy(c, bi, jj).start()

    def pair_body(p, _):
        chunk_step(2 * p, 0)
        chunk_step(2 * p + 1, 1)
        return ()

    lax.fori_loop(0, _NCHIP // 2, pair_body, ())
    for jj in range(8):
        out_copy(_NCHIP - 1, 1, jj).wait()


def _detile_call(embt, tail_p):
    mesh = plsc.VectorSubcoreMesh(core_axis_name="c", subcore_axis_name="s")
    dk = functools.partial(
        pl.kernel,
        mesh=mesh,
        out_type=jax.ShapeDtypeStruct((_E * _VPITCH,), jnp.float32),
        scratch_types=[
            pltpu.VMEM((8, _CHL), jnp.float32),
            pltpu.VMEM((8, _CHL), jnp.float32),
            pltpu.VMEM((8, _VPAD), jnp.float32),
            pltpu.SemaphoreType.DMA,
            pltpu.SemaphoreType.DMA,
            pltpu.SemaphoreType.DMA,
            pltpu.SemaphoreType.DMA,
        ],
    )(_detile_body)
    return dk(embt, tail_p)



def _egather_body(tabt_hbm, idx_hbm, out_hbm, idx_v, col_v, sA, sB, sC, sD):
    wid = lax.axis_index("s") * _NC + lax.axis_index("c")
    pltpu.sync_copy(idx_hbm.at[wid], idx_v)
    sems = (sA, sB, sC, sD)

    def fire(j, s):
        pltpu.async_copy(tabt_hbm.at[j].at[idx_v], col_v.at[j], s)

    def drain(j, s):
        pltpu.make_async_copy(
            tabt_hbm.at[j].at[idx_v], col_v.at[j], s
        ).wait()

    for q in range(4):
        fire(q, sems[q])

    def quad_body(p, _):
        for q in range(4):
            j = 4 * p + q
            drain(j, sems[q])

            @pl.when(j + 4 < _E)
            def _():
                fire(j + 4, sems[q])

        return ()

    lax.fori_loop(0, _E // 4, quad_body, ())
    pltpu.sync_copy(col_v, out_hbm.at[pl.ds(0, _E), pl.ds(wid * _PER_W, _PER_W)])


def _egather_call(tabt, idx2):
    mesh = plsc.VectorSubcoreMesh(core_axis_name="c", subcore_axis_name="s")
    gk = functools.partial(
        pl.kernel,
        mesh=mesh,
        out_type=jax.ShapeDtypeStruct((_E, _TOTAL), jnp.float32),
        scratch_types=[
            pltpu.VMEM((_PER_W,), jnp.int32),
            pltpu.VMEM((_E, _PER_W), jnp.float32),
            pltpu.SemaphoreType.DMA,
            pltpu.SemaphoreType.DMA,
            pltpu.SemaphoreType.DMA,
            pltpu.SemaphoreType.DMA,
        ],
        compiler_params=pltpu.CompilerParams(use_tc_tiling_on_sc=False),
    )(_egather_body)
    return gk(tabt, idx2)


def _prep_tail(emb):
    tail_t = emb[_VMAIN:, :].T
    return jnp.pad(tail_t, ((0, 0), (0, _VPAD - _VTAIL)))



_NTB = 4
_TPB = _T // _NTB


def _ltc_body(e_ref, win_ref, wrec_ref, b_ref, dec_ref, h_ref, h_scr):
    i = pl.program_id(0)
    win = win_ref[...]
    wrec = wrec_ref[...]
    bb = b_ref[...]
    dec = dec_ref[...]
    dn_t = (((0,), (0,)), ((), ()))

    @pl.when(i == 0)
    def _():
        h_scr[...] = jnp.zeros((_B, _H), jnp.float32)

    h = h_scr[...]
    for s in range(_TPB):
        et = e_ref[:, pl.ds(s * _B, _B)]
        pre = (lax.dot_general(et, win, dn_t,
                               preferred_element_type=jnp.float32)
               + jnp.dot(h, wrec, preferred_element_type=jnp.float32) + bb)
        h = h * dec + _DT * jnp.tanh(pre)
    h_scr[...] = h

    @pl.when(i == _NTB - 1)
    def _():
        h_ref[...] = h


def _ltc_call(eT, w_in, w_rec, b2, dec2):
    return pl.pallas_call(
        _ltc_body,
        grid=(_NTB,),
        in_specs=[
            pl.BlockSpec((_E, _TPB * _B), lambda i: (0, i)),
            pl.BlockSpec((_E, _H), lambda i: (0, 0)),
            pl.BlockSpec((_H, _H), lambda i: (0, 0)),
            pl.BlockSpec((1, _H), lambda i: (0, 0)),
            pl.BlockSpec((1, _H), lambda i: (0, 0)),
        ],
        out_specs=pl.BlockSpec((_B, _H), lambda i: (0, 0)),
        out_shape=jax.ShapeDtypeStruct((_B, _H), jnp.float32),
        scratch_shapes=[pltpu.VMEM((_B, _H), jnp.float32)],
    )(eT, w_in, w_rec, b2, dec2)


def kernel(x, emb, W_in, W_rec, b, tau):
    cm = _detile_call(emb.T, _prep_tail(emb))
    tabt = cm.reshape(_E, _VPITCH)
    idx2 = x.reshape(-1).astype(jnp.int32).reshape(_NW, _PER_W)
    eT = _egather_call(tabt, idx2)
    dec2 = (1.0 - _DT / tau).reshape(1, _H)
    return _ltc_call(eT, W_in, W_rec, b.reshape(1, _H), dec2)

# --- scband reference (transcript-rebuilt; emitter-appended) ---
"""Pipeline reference for scband-encoder-ltc-90383291777587 (READ-ONLY COPY).

The authoritative reference and input builder live on the scoring server;
editing this copy changes nothing except your own understanding.
"""

import jax, jax.numpy as jnp
import numpy as np

INPUT_SIZE = 1000000
EMBED_SIZE = 32
HIDDEN_SIZE = 64
SEQ_LEN = 20
BATCH = 4096
DT = 0.1


def setup_inputs(seed: int = 0) -> dict:
    key = jax.random.key(seed)
    k1, k2, k3, k4, k5 = jax.random.split(key, 5)
    x = jax.random.randint(k1, (SEQ_LEN, BATCH), 0, INPUT_SIZE)
    emb = jax.random.normal(k2, (INPUT_SIZE, EMBED_SIZE), dtype=jnp.float32) * 0.02
    W_in = jax.random.normal(k3, (EMBED_SIZE, HIDDEN_SIZE), dtype=jnp.float32) * (1.0 / np.sqrt(EMBED_SIZE))
    W_rec = jax.random.normal(k4, (HIDDEN_SIZE, HIDDEN_SIZE), dtype=jnp.float32) * (1.0 / np.sqrt(HIDDEN_SIZE))
    b = jnp.zeros((HIDDEN_SIZE,), dtype=jnp.float32)
    tau = jax.random.uniform(k5, (HIDDEN_SIZE,), minval=0.5, maxval=1.5, dtype=jnp.float32)
    return {"x": x, "emb": emb, "W_in": W_in, "W_rec": W_rec, "b": b, "tau": tau}


def reference(x, emb, W_in, W_rec, b, tau):
    # embedding lookup: [T, B] -> [T, B, embed]
    e = jnp.take(emb, x, axis=0)
    h0 = jnp.zeros((x.shape[1], W_rec.shape[0]), dtype=jnp.float32)

    def step(h, et):
        pre = et @ W_in + h @ W_rec + b
        f = jnp.tanh(pre)
        # liquid time-constant Euler update: dh/dt = -h/tau + f
        h_new = h + DT * (-h / tau + f)
        return h_new, None

    h, _ = jax.lax.scan(step, h0, e)
    return h

if __name__ == "__main__":
    import jax
    _d = setup_inputs()
    print(jax.jit(kernel)(*tuple(_d.values())))

</pallas_src>

<mosaic_0001>
#map = affine_map<(d0, d1) -> (0, 0)>
module attributes {stable_mosaic.version = 14 : i64} {
  func.func @_egather_body(%arg0: i32, %arg1: i32, %arg2: memref<32x1000064xf32, #tpu.memory_space<hbm>>, %arg3: memref<32x2560xi32, #tpu.memory_space<hbm>>, %arg4: memref<32x81920xf32, #tpu.memory_space<hbm>>, %arg5: memref<2560xi32, #tpu.memory_space<vmem>>, %arg6: memref<32x2560xf32, #tpu.memory_space<vmem>>, %arg7: memref<!tpu.dma_semaphore, #tpu.memory_space<semaphore_mem>>, %arg8: memref<!tpu.dma_semaphore, #tpu.memory_space<semaphore_mem>>, %arg9: memref<!tpu.dma_semaphore, #tpu.memory_space<semaphore_mem>>, %arg10: memref<!tpu.dma_semaphore, #tpu.memory_space<semaphore_mem>>) attributes {dimension_semantics = [#tpu.dimension_semantics<core_parallel>, #tpu.dimension_semantics<subcore_parallel>], iteration_bounds = array<i64: 2, 16>, scalar_prefetch = 0 : i64, scratch_operands = 6 : i64, tpu.core_type = #tpu.core_type<sc_vector_subcore>, window_params = [{transform_indices = #map}, {transform_indices = #map}, {transform_indices = #map}]} {
    %mul3A = arith.constant 2 : i32
    %mul3A_0 = arith.muli %arg1, %mul3A : i32
    %add3A = arith.addi %mul3A_0, %arg0 : i32
    "tpu.region"() ({
      %run_scoped3A = tpu.sem_alloc : memref<!tpu.dma_semaphore, #tpu.memory_space<semaphore_mem>>
      %dma_start3A_46 = arith.constant 0 : i32
      %dma_start3A_47 = tpu.memref_slice %arg3[%add3A, %dma_start3A_46] : memref<32x2560xi32, #tpu.memory_space<hbm>> -> memref<1x2560xi32, #tpu.memory_space<hbm>>
      %dma_start3A_48 = tpu.memref_squeeze %dma_start3A_47 : memref<1x2560xi32, #tpu.memory_space<hbm>> -> memref<2560xi32, #tpu.memory_space<hbm>>
      %dma_start3A_49 = arith.constant 0 : i32
      %dma_start3A_50 = tpu.memref_slice %arg3[%add3A, %dma_start3A_49] : memref<32x2560xi32, #tpu.memory_space<hbm>> -> memref<1x2560xi32, #tpu.memory_space<hbm>>
      %dma_start3A_51 = tpu.memref_squeeze %dma_start3A_50 : memref<1x2560xi32, #tpu.memory_space<hbm>> -> memref<2560xi32, #tpu.memory_space<hbm>>
      tpu.enqueue_dma source(%dma_start3A_51 : memref<2560xi32, #tpu.memory_space<hbm>>) target(%arg5 : memref<2560xi32, #tpu.memory_space<vmem>>) target_semaphore(%run_scoped3A : memref<!tpu.dma_semaphore, #tpu.memory_space<semaphore_mem>>)
      %dma_wait3A = arith.constant 0 : i32
      %dma_wait3A_52 = tpu.memref_slice %arg3[%add3A, %dma_wait3A] : memref<32x2560xi32, #tpu.memory_space<hbm>> -> memref<1x2560xi32, #tpu.memory_space<hbm>>
      %dma_wait3A_53 = tpu.memref_squeeze %dma_wait3A_52 : memref<1x2560xi32, #tpu.memory_space<hbm>> -> memref<2560xi32, #tpu.memory_space<hbm>>
      %dma_wait3A_54 = arith.constant 0 : i32
      %dma_wait3A_55 = tpu.memref_slice %arg3[%add3A, %dma_wait3A_54] : memref<32x2560xi32, #tpu.memory_space<hbm>> -> memref<1x2560xi32, #tpu.memory_space<hbm>>
      %dma_wait3A_56 = tpu.memref_squeeze %dma_wait3A_55 : memref<1x2560xi32, #tpu.memory_space<hbm>> -> memref<2560xi32, #tpu.memory_space<hbm>>
      tpu.wait_dma2 semaphore(%run_scoped3A : memref<!tpu.dma_semaphore, #tpu.memory_space<semaphore_mem>>) src(%dma_wait3A_56 : memref<2560xi32, #tpu.memory_space<hbm>>) dst(%arg5 : memref<2560xi32, #tpu.memory_space<vmem>>)
      tpu.yield
    }) : () -> ()
    %dma_start3A = arith.constant 0 : i32
    %dma_start3A_1 = arith.constant 0 : i32
    %dma_start3A_2 = arith.constant 0 : i32
    %dma_start3A_3 = tpu.memref_slice %arg6[%dma_start3A_1, %dma_start3A_2] : memref<32x2560xf32, #tpu.memory_space<vmem>> -> memref<1x2560xf32, #tpu.memory_space<vmem>>
    %dma_start3A_4 = tpu.memref_squeeze %dma_start3A_3 : memref<1x2560xf32, #tpu.memory_space<vmem>> -> memref<2560xf32, #tpu.memory_space<vmem>>
    %dma_start3A_5 = arith.constant 0 : i32
    %dma_start3A_6 = tpu.memref_slice %arg2[%dma_start3A, %dma_start3A_5] : memref<32x1000064xf32, #tpu.memory_space<hbm>> -> memref<1x1000064xf32, #tpu.memory_space<hbm>>
    %dma_start3A_7 = tpu.memref_squeeze %dma_start3A_6 : memref<1x1000064xf32, #tpu.memory_space<hbm>> -> memref<1000064xf32, #tpu.memory_space<hbm>>
    %dma_start3A_8 = arith.constant 0 : i32
    %dma_start3A_9 = tpu.memref_slice %dma_start3A_7[%dma_start3A_8] : memref<1000064xf32, #tpu.memory_space<hbm>> -> memref<1000064xf32, #tpu.memory_space<hbm>>
    tpu.enqueue_indirect_dma source(%dma_start3A_9 : memref<1000064xf32, #tpu.memory_space<hbm>>) target(%dma_start3A_4 : memref<2560xf32, #tpu.memory_space<vmem>>) offsets(%arg5 : memref<2560xi32, #tpu.memory_space<vmem>>) semaphore(%arg7 : memref<!tpu.dma_semaphore, #tpu.memory_space<semaphore_mem>>)
    %dma_start3A_10 = arith.constant 1 : i32
    %dma_start3A_11 = arith.constant 1 : i32
    %dma_start3A_12 = arith.constant 0 : i32
    %dma_start3A_13 = tpu.memref_slice %arg6[%dma_start3A_11, %dma_start3A_12] : memref<32x2560xf32, #tpu.memory_space<vmem>> -> memref<1x2560xf32, #tpu.memory_space<vmem>>
    %dma_start3A_14 = tpu.memref_squeeze %dma_start3A_13 : memref<1x2560xf32, #tpu.memory_space<vmem>> -> memref<2560xf32, #tpu.memory_space<vmem>>
    %dma_start3A_15 = arith.constant 0 : i32
    %dma_start3A_16 = tpu.memref_slice %arg2[%dma_start3A_10, %dma_start3A_15] : memref<32x1000064xf32, #tpu.memory_space<hbm>> -> memref<1x1000064xf32, #tpu.memory_space<hbm>>
    %dma_start3A_17 = tpu.memref_squeeze %dma_start3A_16 : memref<1x1000064xf32, #tpu.memory_space<hbm>> -> memref<1000064xf32, #tpu.memory_space<hbm>>
    %dma_start3A_18 = arith.constant 0 : i32
    %dma_start3A_19 = tpu.memref_slice %dma_start3A_17[%dma_start3A_18] : memref<1000064xf32, #tpu.memory_space<hbm>> -> memref<1000064xf32, #tpu.memory_space<hbm>>
    tpu.enqueue_indirect_dma source(%dma_start3A_19 : memref<1000064xf32, #tpu.memory_space<hbm>>) target(%dma_start3A_14 : memref<2560xf32, #tpu.memory_space<vmem>>) offsets(%arg5 : memref<2560xi32, #tpu.memory_space<vmem>>) semaphore(%arg8 : memref<!tpu.dma_semaphore, #tpu.memory_space<semaphore_mem>>)
    %dma_start3A_20 = arith.constant 2 : i32
    %dma_start3A_21 = arith.constant 2 : i32
    %dma_start3A_22 = arith.constant 0 : i32
    %dma_start3A_23 = tpu.memref_slice %arg6[%dma_start3A_21, %dma_start3A_22] : memref<32x2560xf32, #tpu.memory_space<vmem>> -> memref<1x2560xf32, #tpu.memory_space<vmem>>
    %dma_start3A_24 = tpu.memref_squeeze %dma_start3A_23 : memref<1x2560xf32, #tpu.memory_space<vmem>> -> memref<2560xf32, #tpu.memory_space<vmem>>
    %dma_start3A_25 = arith.constant 0 : i32
    %dma_start3A_26 = tpu.memref_slice %arg2[%dma_start3A_20, %dma_start3A_25] : memref<32x1000064xf32, #tpu.memory_space<hbm>> -> memref<1x1000064xf32, #tpu.memory_space<hbm>>
    %dma_start3A_27 = tpu.memref_squeeze %dma_start3A_26 : memref<1x1000064xf32, #tpu.memory_space<hbm>> -> memref<1000064xf32, #tpu.memory_space<hbm>>
    %dma_start3A_28 = arith.constant 0 : i32
    %dma_start3A_29 = tpu.memref_slice %dma_start3A_27[%dma_start3A_28] : memref<1000064xf32, #tpu.memory_space<hbm>> -> memref<1000064xf32, #tpu.memory_space<hbm>>
    tpu.enqueue_indirect_dma source(%dma_start3A_29 : memref<1000064xf32, #tpu.memory_space<hbm>>) target(%dma_start3A_24 : memref<2560xf32, #tpu.memory_space<vmem>>) offsets(%arg5 : memref<2560xi32, #tpu.memory_space<vmem>>) semaphore(%arg9 : memref<!tpu.dma_semaphore, #tpu.memory_space<semaphore_mem>>)
    %dma_start3A_30 = arith.constant 3 : i32
    %dma_start3A_31 = arith.constant 3 : i32
    %dma_start3A_32 = arith.constant 0 : i32
    %dma_start3A_33 = tpu.memref_slice %arg6[%dma_start3A_31, %dma_start3A_32] : memref<32x2560xf32, #tpu.memory_space<vmem>> -> memref<1x2560xf32, #tpu.memory_space<vmem>>
    %dma_start3A_34 = tpu.memref_squeeze %dma_start3A_33 : memref<1x2560xf32, #tpu.memory_space<vmem>> -> memref<2560xf32, #tpu.memory_space<vmem>>
    %dma_start3A_35 = arith.constant 0 : i32
    %dma_start3A_36 = tpu.memref_slice %arg2[%dma_start3A_30, %dma_start3A_35] : memref<32x1000064xf32, #tpu.memory_space<hbm>> -> memref<1x1000064xf32, #tpu.memory_space<hbm>>
    %dma_start3A_37 = tpu.memref_squeeze %dma_start3A_36 : memref<1x1000064xf32, #tpu.memory_space<hbm>> -> memref<1000064xf32, #tpu.memory_space<hbm>>
    %dma_start3A_38 = arith.constant 0 : i32
    %dma_start3A_39 = tpu.memref_slice %dma_start3A_37[%dma_start3A_38] : memref<1000064xf32, #tpu.memory_space<hbm>> -> memref<1000064xf32, #tpu.memory_space<hbm>>
    tpu.enqueue_indirect_dma source(%dma_start3A_39 : memref<1000064xf32, #tpu.memory_space<hbm>>) target(%dma_start3A_34 : memref<2560xf32, #tpu.memory_space<vmem>>) offsets(%arg5 : memref<2560xi32, #tpu.memory_space<vmem>>) semaphore(%arg10 : memref<!tpu.dma_semaphore, #tpu.memory_space<semaphore_mem>>)
    %scan3A = arith.constant 0 : i32
    %scan3A_40 = arith.constant 8 : i32
    %scan3A_41 = arith.addi %scan3A, %scan3A_40 : i32
    %scan3A_42 = arith.constant 1 : i32
    scf.for %scan3A_46 = %scan3A to %scan3A_41 step %scan3A_42  : i32 {
      %mul3A_47 = arith.constant 4 : i32
      %mul3A_48 = arith.muli %mul3A_47, %scan3A_46 : i32
      %add3A_49 = arith.constant 0 : i32
      %add3A_50 = arith.addi %mul3A_48, %add3A_49 : i32
      %dma_wait3A = arith.constant 0 : i32
      %dma_wait3A_51 = tpu.memref_slice %arg6[%add3A_50, %dma_wait3A] : memref<32x2560xf32, #tpu.memory_space<vmem>> -> memref<1x2560xf32, #tpu.memory_space<vmem>>
      %dma_wait3A_52 = tpu.memref_squeeze %dma_wait3A_51 : memref<1x2560xf32, #tpu.memory_space<vmem>> -> memref<2560xf32, #tpu.memory_space<vmem>>
      %dma_wait3A_53 = arith.constant 0 : i32
      %dma_wait3A_54 = tpu.memref_slice %arg2[%add3A_50, %dma_wait3A_53] : memref<32x1000064xf32, #tpu.memory_space<hbm>> -> memref<1x1000064xf32, #tpu.memory_space<hbm>>
      %dma_wait3A_55 = tpu.memref_squeeze %dma_wait3A_54 : memref<1x1000064xf32, #tpu.memory_space<hbm>> -> memref<1000064xf32, #tpu.memory_space<hbm>>
      %dma_wait3A_56 = arith.constant 0 : i32
      %dma_wait3A_57 = tpu.memref_slice %dma_wait3A_55[%dma_wait3A_56] : memref<1000064xf32, #tpu.memory_space<hbm>> -> memref<1000064xf32, #tpu.memory_space<hbm>>
      tpu.wait_indirect_dma semaphore(%arg7 : memref<!tpu.dma_semaphore, #tpu.memory_space<semaphore_mem>>) src(%dma_wait3A_57 : memref<1000064xf32, #tpu.memory_space<hbm>>) dst(%dma_wait3A_52 : memref<2560xf32, #tpu.memory_space<vmem>>)
      %add3A_58 = arith.constant 4 : i32
      %add3A_59 = arith.addi %add3A_50, %add3A_58 : i32
      %lt3A = arith.constant 32 : i32
      %lt3A_60 = arith.cmpi slt, %add3A_59, %lt3A : i32
      %convert_element_type3A = arith.extui %lt3A_60 : i1 to i32
      %cond3A = arith.constant 0 : i32
      %cond3A_61 = arith.cmpi ne, %convert_element_type3A, %cond3A : i32
      scf.if %cond3A_61 {
        %add3A_119 = arith.constant 4 : i32
        %add3A_120 = arith.addi %add3A_50, %add3A_119 : i32
        %dma_start3A_121 = arith.constant 0 : i32
        %dma_start3A_122 = tpu.memref_slice %arg6[%add3A_120, %dma_start3A_121] : memref<32x2560xf32, #tpu.memory_space<vmem>> -> memref<1x2560xf32, #tpu.memory_space<vmem>>
        %dma_start3A_123 = tpu.memref_squeeze %dma_start3A_122 : memref<1x2560xf32, #tpu.memory_space<vmem>> -> memref<2560xf32, #tpu.memory_space<vmem>>
        %dma_start3A_124 = arith.constant 0 : i32
        %dma_start3A_125 = tpu.memref_slice %arg2[%add3A_120, %dma_start3A_124] : memref<32x1000064xf32, #tpu.memory_space<hbm>> -> memref<1x1000064xf32, #tpu.memory_space<hbm>>
        %dma_start3A_126 = tpu.memref_squeeze %dma_start3A_125 : memref<1x1000064xf32, #tpu.memory_space<hbm>> -> memref<1000064xf32, #tpu.memory_space<hbm>>
        %dma_start3A_127 = arith.constant 0 : i32
        %dma_start3A_128 = tpu.memref_slice %dma_start3A_126[%dma_start3A_127] : memref<1000064xf32, #tpu.memory_space<hbm>> -> memref<1000064xf32, #tpu.memory_space<hbm>>
        tpu.enqueue_indirect_dma source(%dma_start3A_128 : memref<1000064xf32, #tpu.memory_space<hbm>>) target(%dma_start3A_123 : memref<2560xf32, #tpu.memory_space<vmem>>) offsets(%arg5 : memref<2560xi32, #tpu.memory_space<vmem>>) semaphore(%arg7 : memref<!tpu.dma_semaphore, #tpu.memory_space<semaphore_mem>>)
      } else {
      }
      %mul3A_62 = arith.constant 4 : i32
      %mul3A_63 = arith.muli %mul3A_62, %scan3A_46 : i32
      %add3A_64 = arith.constant 1 : i32
      %add3A_65 = arith.addi %mul3A_63, %add3A_64 : i32
      %dma_wait3A_66 = arith.constant 0 : i32
      %dma_wait3A_67 = tpu.memref_slice %arg6[%add3A_65, %dma_wait3A_66] : memref<32x2560xf32, #tpu.memory_space<vmem>> -> memref<1x2560xf32, #tpu.memory_space<vmem>>
      %dma_wait3A_68 = tpu.memref_squeeze %dma_wait3A_67 : memref<1x2560xf32, #tpu.memory_space<vmem>> -> memref<2560xf32, #tpu.memory_space<vmem>>
      %dma_wait3A_69 = arith.constant 0 : i32
      %dma_wait3A_70 = tpu.memref_slice %arg2[%add3A_65, %dma_wait3A_69] : memref<32x1000064xf32, #tpu.memory_space<hbm>> -> memref<1x1000064xf32, #tpu.memory_space<hbm>>
      %dma_wait3A_71 = tpu.memref_squeeze %dma_wait3A_70 : memref<1x1000064xf32, #tpu.memory_space<hbm>> -> memref<1000064xf32, #tpu.memory_space<hbm>>
      %dma_wait3A_72 = arith.constant 0 : i32
      %dma_wait3A_73 = tpu.memref_slice %dma_wait3A_71[%dma_wait3A_72] : memref<1000064xf32, #tpu.memory_space<hbm>> -> memref<1000064xf32, #tpu.memory_space<hbm>>
      tpu.wait_indirect_dma semaphore(%arg8 : memref<!tpu.dma_semaphore, #tpu.memory_space<semaphore_mem>>) src(%dma_wait3A_73 : memref<1000064xf32, #tpu.memory_space<hbm>>) dst(%dma_wait3A_68 : memref<2560xf32, #tpu.memory_space<vmem>>)
      %add3A_74 = arith.constant 4 : i32
      %add3A_75 = arith.addi %add3A_65, %add3A_74 : i32
      %lt3A_76 = arith.constant 32 : i32
      %lt3A_77 = arith.cmpi slt, %add3A_75, %lt3A_76 : i32
      %convert_element_type3A_78 = arith.extui %lt3A_77 : i1 to i32
      %cond3A_79 = arith.constant 0 : i32
      %cond3A_80 = arith.cmpi ne, %convert_element_type3A_78, %cond3A_79 : i32
      scf.if %cond3A_80 {
        %add3A_119 = arith.constant 4 : i32
        %add3A_120 = arith.addi %add3A_65, %add3A_119 : i32
        %dma_start3A_121 = arith.constant 0 : i32
        %dma_start3A_122 = tpu.memref_slice %arg6[%add3A_120, %dma_start3A_121] : memref<32x2560xf32, #tpu.memory_space<vmem>> -> memref<1x2560xf32, #tpu.memory_space<vmem>>
        %dma_start3A_123 = tpu.memref_squeeze %dma_start3A_122 : memref<1x2560xf32, #tpu.memory_space<vmem>> -> memref<2560xf32, #tpu.memory_space<vmem>>
        %dma_start3A_124 = arith.constant 0 : i32
        %dma_start3A_125 = tpu.memref_slice %arg2[%add3A_120, %dma_start3A_124] : memref<32x1000064xf32, #tpu.memory_space<hbm>> -> memref<1x1000064xf32, #tpu.memory_space<hbm>>
        %dma_start3A_126 = tpu.memref_squeeze %dma_start3A_125 : memref<1x1000064xf32, #tpu.memory_space<hbm>> -> memref<1000064xf32, #tpu.memory_space<hbm>>
        %dma_start3A_127 = arith.constant 0 : i32
        %dma_start3A_128 = tpu.memref_slice %dma_start3A_126[%dma_start3A_127] : memref<1000064xf32, #tpu.memory_space<hbm>> -> memref<1000064xf32, #tpu.memory_space<hbm>>
        tpu.enqueue_indirect_dma source(%dma_start3A_128 : memref<1000064xf32, #tpu.memory_space<hbm>>) target(%dma_start3A_123 : memref<2560xf32, #tpu.memory_space<vmem>>) offsets(%arg5 : memref<2560xi32, #tpu.memory_space<vmem>>) semaphore(%arg8 : memref<!tpu.dma_semaphore, #tpu.memory_space<semaphore_mem>>)
      } else {
      }
      %mul3A_81 = arith.constant 4 : i32
      %mul3A_82 = arith.muli %mul3A_81, %scan3A_46 : i32
      %add3A_83 = arith.constant 2 : i32
      %add3A_84 = arith.addi %mul3A_82, %add3A_83 : i32
      %dma_wait3A_85 = arith.constant 0 : i32
      %dma_wait3A_86 = tpu.memref_slice %arg6[%add3A_84, %dma_wait3A_85] : memref<32x2560xf32, #tpu.memory_space<vmem>> -> memref<1x2560xf32, #tpu.memory_space<vmem>>
      %dma_wait3A_87 = tpu.memref_squeeze %dma_wait3A_86 : memref<1x2560xf32, #tpu.memory_space<vmem>> -> memref<2560xf32, #tpu.memory_space<vmem>>
      %dma_wait3A_88 = arith.constant 0 : i32
      %dma_wait3A_89 = tpu.memref_slice %arg2[%add3A_84, %dma_wait3A_88] : memref<32x1000064xf32, #tpu.memory_space<hbm>> -> memref<1x1000064xf32, #tpu.memory_space<hbm>>
      %dma_wait3A_90 = tpu.memref_squeeze %dma_wait3A_89 : memref<1x1000064xf32, #tpu.memory_space<hbm>> -> memref<1000064xf32, #tpu.memory_space<hbm>>
      %dma_wait3A_91 = arith.constant 0 : i32
      %dma_wait3A_92 = tpu.memref_slice %dma_wait3A_90[%dma_wait3A_91] : memref<1000064xf32, #tpu.memory_space<hbm>> -> memref<1000064xf32, #tpu.memory_space<hbm>>
      tpu.wait_indirect_dma semaphore(%arg9 : memref<!tpu.dma_semaphore, #tpu.memory_space<semaphore_mem>>) src(%dma_wait3A_92 : memref<1000064xf32, #tpu.memory_space<hbm>>) dst(%dma_wait3A_87 : memref<2560xf32, #tpu.memory_space<vmem>>)
      %add3A_93 = arith.constant 4 : i32
      %add3A_94 = arith.addi %add3A_84, %add3A_93 : i32
      %lt3A_95 = arith.constant 32 : i32
      %lt3A_96 = arith.cmpi slt, %add3A_94, %lt3A_95 : i32
      %convert_element_type3A_97 = arith.extui %lt3A_96 : i1 to i32
      %cond3A_98 = arith.constant 0 : i32
      %cond3A_99 = arith.cmpi ne, %convert_element_type3A_97, %cond3A_98 : i32
      scf.if %cond3A_99 {
        %add3A_119 = arith.constant 4 : i32
        %add3A_120 = arith.addi %add3A_84, %add3A_119 : i32
        %dma_start3A_121 = arith.constant 0 : i32
        %dma_start3A_122 = tpu.memref_slice %arg6[%add3A_120, %dma_start3A_121] : memref<32x2560xf32, #tpu.memory_space<vmem>> -> memref<1x2560xf32, #tpu.memory_space<vmem>>
        %dma_start3A_123 = tpu.memref_squeeze %dma_start3A_122 : memref<1x2560xf32, #tpu.memory_space<vmem>> -> memref<2560xf32, #tpu.memory_space<vmem>>
        %dma_start3A_124 = arith.constant 0 : i32
        %dma_start3A_125 = tpu.memref_slice %arg2[%add3A_120, %dma_start3A_124] : memref<32x1000064xf32, #tpu.memory_space<hbm>> -> memref<1x1000064xf32, #tpu.memory_space<hbm>>
        %dma_start3A_126 = tpu.memref_squeeze %dma_start3A_125 : memref<1x1000064xf32, #tpu.memory_space<hbm>> -> memref<1000064xf32, #tpu.memory_space<hbm>>
        %dma_start3A_127 = arith.constant 0 : i32
        %dma_start3A_128 = tpu.memref_slice %dma_start3A_126[%dma_start3A_127] : memref<1000064xf32, #tpu.memory_space<hbm>> -> memref<1000064xf32, #tpu.memory_space<hbm>>
        tpu.enqueue_indirect_dma source(%dma_start3A_128 : memref<1000064xf32, #tpu.memory_space<hbm>>) target(%dma_start3A_123 : memref<2560xf32, #tpu.memory_space<vmem>>) offsets(%arg5 : memref<2560xi32, #tpu.memory_space<vmem>>) semaphore(%arg9 : memref<!tpu.dma_semaphore, #tpu.memory_space<semaphore_mem>>)
      } else {
      }
      %mul3A_100 = arith.constant 4 : i32
      %mul3A_101 = arith.muli %mul3A_100, %scan3A_46 : i32
      %add3A_102 = arith.constant 3 : i32
      %add3A_103 = arith.addi %mul3A_101, %add3A_102 : i32
      %dma_wait3A_104 = arith.constant 0 : i32
      %dma_wait3A_105 = tpu.memref_slice %arg6[%add3A_103, %dma_wait3A_104] : memref<32x2560xf32, #tpu.memory_space<vmem>> -> memref<1x2560xf32, #tpu.memory_space<vmem>>
      %dma_wait3A_106 = tpu.memref_squeeze %dma_wait3A_105 : memref<1x2560xf32, #tpu.memory_space<vmem>> -> memref<2560xf32, #tpu.memory_space<vmem>>
      %dma_wait3A_107 = arith.constant 0 : i32
      %dma_wait3A_108 = tpu.memref_slice %arg2[%add3A_103, %dma_wait3A_107] : memref<32x1000064xf32, #tpu.memory_space<hbm>> -> memref<1x1000064xf32, #tpu.memory_space<hbm>>
      %dma_wait3A_109 = tpu.memref_squeeze %dma_wait3A_108 : memref<1x1000064xf32, #tpu.memory_space<hbm>> -> memref<1000064xf32, #tpu.memory_space<hbm>>
      %dma_wait3A_110 = arith.constant 0 : i32
      %dma_wait3A_111 = tpu.memref_slice %dma_wait3A_109[%dma_wait3A_110] : memref<1000064xf32, #tpu.memory_space<hbm>> -> memref<1000064xf32, #tpu.memory_space<hbm>>
      tpu.wait_indirect_dma semaphore(%arg10 : memref<!tpu.dma_semaphore, #tpu.memory_space<semaphore_mem>>) src(%dma_wait3A_111 : memref<1000064xf32, #tpu.memory_space<hbm>>) dst(%dma_wait3A_106 : memref<2560xf32, #tpu.memory_space<vmem>>)
      %add3A_112 = arith.constant 4 : i32
      %add3A_113 = arith.addi %add3A_103, %add3A_112 : i32
      %lt3A_114 = arith.constant 32 : i32
      %lt3A_115 = arith.cmpi slt, %add3A_113, %lt3A_114 : i32
      %convert_element_type3A_116 = arith.extui %lt3A_115 : i1 to i32
      %cond3A_117 = arith.constant 0 : i32
      %cond3A_118 = arith.cmpi ne, %convert_element_type3A_116, %cond3A_117 : i32
      scf.if %cond3A_118 {
        %add3A_119 = arith.constant 4 : i32
        %add3A_120 = arith.addi %add3A_103, %add3A_119 : i32
        %dma_start3A_121 = arith.constant 0 : i32
        %dma_start3A_122 = tpu.memref_slice %arg6[%add3A_120, %dma_start3A_121] : memref<32x2560xf32, #tpu.memory_space<vmem>> -> memref<1x2560xf32, #tpu.memory_space<vmem>>
        %dma_start3A_123 = tpu.memref_squeeze %dma_start3A_122 : memref<1x2560xf32, #tpu.memory_space<vmem>> -> memref<2560xf32, #tpu.memory_space<vmem>>
        %dma_start3A_124 = arith.constant 0 : i32
        %dma_start3A_125 = tpu.memref_slice %arg2[%add3A_120, %dma_start3A_124] : memref<32x1000064xf32, #tpu.memory_space<hbm>> -> memref<1x1000064xf32, #tpu.memory_space<hbm>>
        %dma_start3A_126 = tpu.memref_squeeze %dma_start3A_125 : memref<1x1000064xf32, #tpu.memory_space<hbm>> -> memref<1000064xf32, #tpu.memory_space<hbm>>
        %dma_start3A_127 = arith.constant 0 : i32
        %dma_start3A_128 = tpu.memref_slice %dma_start3A_126[%dma_start3A_127] : memref<1000064xf32, #tpu.memory_space<hbm>> -> memref<1000064xf32, #tpu.memory_space<hbm>>
        tpu.enqueue_indirect_dma source(%dma_start3A_128 : memref<1000064xf32, #tpu.memory_space<hbm>>) target(%dma_start3A_123 : memref<2560xf32, #tpu.memory_space<vmem>>) offsets(%arg5 : memref<2560xi32, #tpu.memory_space<vmem>>) semaphore(%arg10 : memref<!tpu.dma_semaphore, #tpu.memory_space<semaphore_mem>>)
      } else {
      }
    }
    %scan3A_43 = arith.constant 8 : i32
    %mul3A_44 = arith.constant 2560 : i32
    %mul3A_45 = arith.muli %add3A, %mul3A_44 : i32
    "tpu.region"() ({
      %run_scoped3A = tpu.sem_alloc : memref<!tpu.dma_semaphore, #tpu.memory_space<semaphore_mem>>
      %dma_start3A_46 = arith.constant 0 : i32
      %dma_start3A_47 = tpu.memref_slice %arg4[%dma_start3A_46, %mul3A_45] : memref<32x81920xf32, #tpu.memory_space<hbm>> -> memref<32x2560xf32, #tpu.memory_space<hbm>>
      %dma_start3A_48 = arith.constant 0 : i32
      %dma_start3A_49 = tpu.memref_slice %arg4[%dma_start3A_48, %mul3A_45] : memref<32x81920xf32, #tpu.memory_space<hbm>> -> memref<32x2560xf32, #tpu.memory_space<hbm>>
      tpu.enqueue_dma source(%arg6 : memref<32x2560xf32, #tpu.memory_space<vmem>>) target(%dma_start3A_49 : memref<32x2560xf32, #tpu.memory_space<hbm>>) target_semaphore(%run_scoped3A : memref<!tpu.dma_semaphore, #tpu.memory_space<semaphore_mem>>)
      %dma_wait3A = arith.constant 0 : i32
      %dma_wait3A_50 = tpu.memref_slice %arg4[%dma_wait3A, %mul3A_45] : memref<32x81920xf32, #tpu.memory_space<hbm>> -> memref<32x2560xf32, #tpu.memory_space<hbm>>
      %dma_wait3A_51 = arith.constant 0 : i32
      %dma_wait3A_52 = tpu.memref_slice %arg4[%dma_wait3A_51, %mul3A_45] : memref<32x81920xf32, #tpu.memory_space<hbm>> -> memref<32x2560xf32, #tpu.memory_space<hbm>>
      tpu.wait_dma2 semaphore(%run_scoped3A : memref<!tpu.dma_semaphore, #tpu.memory_space<semaphore_mem>>) src(%arg6 : memref<32x2560xf32, #tpu.memory_space<vmem>>) dst(%dma_wait3A_52 : memref<32x2560xf32, #tpu.memory_space<hbm>>)
      tpu.yield
    }) : () -> ()
    return
  }
}

#map = affine_map<(d0, d1) -> (0, 0)>
#map1 = affine_map<(d0, d1) -> (0)>
module attributes {stable_mosaic.version = 14 : i64} {
  func.func @_detile_body(%arg0: i32, %arg1: i32, %arg2: memref<32x1000000xf32, #tpu.memory_space<hbm>>, %arg3: memref<32x640xf32, #tpu.memory_space<hbm>>, %arg4: memref<32002048xf32, #tpu.memory_space<hbm>>, %arg5: memref<8x7808xf32, #tpu.memory_space<vmem>>, %arg6: memref<8x7808xf32, #tpu.memory_space<vmem>>, %arg7: memref<8x640xf32, #tpu.memory_space<vmem>>, %arg8: memref<!tpu.dma_semaphore, #tpu.memory_space<semaphore_mem>>, %arg9: memref<!tpu.dma_semaphore, #tpu.memory_space<semaphore_mem>>, %arg10: memref<!tpu.dma_semaphore, #tpu.memory_space<semaphore_mem>>, %arg11: memref<!tpu.dma_semaphore, #tpu.memory_space<semaphore_mem>>) attributes {dimension_semantics = [#tpu.dimension_semantics<core_parallel>, #tpu.dimension_semantics<subcore_parallel>], iteration_bounds = array<i64: 2, 16>, scalar_prefetch = 0 : i64, scratch_operands = 7 : i64, tpu.core_type = #tpu.core_type<sc_vector_subcore>, window_params = [{transform_indices = #map}, {transform_indices = #map}, {transform_indices = #map1}]} {
    %mul3A = arith.constant 2 : i32
    %mul3A_0 = arith.muli %arg1, %mul3A : i32
    %add3A = arith.addi %mul3A_0, %arg0 : i32
    %and3A = arith.constant 3 : i32
    %and3A_1 = arith.andi %add3A, %and3A : i32
    %mul3A_2 = arith.constant 8 : i32
    %mul3A_3 = arith.muli %and3A_1, %mul3A_2 : i32
    %shift_right_arithmetic3A = arith.constant 2 : i32
    %shift_right_arithmetic3A_4 = arith.shrsi %add3A, %shift_right_arithmetic3A : i32
    %mul3A_5 = arith.constant 124928 : i32
    %mul3A_6 = arith.muli %shift_right_arithmetic3A_4, %mul3A_5 : i32
    %eq3A = arith.constant 7 : i32
    %eq3A_7 = arith.cmpi eq, %shift_right_arithmetic3A_4, %eq3A : i32
    %convert_element_type3A = arith.extui %eq3A_7 : i1 to i32
    %cond3A = arith.constant 0 : i32
    %cond3A_8 = arith.cmpi ne, %convert_element_type3A, %cond3A : i32
    scf.if %cond3A_8 {
      %dma_start3A_143 = arith.constant 0 : i32
      %dma_start3A_144 = tpu.memref_slice %arg3[%mul3A_3, %dma_start3A_143] : memref<32x640xf32, #tpu.memory_space<hbm>> -> memref<8x640xf32, #tpu.memory_space<hbm>>
      %dma_start3A_145 = arith.constant 0 : i32
      %dma_start3A_146 = tpu.memref_slice %arg3[%mul3A_3, %dma_start3A_145] : memref<32x640xf32, #tpu.memory_space<hbm>> -> memref<8x640xf32, #tpu.memory_space<hbm>>
      tpu.enqueue_dma source(%dma_start3A_146 : memref<8x640xf32, #tpu.memory_space<hbm>>) target(%arg7 : memref<8x640xf32, #tpu.memory_space<vmem>>) target_semaphore(%arg8 : memref<!tpu.dma_semaphore, #tpu.memory_space<semaphore_mem>>)
      %dma_wait3A_147 = arith.constant 0 : i32
      %dma_wait3A_148 = tpu.memref_slice %arg3[%mul3A_3, %dma_wait3A_147] : memref<32x640xf32, #tpu.memory_space<hbm>> -> memref<8x640xf32, #tpu.memory_space<hbm>>
      %dma_wait3A_149 = arith.constant 0 : i32
      %dma_wait3A_150 = tpu.memref_slice %arg3[%mul3A_3, %dma_wait3A_149] : memref<32x640xf32, #tpu.memory_space<hbm>> -> memref<8x640xf32, #tpu.memory_space<hbm>>
      tpu.wait_dma2 semaphore(%arg8 : memref<!tpu.dma_semaphore, #tpu.memory_space<semaphore_mem>>) src(%dma_wait3A_150 : memref<8x640xf32, #tpu.memory_space<hbm>>) dst(%arg7 : memref<8x640xf32, #tpu.memory_space<vmem>>)
      %add3A_151 = arith.constant 0 : i32
      %add3A_152 = arith.addi %mul3A_3, %add3A_151 : i32
      %mul3A_153 = arith.constant 1000064 : i32
      %mul3A_154 = arith.muli %add3A_152, %mul3A_153 : i32
      %add3A_155 = arith.constant 999424 : i32
      %add3A_156 = arith.addi %mul3A_154, %add3A_155 : i32
      %dma_start3A_157 = arith.constant 0 : i32
      %dma_start3A_158 = arith.constant 0 : i32
      %dma_start3A_159 = tpu.memref_slice %arg7[%dma_start3A_157, %dma_start3A_158] : memref<8x640xf32, #tpu.memory_space<vmem>> -> memref<1x640xf32, #tpu.memory_space<vmem>>
      %dma_start3A_160 = tpu.memref_squeeze %dma_start3A_159 : memref<1x640xf32, #tpu.memory_space<vmem>> -> memref<640xf32, #tpu.memory_space<vmem>>
      %dma_start3A_161 = tpu.memref_slice %arg4[%add3A_156] : memref<32002048xf32, #tpu.memory_space<hbm>> -> memref<640xf32, #tpu.memory_space<hbm>>
      %dma_start3A_162 = tpu.memref_slice %arg4[%add3A_156] : memref<32002048xf32, #tpu.memory_space<hbm>> -> memref<640xf32, #tpu.memory_space<hbm>>
      %dma_start3A_163 = arith.constant 0 : i32
      %dma_start3A_164 = tpu.memref_slice %arg7[%dma_start3A_157, %dma_start3A_163] : memref<8x640xf32, #tpu.memory_space<vmem>> -> memref<1x640xf32, #tpu.memory_space<vmem>>
      %dma_start3A_165 = tpu.memref_squeeze %dma_start3A_164 : memref<1x640xf32, #tpu.memory_space<vmem>> -> memref<640xf32, #tpu.memory_space<vmem>>
      tpu.enqueue_dma source(%dma_start3A_165 : memref<640xf32, #tpu.memory_space<vmem>>) target(%dma_start3A_162 : memref<640xf32, #tpu.memory_space<hbm>>) target_semaphore(%arg10 : memref<!tpu.dma_semaphore, #tpu.memory_space<semaphore_mem>>)
      %dma_wait3A_166 = arith.constant 0 : i32
      %dma_wait3A_167 = arith.constant 0 : i32
      %dma_wait3A_168 = tpu.memref_slice %arg7[%dma_wait3A_166, %dma_wait3A_167] : memref<8x640xf32, #tpu.memory_space<vmem>> -> memref<1x640xf32, #tpu.memory_space<vmem>>
      %dma_wait3A_169 = tpu.memref_squeeze %dma_wait3A_168 : memref<1x640xf32, #tpu.memory_space<vmem>> -> memref<640xf32, #tpu.memory_space<vmem>>
      %dma_wait3A_170 = tpu.memref_slice %arg4[%add3A_156] : memref<32002048xf32, #tpu.memory_space<hbm>> -> memref<640xf32, #tpu.memory_space<hbm>>
      %dma_wait3A_171 = tpu.memref_slice %arg4[%add3A_156] : memref<32002048xf32, #tpu.memory_space<hbm>> -> memref<640xf32, #tpu.memory_space<hbm>>
      %dma_wait3A_172 = arith.constant 0 : i32
      %dma_wait3A_173 = tpu.memref_slice %arg7[%dma_wait3A_166, %dma_wait3A_172] : memref<8x640xf32, #tpu.memory_space<vmem>> -> memref<1x640xf32, #tpu.memory_space<vmem>>
      %dma_wait3A_174 = tpu.memref_squeeze %dma_wait3A_173 : memref<1x640xf32, #tpu.memory_space<vmem>> -> memref<640xf32, #tpu.memory_space<vmem>>
      tpu.wait_dma2 semaphore(%arg10 : memref<!tpu.dma_semaphore, #tpu.memory_space<semaphore_mem>>) src(%dma_wait3A_174 : memref<640xf32, #tpu.memory_space<vmem>>) dst(%dma_wait3A_171 : memref<640xf32, #tpu.memory_space<hbm>>)
      %add3A_175 = arith.constant 1 : i32
      %add3A_176 = arith.addi %mul3A_3, %add3A_175 : i32
      %mul3A_177 = arith.constant 1000064 : i32
      %mul3A_178 = arith.muli %add3A_176, %mul3A_177 : i32
      %add3A_179 = arith.constant 999424 : i32
      %add3A_180 = arith.addi %mul3A_178, %add3A_179 : i32
      %dma_start3A_181 = arith.constant 1 : i32
      %dma_start3A_182 = arith.constant 0 : i32
      %dma_start3A_183 = tpu.memref_slice %arg7[%dma_start3A_181, %dma_start3A_182] : memref<8x640xf32, #tpu.memory_space<vmem>> -> memref<1x640xf32, #tpu.memory_space<vmem>>
      %dma_start3A_184 = tpu.memref_squeeze %dma_start3A_183 : memref<1x640xf32, #tpu.memory_space<vmem>> -> memref<640xf32, #tpu.memory_space<vmem>>
      %dma_start3A_185 = tpu.memref_slice %arg4[%add3A_180] : memref<32002048xf32, #tpu.memory_space<hbm>> -> memref<640xf32, #tpu.memory_space<hbm>>
      %dma_start3A_186 = tpu.memref_slice %arg4[%add3A_180] : memref<32002048xf32, #tpu.memory_space<hbm>> -> memref<640xf32, #tpu.memory_space<hbm>>
      %dma_start3A_187 = arith.constant 0 : i32
      %dma_start3A_188 = tpu.memref_slice %arg7[%dma_start3A_181, %dma_start3A_187] : memref<8x640xf32, #tpu.memory_space<vmem>> -> memref<1x640xf32, #tpu.memory_space<vmem>>
      %dma_start3A_189 = tpu.memref_squeeze %dma_start3A_188 : memref<1x640xf32, #tpu.memory_space<vmem>> -> memref<640xf32, #tpu.memory_space<vmem>>
      tpu.enqueue_dma source(%dma_start3A_189 : memref<640xf32, #tpu.memory_space<vmem>>) target(%dma_start3A_186 : memref<640xf32, #tpu.memory_space<hbm>>) target_semaphore(%arg10 : memref<!tpu.dma_semaphore, #tpu.memory_space<semaphore_mem>>)
      %dma_wait3A_190 = arith.constant 1 : i32
      %dma_wait3A_191 = arith.constant 0 : i32
      %dma_wait3A_192 = tpu.memref_slice %arg7[%dma_wait3A_190, %dma_wait3A_191] : memref<8x640xf32, #tpu.memory_space<vmem>> -> memref<1x640xf32, #tpu.memory_space<vmem>>
      %dma_wait3A_193 = tpu.memref_squeeze %dma_wait3A_192 : memref<1x640xf32, #tpu.memory_space<vmem>> -> memref<640xf32, #tpu.memory_space<vmem>>
      %dma_wait3A_194 = tpu.memref_slice %arg4[%add3A_180] : memref<32002048xf32, #tpu.memory_space<hbm>> -> memref<640xf32, #tpu.memory_space<hbm>>
      %dma_wait3A_195 = tpu.memref_slice %arg4[%add3A_180] : memref<32002048xf32, #tpu.memory_space<hbm>> -> memref<640xf32, #tpu.memory_space<hbm>>
      %dma_wait3A_196 = arith.constant 0 : i32
      %dma_wait3A_197 = tpu.memref_slice %arg7[%dma_wait3A_190, %dma_wait3A_196] : memref<8x640xf32, #tpu.memory_space<vmem>> -> memref<1x640xf32, #tpu.memory_space<vmem>>
      %dma_wait3A_198 = tpu.memref_squeeze %dma_wait3A_197 : memref<1x640xf32, #tpu.memory_space<vmem>> -> memref<640xf32, #tpu.memory_space<vmem>>
      tpu.wait_dma2 semaphore(%arg10 : memref<!tpu.dma_semaphore, #tpu.memory_space<semaphore_mem>>) src(%dma_wait3A_198 : memref<640xf32, #tpu.memory_space<vmem>>) dst(%dma_wait3A_195 : memref<640xf32, #tpu.memory_space<hbm>>)
      %add3A_199 = arith.constant 2 : i32
      %add3A_200 = arith.addi %mul3A_3, %add3A_199 : i32
      %mul3A_201 = arith.constant 1000064 : i32
      %mul3A_202 = arith.muli %add3A_200, %mul3A_201 : i32
      %add3A_203 = arith.constant 999424 : i32
      %add3A_204 = arith.addi %mul3A_202, %add3A_203 : i32
      %dma_start3A_205 = arith.constant 2 : i32
      %dma_start3A_206 = arith.constant 0 : i32
      %dma_start3A_207 = tpu.memref_slice %arg7[%dma_start3A_205, %dma_start3A_206] : memref<8x640xf32, #tpu.memory_space<vmem>> -> memref<1x640xf32, #tpu.memory_space<vmem>>
      %dma_start3A_208 = tpu.memref_squeeze %dma_start3A_207 : memref<1x640xf32, #tpu.memory_space<vmem>> -> memref<640xf32, #tpu.memory_space<vmem>>
      %dma_start3A_209 = tpu.memref_slice %arg4[%add3A_204] : memref<32002048xf32, #tpu.memory_space<hbm>> -> memref<640xf32, #tpu.memory_space<hbm>>
      %dma_start3A_210 = tpu.memref_slice %arg4[%add3A_204] : memref<32002048xf32, #tpu.memory_space<hbm>> -> memref<640xf32, #tpu.memory_space<hbm>>
      %dma_start3A_211 = arith.constant 0 : i32
      %dma_start3A_212 = tpu.memref_slice %arg7[%dma_start3A_205, %dma_start3A_211] : memref<8x640xf32, #tpu.memory_space<vmem>> -> memref<1x640xf32, #tpu.memory_space<vmem>>
      %dma_start3A_213 = tpu.memref_squeeze %dma_start3A_212 : memref<1x640xf32, #tpu.memory_space<vmem>> -> memref<640xf32, #tpu.memory_space<vmem>>
      tpu.enqueue_dma source(%dma_start3A_213 : memref<640xf32, #tpu.memory_space<vmem>>) target(%dma_start3A_210 : memref<640xf32, #tpu.memory_space<hbm>>) target_semaphore(%arg10 : memref<!tpu.dma_semaphore, #tpu.memory_space<semaphore_mem>>)
      %dma_wait3A_214 = arith.constant 2 : i32
      %dma_wait3A_215 = arith.constant 0 : i32
      %dma_wait3A_216 = tpu.memref_slice %arg7[%dma_wait3A_214, %dma_wait3A_215] : memref<8x640xf32, #tpu.memory_space<vmem>> -> memref<1x640xf32, #tpu.memory_space<vmem>>
      %dma_wait3A_217 = tpu.memref_squeeze %dma_wait3A_216 : memref<1x640xf32, #tpu.memory_space<vmem>> -> memref<640xf32, #tpu.memory_space<vmem>>
      %dma_wait3A_218 = tpu.memref_slice %arg4[%add3A_204] : memref<32002048xf32, #tpu.memory_space<hbm>> -> memref<640xf32, #tpu.memory_space<hbm>>
      %dma_wait3A_219 = tpu.memref_slice %arg4[%add3A_204] : memref<32002048xf32, #tpu.memory_space<hbm>> -> memref<640xf32, #tpu.memory_space<hbm>>
      %dma_wait3A_220 = arith.constant 0 : i32
      %dma_wait3A_221 = tpu.memref_slice %arg7[%dma_wait3A_214, %dma_wait3A_220] : memref<8x640xf32, #tpu.memory_space<vmem>> -> memref<1x640xf32, #tpu.memory_space<vmem>>
      %dma_wait3A_222 = tpu.memref_squeeze %dma_wait3A_221 : memref<1x640xf32, #tpu.memory_space<vmem>> -> memref<640xf32, #tpu.memory_space<vmem>>
      tpu.wait_dma2 semaphore(%arg10 : memref<!tpu.dma_semaphore, #tpu.memory_space<semaphore_mem>>) src(%dma_wait3A_222 : memref<640xf32, #tpu.memory_space<vmem>>) dst(%dma_wait3A_219 : memref<640xf32, #tpu.memory_space<hbm>>)
      %add3A_223 = arith.constant 3 : i32
      %add3A_224 = arith.addi %mul3A_3, %add3A_223 : i32
      %mul3A_225 = arith.constant 1000064 : i32
      %mul3A_226 = arith.muli %add3A_224, %mul3A_225 : i32
      %add3A_227 = arith.constant 999424 : i32
      %add3A_228 = arith.addi %mul3A_226, %add3A_227 : i32
      %dma_start3A_229 = arith.constant 3 : i32
      %dma_start3A_230 = arith.constant 0 : i32
      %dma_start3A_231 = tpu.memref_slice %arg7[%dma_start3A_229, %dma_start3A_230] : memref<8x640xf32, #tpu.memory_space<vmem>> -> memref<1x640xf32, #tpu.memory_space<vmem>>
      %dma_start3A_232 = tpu.memref_squeeze %dma_start3A_231 : memref<1x640xf32, #tpu.memory_space<vmem>> -> memref<640xf32, #tpu.memory_space<vmem>>
      %dma_start3A_233 = tpu.memref_slice %arg4[%add3A_228] : memref<32002048xf32, #tpu.memory_space<hbm>> -> memref<640xf32, #tpu.memory_space<hbm>>
      %dma_start3A_234 = tpu.memref_slice %arg4[%add3A_228] : memref<32002048xf32, #tpu.memory_space<hbm>> -> memref<640xf32, #tpu.memory_space<hbm>>
      %dma_start3A_235 = arith.constant 0 : i32
      %dma_start3A_236 = tpu.memref_slice %arg7[%dma_start3A_229, %dma_start3A_235] : memref<8x640xf32, #tpu.memory_space<vmem>> -> memref<1x640xf32, #tpu.memory_space<vmem>>
      %dma_start3A_237 = tpu.memref_squeeze %dma_start3A_236 : memref<1x640xf32, #tpu.memory_space<vmem>> -> memref<640xf32, #tpu.memory_space<vmem>>
      tpu.enqueue_dma source(%dma_start3A_237 : memref<640xf32, #tpu.memory_space<vmem>>) target(%dma_start3A_234 : memref<640xf32, #tpu.memory_space<hbm>>) target_semaphore(%arg10 : memref<!tpu.dma_semaphore, #tpu.memory_space<semaphore_mem>>)
      %dma_wait3A_238 = arith.constant 3 : i32
      %dma_wait3A_239 = arith.constant 0 : i32
      %dma_wait3A_240 = tpu.memref_slice %arg7[%dma_wait3A_238, %dma_wait3A_239] : memref<8x640xf32, #tpu.memory_space<vmem>> -> memref<1x640xf32, #tpu.memory_space<vmem>>
      %dma_wait3A_241 = tpu.memref_squeeze %dma_wait3A_240 : memref<1x640xf32, #tpu.memory_space<vmem>> -> memref<640xf32, #tpu.memory_space<vmem>>
      %dma_wait3A_242 = tpu.memref_slice %arg4[%add3A_228] : memref<32002048xf32, #tpu.memory_space<hbm>> -> memref<640xf32, #tpu.memory_space<hbm>>
      %dma_wait3A_243 = tpu.memref_slice %arg4[%add3A_228] : memref<32002048xf32, #tpu.memory_space<hbm>> -> memref<640xf32, #tpu.memory_space<hbm>>
      %dma_wait3A_244 = arith.constant 0 : i32
      %dma_wait3A_245 = tpu.memref_slice %arg7[%dma_wait3A_238, %dma_wait3A_244] : memref<8x640xf32, #tpu.memory_space<vmem>> -> memref<1x640xf32, #tpu.memory_space<vmem>>
      %dma_wait3A_246 = tpu.memref_squeeze %dma_wait3A_245 : memref<1x640xf32, #tpu.memory_space<vmem>> -> memref<640xf32, #tpu.memory_space<vmem>>
      tpu.wait_dma2 semaphore(%arg10 : memref<!tpu.dma_semaphore, #tpu.memory_space<semaphore_mem>>) src(%dma_wait3A_246 : memref<640xf32, #tpu.memory_space<vmem>>) dst(%dma_wait3A_243 : memref<640xf32, #tpu.memory_space<hbm>>)
      %add3A_247 = arith.constant 4 : i32
      %add3A_248 = arith.addi %mul3A_3, %add3A_247 : i32
      %mul3A_249 = arith.constant 1000064 : i32
      %mul3A_250 = arith.muli %add3A_248, %mul3A_249 : i32
      %add3A_251 = arith.constant 999424 : i32
      %add3A_252 = arith.addi %mul3A_250, %add3A_251 : i32
      %dma_start3A_253 = arith.constant 4 : i32
      %dma_start3A_254 = arith.constant 0 : i32
      %dma_start3A_255 = tpu.memref_slice %arg7[%dma_start3A_253, %dma_start3A_254] : memref<8x640xf32, #tpu.memory_space<vmem>> -> memref<1x640xf32, #tpu.memory_space<vmem>>
      %dma_start3A_256 = tpu.memref_squeeze %dma_start3A_255 : memref<1x640xf32, #tpu.memory_space<vmem>> -> memref<640xf32, #tpu.memory_space<vmem>>
      %dma_start3A_257 = tpu.memref_slice %arg4[%add3A_252] : memref<32002048xf32, #tpu.memory_space<hbm>> -> memref<640xf32, #tpu.memory_space<hbm>>
      %dma_start3A_258 = tpu.memref_slice %arg4[%add3A_252] : memref<32002048xf32, #tpu.memory_space<hbm>> -> memref<640xf32, #tpu.memory_space<hbm>>
      %dma_start3A_259 = arith.constant 0 : i32
      %dma_start3A_260 = tpu.memref_slice %arg7[%dma_start3A_253, %dma_start3A_259] : memref<8x640xf32, #tpu.memory_space<vmem>> -> memref<1x640xf32, #tpu.memory_space<vmem>>
      %dma_start3A_261 = tpu.memref_squeeze %dma_start3A_260 : memref<1x640xf32, #tpu.memory_space<vmem>> -> memref<640xf32, #tpu.memory_space<vmem>>
      tpu.enqueue_dma source(%dma_start3A_261 : memref<640xf32, #tpu.memory_space<vmem>>) target(%dma_start3A_258 : memref<640xf32, #tpu.memory_space<hbm>>) target_semaphore(%arg10 : memref<!tpu.dma_semaphore, #tpu.memory_space<semaphore_mem>>)
      %dma_wait3A_262 = arith.constant 4 : i32
      %dma_wait3A_263 = arith.constant 0 : i32
      %dma_wait3A_264 = tpu.memref_slice %arg7[%dma_wait3A_262, %dma_wait3A_263] : memref<8x640xf32, #tpu.memory_space<vmem>> -> memref<1x640xf32, #tpu.memory_space<vmem>>
      %dma_wait3A_265 = tpu.memref_squeeze %dma_wait3A_264 : memref<1x640xf32, #tpu.memory_space<vmem>> -> memref<640xf32, #tpu.memory_space<vmem>>
      %dma_wait3A_266 = tpu.memref_slice %arg4[%add3A_252] : memref<32002048xf32, #tpu.memory_space<hbm>> -> memref<640xf32, #tpu.memory_space<hbm>>
      %dma_wait3A_267 = tpu.memref_slice %arg4[%add3A_252] : memref<32002048xf32, #tpu.memory_space<hbm>> -> memref<640xf32, #tpu.memory_space<hbm>>
      %dma_wait3A_268 = arith.constant 0 : i32
      %dma_wait3A_269 = tpu.memref_slice %arg7[%dma_wait3A_262, %dma_wait3A_268] : memref<8x640xf32, #tpu.memory_space<vmem>> -> memref<1x640xf32, #tpu.memory_space<vmem>>
      %dma_wait3A_270 = tpu.memref_squeeze %dma_wait3A_269 : memref<1x640xf32, #tpu.memory_space<vmem>> -> memref<640xf32, #tpu.memory_space<vmem>>
      tpu.wait_dma2 semaphore(%arg10 : memref<!tpu.dma_semaphore, #tpu.memory_space<semaphore_mem>>) src(%dma_wait3A_270 : memref<640xf32, #tpu.memory_space<vmem>>) dst(%dma_wait3A_267 : memref<640xf32, #tpu.memory_space<hbm>>)
      %add3A_271 = arith.constant 5 : i32
      %add3A_272 = arith.addi %mul3A_3, %add3A_271 : i32
      %mul3A_273 = arith.constant 1000064 : i32
      %mul3A_274 = arith.muli %add3A_272, %mul3A_273 : i32
      %add3A_275 = arith.constant 999424 : i32
      %add3A_276 = arith.addi %mul3A_274, %add3A_275 : i32
      %dma_start3A_277 = arith.constant 5 : i32
      %dma_start3A_278 = arith.constant 0 : i32
      %dma_start3A_279 = tpu.memref_slice %arg7[%dma_start3A_277, %dma_start3A_278] : memref<8x640xf32, #tpu.memory_space<vmem>> -> memref<1x640xf32, #tpu.memory_space<vmem>>
      %dma_start3A_280 = tpu.memref_squeeze %dma_start3A_279 : memref<1x640xf32, #tpu.memory_space<vmem>> -> memref<640xf32, #tpu.memory_space<vmem>>
      %dma_start3A_281 = tpu.memref_slice %arg4[%add3A_276] : memref<32002048xf32, #tpu.memory_space<hbm>> -> memref<640xf32, #tpu.memory_space<hbm>>
      %dma_start3A_282 = tpu.memref_slice %arg4[%add3A_276] : memref<32002048xf32, #tpu.memory_space<hbm>> -> memref<640xf32, #tpu.memory_space<hbm>>
      %dma_start3A_283 = arith.constant 0 : i32
      %dma_start3A_284 = tpu.memref_slice %arg7[%dma_start3A_277, %dma_start3A_283] : memref<8x640xf32, #tpu.memory_space<vmem>> -> memref<1x640xf32, #tpu.memory_space<vmem>>
      %dma_start3A_285 = tpu.memref_squeeze %dma_start3A_284 : memref<1x640xf32, #tpu.memory_space<vmem>> -> memref<640xf32, #tpu.memory_space<vmem>>
      tpu.enqueue_dma source(%dma_start3A_285 : memref<640xf32, #tpu.memory_space<vmem>>) target(%dma_start3A_282 : memref<640xf32, #tpu.memory_space<hbm>>) target_semaphore(%arg10 : memref<!tpu.dma_semaphore, #tpu.memory_space<semaphore_mem>>)
      %dma_wait3A_286 = arith.constant 5 : i32
      %dma_wait3A_287 = arith.constant 0 : i32
      %dma_wait3A_288 = tpu.memref_slice %arg7[%dma_wait3A_286, %dma_wait3A_287] : memref<8x640xf32, #tpu.memory_space<vmem>> -> memref<1x640xf32, #tpu.memory_space<vmem>>
      %dma_wait3A_289 = tpu.memref_squeeze %dma_wait3A_288 : memref<1x640xf32, #tpu.memory_space<vmem>> -> memref<640xf32, #tpu.memory_space<vmem>>
      %dma_wait3A_290 = tpu.memref_slice %arg4[%add3A_276] : memref<32002048xf32, #tpu.memory_space<hbm>> -> memref<640xf32, #tpu.memory_space<hbm>>
      %dma_wait3A_291 = tpu.memref_slice %arg4[%add3A_276] : memref<32002048xf32, #tpu.memory_space<hbm>> -> memref<640xf32, #tpu.memory_space<hbm>>
      %dma_wait3A_292 = arith.constant 0 : i32
      %dma_wait3A_293 = tpu.memref_slice %arg7[%dma_wait3A_286, %dma_wait3A_292] : memref<8x640xf32, #tpu.memory_space<vmem>> -> memref<1x640xf32, #tpu.memory_space<vmem>>
      %dma_wait3A_294 = tpu.memref_squeeze %dma_wait3A_293 : memref<1x640xf32, #tpu.memory_space<vmem>> -> memref<640xf32, #tpu.memory_space<vmem>>
      tpu.wait_dma2 semaphore(%arg10 : memref<!tpu.dma_semaphore, #tpu.memory_space<semaphore_mem>>) src(%dma_wait3A_294 : memref<640xf32, #tpu.memory_space<vmem>>) dst(%dma_wait3A_291 : memref<640xf32, #tpu.memory_space<hbm>>)
      %add3A_295 = arith.constant 6 : i32
      %add3A_296 = arith.addi %mul3A_3, %add3A_295 : i32
      %mul3A_297 = arith.constant 1000064 : i32
      %mul3A_298 = arith.muli %add3A_296, %mul3A_297 : i32
      %add3A_299 = arith.constant 999424 : i32
      %add3A_300 = arith.addi %mul3A_298, %add3A_299 : i32
      %dma_start3A_301 = arith.constant 6 : i32
      %dma_start3A_302 = arith.constant 0 : i32
      %dma_start3A_303 = tpu.memref_slice %arg7[%dma_start3A_301, %dma_start3A_302] : memref<8x640xf32, #tpu.memory_space<vmem>> -> memref<1x640xf32, #tpu.memory_space<vmem>>
      %dma_start3A_304 = tpu.memref_squeeze %dma_start3A_303 : memref<1x640xf32, #tpu.memory_space<vmem>> -> memref<640xf32, #tpu.memory_space<vmem>>
      %dma_start3A_305 = tpu.memref_slice %arg4[%add3A_300] : memref<32002048xf32, #tpu.memory_space<hbm>> -> memref<640xf32, #tpu.memory_space<hbm>>
      %dma_start3A_306 = tpu.memref_slice %arg4[%add3A_300] : memref<32002048xf32, #tpu.memory_space<hbm>> -> memref<640xf32, #tpu.memory_space<hbm>>
      %dma_start3A_307 = arith.constant 0 : i32
      %dma_start3A_308 = tpu.memref_slice %arg7[%dma_start3A_301, %dma_start3A_307] : memref<8x640xf32, #tpu.memory_space<vmem>> -> memref<1x640xf32, #tpu.memory_space<vmem>>
      %dma_start3A_309 = tpu.memref_squeeze %dma_start3A_308 : memref<1x640xf32, #tpu.memory_space<vmem>> -> memref<640xf32, #tpu.memory_space<vmem>>
      tpu.enqueue_dma source(%dma_start3A_309 : memref<640xf32, #tpu.memory_space<vmem>>) target(%dma_start3A_306 : memref<640xf32, #tpu.memory_space<hbm>>) target_semaphore(%arg10 : memref<!tpu.dma_semaphore, #tpu.memory_space<semaphore_mem>>)
      %dma_wait3A_310 = arith.constant 6 : i32
      %dma_wait3A_311 = arith.constant 0 : i32
      %dma_wait3A_312 = tpu.memref_slice %arg7[%dma_wait3A_310, %dma_wait3A_311] : memref<8x640xf32, #tpu.memory_space<vmem>> -> memref<1x640xf32, #tpu.memory_space<vmem>>
      %dma_wait3A_313 = tpu.memref_squeeze %dma_wait3A_312 : memref<1x640xf32, #tpu.memory_space<vmem>> -> memref<640xf32, #tpu.memory_space<vmem>>
      %dma_wait3A_314 = tpu.memref_slice %arg4[%add3A_300] : memref<32002048xf32, #tpu.memory_space<hbm>> -> memref<640xf32, #tpu.memory_space<hbm>>
      %dma_wait3A_315 = tpu.memref_slice %arg4[%add3A_300] : memref<32002048xf32, #tpu.memory_space<hbm>> -> memref<640xf32, #tpu.memory_space<hbm>>
      %dma_wait3A_316 = arith.constant 0 : i32
      %dma_wait3A_317 = tpu.memref_slice %arg7[%dma_wait3A_310, %dma_wait3A_316] : memref<8x640xf32, #tpu.memory_space<vmem>> -> memref<1x640xf32, #tpu.memory_space<vmem>>
      %dma_wait3A_318 = tpu.memref_squeeze %dma_wait3A_317 : memref<1x640xf32, #tpu.memory_space<vmem>> -> memref<640xf32, #tpu.memory_space<vmem>>
      tpu.wait_dma2 semaphore(%arg10 : memref<!tpu.dma_semaphore, #tpu.memory_space<semaphore_mem>>) src(%dma_wait3A_318 : memref<640xf32, #tpu.memory_space<vmem>>) dst(%dma_wait3A_315 : memref<640xf32, #tpu.memory_space<hbm>>)
      %add3A_319 = arith.constant 7 : i32
      %add3A_320 = arith.addi %mul3A_3, %add3A_319 : i32
      %mul3A_321 = arith.constant 1000064 : i32
      %mul3A_322 = arith.muli %add3A_320, %mul3A_321 : i32
      %add3A_323 = arith.constant 999424 : i32
      %add3A_324 = arith.addi %mul3A_322, %add3A_323 : i32
      %dma_start3A_325 = arith.constant 7 : i32
      %dma_start3A_326 = arith.constant 0 : i32
      %dma_start3A_327 = tpu.memref_slice %arg7[%dma_start3A_325, %dma_start3A_326] : memref<8x640xf32, #tpu.memory_space<vmem>> -> memref<1x640xf32, #tpu.memory_space<vmem>>
      %dma_start3A_328 = tpu.memref_squeeze %dma_start3A_327 : memref<1x640xf32, #tpu.memory_space<vmem>> -> memref<640xf32, #tpu.memory_space<vmem>>
      %dma_start3A_329 = tpu.memref_slice %arg4[%add3A_324] : memref<32002048xf32, #tpu.memory_space<hbm>> -> memref<640xf32, #tpu.memory_space<hbm>>
      %dma_start3A_330 = tpu.memref_slice %arg4[%add3A_324] : memref<32002048xf32, #tpu.memory_space<hbm>> -> memref<640xf32, #tpu.memory_space<hbm>>
      %dma_start3A_331 = arith.constant 0 : i32
      %dma_start3A_332 = tpu.memref_slice %arg7[%dma_start3A_325, %dma_start3A_331] : memref<8x640xf32, #tpu.memory_space<vmem>> -> memref<1x640xf32, #tpu.memory_space<vmem>>
      %dma_start3A_333 = tpu.memref_squeeze %dma_start3A_332 : memref<1x640xf32, #tpu.memory_space<vmem>> -> memref<640xf32, #tpu.memory_space<vmem>>
      tpu.enqueue_dma source(%dma_start3A_333 : memref<640xf32, #tpu.memory_space<vmem>>) target(%dma_start3A_330 : memref<640xf32, #tpu.memory_space<hbm>>) target_semaphore(%arg10 : memref<!tpu.dma_semaphore, #tpu.memory_space<semaphore_mem>>)
      %dma_wait3A_334 = arith.constant 7 : i32
      %dma_wait3A_335 = arith.constant 0 : i32
      %dma_wait3A_336 = tpu.memref_slice %arg7[%dma_wait3A_334, %dma_wait3A_335] : memref<8x640xf32, #tpu.memory_space<vmem>> -> memref<1x640xf32, #tpu.memory_space<vmem>>
      %dma_wait3A_337 = tpu.memref_squeeze %dma_wait3A_336 : memref<1x640xf32, #tpu.memory_space<vmem>> -> memref<640xf32, #tpu.memory_space<vmem>>
      %dma_wait3A_338 = tpu.memref_slice %arg4[%add3A_324] : memref<32002048xf32, #tpu.memory_space<hbm>> -> memref<640xf32, #tpu.memory_space<hbm>>
      %dma_wait3A_339 = tpu.memref_slice %arg4[%add3A_324] : memref<32002048xf32, #tpu.memory_space<hbm>> -> memref<640xf32, #tpu.memory_space<hbm>>
      %dma_wait3A_340 = arith.constant 0 : i32
      %dma_wait3A_341 = tpu.memref_slice %arg7[%dma_wait3A_334, %dma_wait3A_340] : memref<8x640xf32, #tpu.memory_space<vmem>> -> memref<1x640xf32, #tpu.memory_space<vmem>>
      %dma_wait3A_342 = tpu.memref_squeeze %dma_wait3A_341 : memref<1x640xf32, #tpu.memory_space<vmem>> -> memref<640xf32, #tpu.memory_space<vmem>>
      tpu.wait_dma2 semaphore(%arg10 : memref<!tpu.dma_semaphore, #tpu.memory_space<semaphore_mem>>) src(%dma_wait3A_342 : memref<640xf32, #tpu.memory_space<vmem>>) dst(%dma_wait3A_339 : memref<640xf32, #tpu.memory_space<hbm>>)
    } else {
    }
    %barrier3A = arith.constant 0 : index
    tpu.barrier barrier_id(%barrier3A)
    %add3A_9 = arith.constant 0 : i32
    %add3A_10 = arith.addi %mul3A_6, %add3A_9 : i32
    %dma_start3A = tpu.memref_slice %arg2[%mul3A_3, %add3A_10] : memref<32x1000000xf32, #tpu.memory_space<hbm>> -> memref<8x7808xf32, #tpu.memory_space<hbm>>
    %dma_start3A_11 = tpu.memref_slice %arg2[%mul3A_3, %add3A_10] : memref<32x1000000xf32, #tpu.memory_space<hbm>> -> memref<8x7808xf32, #tpu.memory_space<hbm>>
    tpu.enqueue_dma source(%dma_start3A_11 : memref<8x7808xf32, #tpu.memory_space<hbm>>) target(%arg5 : memref<8x7808xf32, #tpu.memory_space<vmem>>) target_semaphore(%arg8 : memref<!tpu.dma_semaphore, #tpu.memory_space<semaphore_mem>>)
    %scan3A = arith.constant 0 : i32
    %scan3A_12 = arith.constant 8 : i32
    %scan3A_13 = arith.addi %scan3A, %scan3A_12 : i32
    %scan3A_14 = arith.constant 1 : i32
    scf.for %scan3A_143 = %scan3A to %scan3A_13 step %scan3A_14  : i32 {
      %mul3A_144 = arith.constant 2 : i32
      %mul3A_145 = arith.muli %mul3A_144, %scan3A_143 : i32
      %mul3A_146 = arith.constant 7808 : i32
      %mul3A_147 = arith.muli %mul3A_145, %mul3A_146 : i32
      %add3A_148 = arith.addi %mul3A_6, %mul3A_147 : i32
      %dma_wait3A_149 = tpu.memref_slice %arg2[%mul3A_3, %add3A_148] : memref<32x1000000xf32, #tpu.memory_space<hbm>> -> memref<8x7808xf32, #tpu.memory_space<hbm>>
      %dma_wait3A_150 = tpu.memref_slice %arg2[%mul3A_3, %add3A_148] : memref<32x1000000xf32, #tpu.memory_space<hbm>> -> memref<8x7808xf32, #tpu.memory_space<hbm>>
      tpu.wait_dma2 semaphore(%arg8 : memref<!tpu.dma_semaphore, #tpu.memory_space<semaphore_mem>>) src(%dma_wait3A_150 : memref<8x7808xf32, #tpu.memory_space<hbm>>) dst(%arg5 : memref<8x7808xf32, #tpu.memory_space<vmem>>)
      %ge3A = arith.constant 1 : i32
      %ge3A_151 = arith.cmpi sge, %mul3A_145, %ge3A : i32
      %convert_element_type3A_152 = arith.extui %ge3A_151 : i1 to i32
      %cond3A_153 = arith.constant 0 : i32
      %cond3A_154 = arith.cmpi ne, %convert_element_type3A_152, %cond3A_153 : i32
      scf.if %cond3A_154 {
        %sub3A = arith.constant 1 : i32
        %sub3A_454 = arith.subi %mul3A_145, %sub3A : i32
        %add3A_455 = arith.constant 0 : i32
        %add3A_456 = arith.addi %mul3A_3, %add3A_455 : i32
        %mul3A_457 = arith.constant 1000064 : i32
        %mul3A_458 = arith.muli %add3A_456, %mul3A_457 : i32
        %add3A_459 = arith.addi %mul3A_458, %mul3A_6 : i32
        %mul3A_460 = arith.constant 7808 : i32
        %mul3A_461 = arith.muli %sub3A_454, %mul3A_460 : i32
        %add3A_462 = arith.addi %add3A_459, %mul3A_461 : i32
        %dma_wait3A_463 = arith.constant 0 : i32
        %dma_wait3A_464 = arith.constant 0 : i32
        %dma_wait3A_465 = tpu.memref_slice %arg6[%dma_wait3A_463, %dma_wait3A_464] : memref<8x7808xf32, #tpu.memory_space<vmem>> -> memref<1x7808xf32, #tpu.memory_space<vmem>>
        %dma_wait3A_466 = tpu.memref_squeeze %dma_wait3A_465 : memref<1x7808xf32, #tpu.memory_space<vmem>> -> memref<7808xf32, #tpu.memory_space<vmem>>
        %dma_wait3A_467 = tpu.memref_slice %arg4[%add3A_462] : memref<32002048xf32, #tpu.memory_space<hbm>> -> memref<7808xf32, #tpu.memory_space<hbm>>
        %dma_wait3A_468 = tpu.memref_slice %arg4[%add3A_462] : memref<32002048xf32, #tpu.memory_space<hbm>> -> memref<7808xf32, #tpu.memory_space<hbm>>
        %dma_wait3A_469 = arith.constant 0 : i32
        %dma_wait3A_470 = tpu.memref_slice %arg6[%dma_wait3A_463, %dma_wait3A_469] : memref<8x7808xf32, #tpu.memory_space<vmem>> -> memref<1x7808xf32, #tpu.memory_space<vmem>>
        %dma_wait3A_471 = tpu.memref_squeeze %dma_wait3A_470 : memref<1x7808xf32, #tpu.memory_space<vmem>> -> memref<7808xf32, #tpu.memory_space<vmem>>
        tpu.wait_dma2 semaphore(%arg11 : memref<!tpu.dma_semaphore, #tpu.memory_space<semaphore_mem>>) src(%dma_wait3A_471 : memref<7808xf32, #tpu.memory_space<vmem>>) dst(%dma_wait3A_468 : memref<7808xf32, #tpu.memory_space<hbm>>)
        %sub3A_472 = arith.constant 1 : i32
        %sub3A_473 = arith.subi %mul3A_145, %sub3A_472 : i32
        %add3A_474 = arith.constant 1 : i32
        %add3A_475 = arith.addi %mul3A_3, %add3A_474 : i32
        %mul3A_476 = arith.constant 1000064 : i32
        %mul3A_477 = arith.muli %add3A_475, %mul3A_476 : i32
        %add3A_478 = arith.addi %mul3A_477, %mul3A_6 : i32
        %mul3A_479 = arith.constant 7808 : i32
        %mul3A_480 = arith.muli %sub3A_473, %mul3A_479 : i32
        %add3A_481 = arith.addi %add3A_478, %mul3A_480 : i32
        %dma_wait3A_482 = arith.constant 1 : i32
        %dma_wait3A_483 = arith.constant 0 : i32
        %dma_wait3A_484 = tpu.memref_slice %arg6[%dma_wait3A_482, %dma_wait3A_483] : memref<8x7808xf32, #tpu.memory_space<vmem>> -> memref<1x7808xf32, #tpu.memory_space<vmem>>
        %dma_wait3A_485 = tpu.memref_squeeze %dma_wait3A_484 : memref<1x7808xf32, #tpu.memory_space<vmem>> -> memref<7808xf32, #tpu.memory_space<vmem>>
        %dma_wait3A_486 = tpu.memref_slice %arg4[%add3A_481] : memref<32002048xf32, #tpu.memory_space<hbm>> -> memref<7808xf32, #tpu.memory_space<hbm>>
        %dma_wait3A_487 = tpu.memref_slice %arg4[%add3A_481] : memref<32002048xf32, #tpu.memory_space<hbm>> -> memref<7808xf32, #tpu.memory_space<hbm>>
        %dma_wait3A_488 = arith.constant 0 : i32
        %dma_wait3A_489 = tpu.memref_slice %arg6[%dma_wait3A_482, %dma_wait3A_488] : memref<8x7808xf32, #tpu.memory_space<vmem>> -> memref<1x7808xf32, #tpu.memory_space<vmem>>
        %dma_wait3A_490 = tpu.memref_squeeze %dma_wait3A_489 : memref<1x7808xf32, #tpu.memory_space<vmem>> -> memref<7808xf32, #tpu.memory_space<vmem>>
        tpu.wait_dma2 semaphore(%arg11 : memref<!tpu.dma_semaphore, #tpu.memory_space<semaphore_mem>>) src(%dma_wait3A_490 : memref<7808xf32, #tpu.memory_space<vmem>>) dst(%dma_wait3A_487 : memref<7808xf32, #tpu.memory_space<hbm>>)
        %sub3A_491 = arith.constant 1 : i32
        %sub3A_492 = arith.subi %mul3A_145, %sub3A_491 : i32
        %add3A_493 = arith.constant 2 : i32
        %add3A_494 = arith.addi %mul3A_3, %add3A_493 : i32
        %mul3A_495 = arith.constant 1000064 : i32
        %mul3A_496 = arith.muli %add3A_494, %mul3A_495 : i32
        %add3A_497 = arith.addi %mul3A_496, %mul3A_6 : i32
        %mul3A_498 = arith.constant 7808 : i32
        %mul3A_499 = arith.muli %sub3A_492, %mul3A_498 : i32
        %add3A_500 = arith.addi %add3A_497, %mul3A_499 : i32
        %dma_wait3A_501 = arith.constant 2 : i32
        %dma_wait3A_502 = arith.constant 0 : i32
        %dma_wait3A_503 = tpu.memref_slice %arg6[%dma_wait3A_501, %dma_wait3A_502] : memref<8x7808xf32, #tpu.memory_space<vmem>> -> memref<1x7808xf32, #tpu.memory_space<vmem>>
        %dma_wait3A_504 = tpu.memref_squeeze %dma_wait3A_503 : memref<1x7808xf32, #tpu.memory_space<vmem>> -> memref<7808xf32, #tpu.memory_space<vmem>>
        %dma_wait3A_505 = tpu.memref_slice %arg4[%add3A_500] : memref<32002048xf32, #tpu.memory_space<hbm>> -> memref<7808xf32, #tpu.memory_space<hbm>>
        %dma_wait3A_506 = tpu.memref_slice %arg4[%add3A_500] : memref<32002048xf32, #tpu.memory_space<hbm>> -> memref<7808xf32, #tpu.memory_space<hbm>>
        %dma_wait3A_507 = arith.constant 0 : i32
        %dma_wait3A_508 = tpu.memref_slice %arg6[%dma_wait3A_501, %dma_wait3A_507] : memref<8x7808xf32, #tpu.memory_space<vmem>> -> memref<1x7808xf32, #tpu.memory_space<vmem>>
        %dma_wait3A_509 = tpu.memref_squeeze %dma_wait3A_508 : memref<1x7808xf32, #tpu.memory_space<vmem>> -> memref<7808xf32, #tpu.memory_space<vmem>>
        tpu.wait_dma2 semaphore(%arg11 : memref<!tpu.dma_semaphore, #tpu.memory_space<semaphore_mem>>) src(%dma_wait3A_509 : memref<7808xf32, #tpu.memory_space<vmem>>) dst(%dma_wait3A_506 : memref<7808xf32, #tpu.memory_space<hbm>>)
        %sub3A_510 = arith.constant 1 : i32
        %sub3A_511 = arith.subi %mul3A_145, %sub3A_510 : i32
        %add3A_512 = arith.constant 3 : i32
        %add3A_513 = arith.addi %mul3A_3, %add3A_512 : i32
        %mul3A_514 = arith.constant 1000064 : i32
        %mul3A_515 = arith.muli %add3A_513, %mul3A_514 : i32
        %add3A_516 = arith.addi %mul3A_515, %mul3A_6 : i32
        %mul3A_517 = arith.constant 7808 : i32
        %mul3A_518 = arith.muli %sub3A_511, %mul3A_517 : i32
        %add3A_519 = arith.addi %add3A_516, %mul3A_518 : i32
        %dma_wait3A_520 = arith.constant 3 : i32
        %dma_wait3A_521 = arith.constant 0 : i32
        %dma_wait3A_522 = tpu.memref_slice %arg6[%dma_wait3A_520, %dma_wait3A_521] : memref<8x7808xf32, #tpu.memory_space<vmem>> -> memref<1x7808xf32, #tpu.memory_space<vmem>>
        %dma_wait3A_523 = tpu.memref_squeeze %dma_wait3A_522 : memref<1x7808xf32, #tpu.memory_space<vmem>> -> memref<7808xf32, #tpu.memory_space<vmem>>
        %dma_wait3A_524 = tpu.memref_slice %arg4[%add3A_519] : memref<32002048xf32, #tpu.memory_space<hbm>> -> memref<7808xf32, #tpu.memory_space<hbm>>
        %dma_wait3A_525 = tpu.memref_slice %arg4[%add3A_519] : memref<32002048xf32, #tpu.memory_space<hbm>> -> memref<7808xf32, #tpu.memory_space<hbm>>
        %dma_wait3A_526 = arith.constant 0 : i32
        %dma_wait3A_527 = tpu.memref_slice %arg6[%dma_wait3A_520, %dma_wait3A_526] : memref<8x7808xf32, #tpu.memory_space<vmem>> -> memref<1x7808xf32, #tpu.memory_space<vmem>>
        %dma_wait3A_528 = tpu.memref_squeeze %dma_wait3A_527 : memref<1x7808xf32, #tpu.memory_space<vmem>> -> memref<7808xf32, #tpu.memory_space<vmem>>
        tpu.wait_dma2 semaphore(%arg11 : memref<!tpu.dma_semaphore, #tpu.memory_space<semaphore_mem>>) src(%dma_wait3A_528 : memref<7808xf32, #tpu.memory_space<vmem>>) dst(%dma_wait3A_525 : memref<7808xf32, #tpu.memory_space<hbm>>)
        %sub3A_529 = arith.constant 1 : i32
        %sub3A_530 = arith.subi %mul3A_145, %sub3A_529 : i32
        %add3A_531 = arith.constant 4 : i32
        %add3A_532 = arith.addi %mul3A_3, %add3A_531 : i32
        %mul3A_533 = arith.constant 1000064 : i32
        %mul3A_534 = arith.muli %add3A_532, %mul3A_533 : i32
        %add3A_535 = arith.addi %mul3A_534, %mul3A_6 : i32
        %mul3A_536 = arith.constant 7808 : i32
        %mul3A_537 = arith.muli %sub3A_530, %mul3A_536 : i32
        %add3A_538 = arith.addi %add3A_535, %mul3A_537 : i32
        %dma_wait3A_539 = arith.constant 4 : i32
        %dma_wait3A_540 = arith.constant 0 : i32
        %dma_wait3A_541 = tpu.memref_slice %arg6[%dma_wait3A_539, %dma_wait3A_540] : memref<8x7808xf32, #tpu.memory_space<vmem>> -> memref<1x7808xf32, #tpu.memory_space<vmem>>
        %dma_wait3A_542 = tpu.memref_squeeze %dma_wait3A_541 : memref<1x7808xf32, #tpu.memory_space<vmem>> -> memref<7808xf32, #tpu.memory_space<vmem>>
        %dma_wait3A_543 = tpu.memref_slice %arg4[%add3A_538] : memref<32002048xf32, #tpu.memory_space<hbm>> -> memref<7808xf32, #tpu.memory_space<hbm>>
        %dma_wait3A_544 = tpu.memref_slice %arg4[%add3A_538] : memref<32002048xf32, #tpu.memory_space<hbm>> -> memref<7808xf32, #tpu.memory_space<hbm>>
        %dma_wait3A_545 = arith.constant 0 : i32
        %dma_wait3A_546 = tpu.memref_slice %arg6[%dma_wait3A_539, %dma_wait3A_545] : memref<8x7808xf32, #tpu.memory_space<vmem>> -> memref<1x7808xf32, #tpu.memory_space<vmem>>
        %dma_wait3A_547 = tpu.memref_squeeze %dma_wait3A_546 : memref<1x7808xf32, #tpu.memory_space<vmem>> -> memref<7808xf32, #tpu.memory_space<vmem>>
        tpu.wait_dma2 semaphore(%arg11 : memref<!tpu.dma_semaphore, #tpu.memory_space<semaphore_mem>>) src(%dma_wait3A_547 : memref<7808xf32, #tpu.memory_space<vmem>>) dst(%dma_wait3A_544 : memref<7808xf32, #tpu.memory_space<hbm>>)
        %sub3A_548 = arith.constant 1 : i32
        %sub3A_549 = arith.subi %mul3A_145, %sub3A_548 : i32
        %add3A_550 = arith.constant 5 : i32
        %add3A_551 = arith.addi %mul3A_3, %add3A_550 : i32
        %mul3A_552 = arith.constant 1000064 : i32
        %mul3A_553 = arith.muli %add3A_551, %mul3A_552 : i32
        %add3A_554 = arith.addi %mul3A_553, %mul3A_6 : i32
        %mul3A_555 = arith.constant 7808 : i32
        %mul3A_556 = arith.muli %sub3A_549, %mul3A_555 : i32
        %add3A_557 = arith.addi %add3A_554, %mul3A_556 : i32
        %dma_wait3A_558 = arith.constant 5 : i32
        %dma_wait3A_559 = arith.constant 0 : i32
        %dma_wait3A_560 = tpu.memref_slice %arg6[%dma_wait3A_558, %dma_wait3A_559] : memref<8x7808xf32, #tpu.memory_space<vmem>> -> memref<1x7808xf32, #tpu.memory_space<vmem>>
        %dma_wait3A_561 = tpu.memref_squeeze %dma_wait3A_560 : memref<1x7808xf32, #tpu.memory_space<vmem>> -> memref<7808xf32, #tpu.memory_space<vmem>>
        %dma_wait3A_562 = tpu.memref_slice %arg4[%add3A_557] : memref<32002048xf32, #tpu.memory_space<hbm>> -> memref<7808xf32, #tpu.memory_space<hbm>>
        %dma_wait3A_563 = tpu.memref_slice %arg4[%add3A_557] : memref<32002048xf32, #tpu.memory_space<hbm>> -> memref<7808xf32, #tpu.memory_space<hbm>>
        %dma_wait3A_564 = arith.constant 0 : i32
        %dma_wait3A_565 = tpu.memref_slice %arg6[%dma_wait3A_558, %dma_wait3A_564] : memref<8x7808xf32, #tpu.memory_space<vmem>> -> memref<1x7808xf32, #tpu.memory_space<vmem>>
        %dma_wait3A_566 = tpu.memref_squeeze %dma_wait3A_565 : memref<1x7808xf32, #tpu.memory_space<vmem>> -> memref<7808xf32, #tpu.memory_space<vmem>>
        tpu.wait_dma2 semaphore(%arg11 : memref<!tpu.dma_semaphore, #tpu.memory_space<semaphore_mem>>) src(%dma_wait3A_566 : memref<7808xf32, #tpu.memory_space<vmem>>) dst(%dma_wait3A_563 : memref<7808xf32, #tpu.memory_space<hbm>>)
        %sub3A_567 = arith.constant 1 : i32
        %sub3A_568 = arith.subi %mul3A_145, %sub3A_567 : i32
        %add3A_569 = arith.constant 6 : i32
        %add3A_570 = arith.addi %mul3A_3, %add3A_569 : i32
        %mul3A_571 = arith.constant 1000064 : i32
        %mul3A_572 = arith.muli %add3A_570, %mul3A_571 : i32
        %add3A_573 = arith.addi %mul3A_572, %mul3A_6 : i32
        %mul3A_574 = arith.constant 7808 : i32
        %mul3A_575 = arith.muli %sub3A_568, %mul3A_574 : i32
        %add3A_576 = arith.addi %add3A_573, %mul3A_575 : i32
        %dma_wait3A_577 = arith.constant 6 : i32
        %dma_wait3A_578 = arith.constant 0 : i32
        %dma_wait3A_579 = tpu.memref_slice %arg6[%dma_wait3A_577, %dma_wait3A_578] : memref<8x7808xf32, #tpu.memory_space<vmem>> -> memref<1x7808xf32, #tpu.memory_space<vmem>>
        %dma_wait3A_580 = tpu.memref_squeeze %dma_wait3A_579 : memref<1x7808xf32, #tpu.memory_space<vmem>> -> memref<7808xf32, #tpu.memory_space<vmem>>
        %dma_wait3A_581 = tpu.memref_slice %arg4[%add3A_576] : memref<32002048xf32, #tpu.memory_space<hbm>> -> memref<7808xf32, #tpu.memory_space<hbm>>
        %dma_wait3A_582 = tpu.memref_slice %arg4[%add3A_576] : memref<32002048xf32, #tpu.memory_space<hbm>> -> memref<7808xf32, #tpu.memory_space<hbm>>
        %dma_wait3A_583 = arith.constant 0 : i32
        %dma_wait3A_584 = tpu.memref_slice %arg6[%dma_wait3A_577, %dma_wait3A_583] : memref<8x7808xf32, #tpu.memory_space<vmem>> -> memref<1x7808xf32, #tpu.memory_space<vmem>>
        %dma_wait3A_585 = tpu.memref_squeeze %dma_wait3A_584 : memref<1x7808xf32, #tpu.memory_space<vmem>> -> memref<7808xf32, #tpu.memory_space<vmem>>
        tpu.wait_dma2 semaphore(%arg11 : memref<!tpu.dma_semaphore, #tpu.memory_space<semaphore_mem>>) src(%dma_wait3A_585 : memref<7808xf32, #tpu.memory_space<vmem>>) dst(%dma_wait3A_582 : memref<7808xf32, #tpu.memory_space<hbm>>)
        %sub3A_586 = arith.constant 1 : i32
        %sub3A_587 = arith.subi %mul3A_145, %sub3A_586 : i32
        %add3A_588 = arith.constant 7 : i32
        %add3A_589 = arith.addi %mul3A_3, %add3A_588 : i32
        %mul3A_590 = arith.constant 1000064 : i32
        %mul3A_591 = arith.muli %add3A_589, %mul3A_590 : i32
        %add3A_592 = arith.addi %mul3A_591, %mul3A_6 : i32
        %mul3A_593 = arith.constant 7808 : i32
        %mul3A_594 = arith.muli %sub3A_587, %mul3A_593 : i32
        %add3A_595 = arith.addi %add3A_592, %mul3A_594 : i32
        %dma_wait3A_596 = arith.constant 7 : i32
        %dma_wait3A_597 = arith.constant 0 : i32
        %dma_wait3A_598 = tpu.memref_slice %arg6[%dma_wait3A_596, %dma_wait3A_597] : memref<8x7808xf32, #tpu.memory_space<vmem>> -> memref<1x7808xf32, #tpu.memory_space<vmem>>
        %dma_wait3A_599 = tpu.memref_squeeze %dma_wait3A_598 : memref<1x7808xf32, #tpu.memory_space<vmem>> -> memref<7808xf32, #tpu.memory_space<vmem>>
        %dma_wait3A_600 = tpu.memref_slice %arg4[%add3A_595] : memref<32002048xf32, #tpu.memory_space<hbm>> -> memref<7808xf32, #tpu.memory_space<hbm>>
        %dma_wait3A_601 = tpu.memref_slice %arg4[%add3A_595] : memref<32002048xf32, #tpu.memory_space<hbm>> -> memref<7808xf32, #tpu.memory_space<hbm>>
        %dma_wait3A_602 = arith.constant 0 : i32
        %dma_wait3A_603 = tpu.memref_slice %arg6[%dma_wait3A_596, %dma_wait3A_602] : memref<8x7808xf32, #tpu.memory_space<vmem>> -> memref<1x7808xf32, #tpu.memory_space<vmem>>
        %dma_wait3A_604 = tpu.memref_squeeze %dma_wait3A_603 : memref<1x7808xf32, #tpu.memory_space<vmem>> -> memref<7808xf32, #tpu.memory_space<vmem>>
        tpu.wait_dma2 semaphore(%arg11 : memref<!tpu.dma_semaphore, #tpu.memory_space<semaphore_mem>>) src(%dma_wait3A_604 : memref<7808xf32, #tpu.memory_space<vmem>>) dst(%dma_wait3A_601 : memref<7808xf32, #tpu.memory_space<hbm>>)
      } else {
      }
      %add3A_155 = arith.constant 1 : i32
      %add3A_156 = arith.addi %mul3A_145, %add3A_155 : i32
      %lt3A = arith.constant 16 : i32
      %lt3A_157 = arith.cmpi slt, %add3A_156, %lt3A : i32
      %convert_element_type3A_158 = arith.extui %lt3A_157 : i1 to i32
      %cond3A_159 = arith.constant 0 : i32
      %cond3A_160 = arith.cmpi ne, %convert_element_type3A_158, %cond3A_159 : i32
      scf.if %cond3A_160 {
        %add3A_454 = arith.constant 1 : i32
        %add3A_455 = arith.addi %mul3A_145, %add3A_454 : i32
        %mul3A_456 = arith.constant 7808 : i32
        %mul3A_457 = arith.muli %add3A_455, %mul3A_456 : i32
        %add3A_458 = arith.addi %mul3A_6, %mul3A_457 : i32
        %dma_start3A_459 = tpu.memref_slice %arg2[%mul3A_3, %add3A_458] : memref<32x1000000xf32, #tpu.memory_space<hbm>> -> memref<8x7808xf32, #tpu.memory_space<hbm>>
        %dma_start3A_460 = tpu.memref_slice %arg2[%mul3A_3, %add3A_458] : memref<32x1000000xf32, #tpu.memory_space<hbm>> -> memref<8x7808xf32, #tpu.memory_space<hbm>>
        tpu.enqueue_dma source(%dma_start3A_460 : memref<8x7808xf32, #tpu.memory_space<hbm>>) target(%arg6 : memref<8x7808xf32, #tpu.memory_space<vmem>>) target_semaphore(%arg9 : memref<!tpu.dma_semaphore, #tpu.memory_space<semaphore_mem>>)
      } else {
      }
      %add3A_161 = arith.constant 0 : i32
      %add3A_162 = arith.addi %mul3A_3, %add3A_161 : i32
      %mul3A_163 = arith.constant 1000064 : i32
      %mul3A_164 = arith.muli %add3A_162, %mul3A_163 : i32
      %add3A_165 = arith.addi %mul3A_164, %mul3A_6 : i32
      %mul3A_166 = arith.constant 7808 : i32
      %mul3A_167 = arith.muli %mul3A_145, %mul3A_166 : i32
      %add3A_168 = arith.addi %add3A_165, %mul3A_167 : i32
      %dma_start3A_169 = arith.constant 0 : i32
      %dma_start3A_170 = arith.constant 0 : i32
      %dma_start3A_171 = tpu.memref_slice %arg5[%dma_start3A_169, %dma_start3A_170] : memref<8x7808xf32, #tpu.memory_space<vmem>> -> memref<1x7808xf32, #tpu.memory_space<vmem>>
      %dma_start3A_172 = tpu.memref_squeeze %dma_start3A_171 : memref<1x7808xf32, #tpu.memory_space<vmem>> -> memref<7808xf32, #tpu.memory_space<vmem>>
      %dma_start3A_173 = tpu.memref_slice %arg4[%add3A_168] : memref<32002048xf32, #tpu.memory_space<hbm>> -> memref<7808xf32, #tpu.memory_space<hbm>>
      %dma_start3A_174 = tpu.memref_slice %arg4[%add3A_168] : memref<32002048xf32, #tpu.memory_space<hbm>> -> memref<7808xf32, #tpu.memory_space<hbm>>
      %dma_start3A_175 = arith.constant 0 : i32
      %dma_start3A_176 = tpu.memref_slice %arg5[%dma_start3A_169, %dma_start3A_175] : memref<8x7808xf32, #tpu.memory_space<vmem>> -> memref<1x7808xf32, #tpu.memory_space<vmem>>
      %dma_start3A_177 = tpu.memref_squeeze %dma_start3A_176 : memref<1x7808xf32, #tpu.memory_space<vmem>> -> memref<7808xf32, #tpu.memory_space<vmem>>
      tpu.enqueue_dma source(%dma_start3A_177 : memref<7808xf32, #tpu.memory_space<vmem>>) target(%dma_start3A_174 : memref<7808xf32, #tpu.memory_space<hbm>>) target_semaphore(%arg10 : memref<!tpu.dma_semaphore, #tpu.memory_space<semaphore_mem>>)
      %add3A_178 = arith.constant 1 : i32
      %add3A_179 = arith.addi %mul3A_3, %add3A_178 : i32
      %mul3A_180 = arith.constant 1000064 : i32
      %mul3A_181 = arith.muli %add3A_179, %mul3A_180 : i32
      %add3A_182 = arith.addi %mul3A_181, %mul3A_6 : i32
      %mul3A_183 = arith.constant 7808 : i32
      %mul3A_184 = arith.muli %mul3A_145, %mul3A_183 : i32
      %add3A_185 = arith.addi %add3A_182, %mul3A_184 : i32
      %dma_start3A_186 = arith.constant 1 : i32
      %dma_start3A_187 = arith.constant 0 : i32
      %dma_start3A_188 = tpu.memref_slice %arg5[%dma_start3A_186, %dma_start3A_187] : memref<8x7808xf32, #tpu.memory_space<vmem>> -> memref<1x7808xf32, #tpu.memory_space<vmem>>
      %dma_start3A_189 = tpu.memref_squeeze %dma_start3A_188 : memref<1x7808xf32, #tpu.memory_space<vmem>> -> memref<7808xf32, #tpu.memory_space<vmem>>
      %dma_start3A_190 = tpu.memref_slice %arg4[%add3A_185] : memref<32002048xf32, #tpu.memory_space<hbm>> -> memref<7808xf32, #tpu.memory_space<hbm>>
      %dma_start3A_191 = tpu.memref_slice %arg4[%add3A_185] : memref<32002048xf32, #tpu.memory_space<hbm>> -> memref<7808xf32, #tpu.memory_space<hbm>>
      %dma_start3A_192 = arith.constant 0 : i32
      %dma_start3A_193 = tpu.memref_slice %arg5[%dma_start3A_186, %dma_start3A_192] : memref<8x7808xf32, #tpu.memory_space<vmem>> -> memref<1x7808xf32, #tpu.memory_space<vmem>>
      %dma_start3A_194 = tpu.memref_squeeze %dma_start3A_193 : memref<1x7808xf32, #tpu.memory_space<vmem>> -> memref<7808xf32, #tpu.memory_space<vmem>>
      tpu.enqueue_dma source(%dma_start3A_194 : memref<7808xf32, #tpu.memory_space<vmem>>) target(%dma_start3A_191 : memref<7808xf32, #tpu.memory_space<hbm>>) target_semaphore(%arg10 : memref<!tpu.dma_semaphore, #tpu.memory_space<semaphore_mem>>)
      %add3A_195 = arith.constant 2 : i32
      %add3A_196 = arith.addi %mul3A_3, %add3A_195 : i32
      %mul3A_197 = arith.constant 1000064 : i32
      %mul3A_198 = arith.muli %add3A_196, %mul3A_197 : i32
      %add3A_199 = arith.addi %mul3A_198, %mul3A_6 : i32
      %mul3A_200 = arith.constant 7808 : i32
      %mul3A_201 = arith.muli %mul3A_145, %mul3A_200 : i32
      %add3A_202 = arith.addi %add3A_199, %mul3A_201 : i32
      %dma_start3A_203 = arith.constant 2 : i32
      %dma_start3A_204 = arith.constant 0 : i32
      %dma_start3A_205 = tpu.memref_slice %arg5[%dma_start3A_203, %dma_start3A_204] : memref<8x7808xf32, #tpu.memory_space<vmem>> -> memref<1x7808xf32, #tpu.memory_space<vmem>>
      %dma_start3A_206 = tpu.memref_squeeze %dma_start3A_205 : memref<1x7808xf32, #tpu.memory_space<vmem>> -> memref<7808xf32, #tpu.memory_space<vmem>>
      %dma_start3A_207 = tpu.memref_slice %arg4[%add3A_202] : memref<32002048xf32, #tpu.memory_space<hbm>> -> memref<7808xf32, #tpu.memory_space<hbm>>
      %dma_start3A_208 = tpu.memref_slice %arg4[%add3A_202] : memref<32002048xf32, #tpu.memory_space<hbm>> -> memref<7808xf32, #tpu.memory_space<hbm>>
      %dma_start3A_209 = arith.constant 0 : i32
      %dma_start3A_210 = tpu.memref_slice %arg5[%dma_start3A_203, %dma_start3A_209] : memref<8x7808xf32, #tpu.memory_space<vmem>> -> memref<1x7808xf32, #tpu.memory_space<vmem>>
      %dma_start3A_211 = tpu.memref_squeeze %dma_start3A_210 : memref<1x7808xf32, #tpu.memory_space<vmem>> -> memref<7808xf32, #tpu.memory_space<vmem>>
      tpu.enqueue_dma source(%dma_start3A_211 : memref<7808xf32, #tpu.memory_space<vmem>>) target(%dma_start3A_208 : memref<7808xf32, #tpu.memory_space<hbm>>) target_semaphore(%arg10 : memref<!tpu.dma_semaphore, #tpu.memory_space<semaphore_mem>>)
      %add3A_212 = arith.constant 3 : i32
      %add3A_213 = arith.addi %mul3A_3, %add3A_212 : i32
      %mul3A_214 = arith.constant 1000064 : i32
      %mul3A_215 = arith.muli %add3A_213, %mul3A_214 : i32
      %add3A_216 = arith.addi %mul3A_215, %mul3A_6 : i32
      %mul3A_217 = arith.constant 7808 : i32
      %mul3A_218 = arith.muli %mul3A_145, %mul3A_217 : i32
      %add3A_219 = arith.addi %add3A_216, %mul3A_218 : i32
      %dma_start3A_220 = arith.constant 3 : i32
      %dma_start3A_221 = arith.constant 0 : i32
      %dma_start3A_222 = tpu.memref_slice %arg5[%dma_start3A_220, %dma_start3A_221] : memref<8x7808xf32, #tpu.memory_space<vmem>> -> memref<1x7808xf32, #tpu.memory_space<vmem>>
      %dma_start3A_223 = tpu.memref_squeeze %dma_start3A_222 : memref<1x7808xf32, #tpu.memory_space<vmem>> -> memref<7808xf32, #tpu.memory_space<vmem>>
      %dma_start3A_224 = tpu.memref_slice %arg4[%add3A_219] : memref<32002048xf32, #tpu.memory_space<hbm>> -> memref<7808xf32, #tpu.memory_space<hbm>>
      %dma_start3A_225 = tpu.memref_slice %arg4[%add3A_219] : memref<32002048xf32, #tpu.memory_space<hbm>> -> memref<7808xf32, #tpu.memory_space<hbm>>
      %dma_start3A_226 = arith.constant 0 : i32
      %dma_start3A_227 = tpu.memref_slice %arg5[%dma_start3A_220, %dma_start3A_226] : memref<8x7808xf32, #tpu.memory_space<vmem>> -> memref<1x7808xf32, #tpu.memory_space<vmem>>
      %dma_start3A_228 = tpu.memref_squeeze %dma_start3A_227 : memref<1x7808xf32, #tpu.memory_space<vmem>> -> memref<7808xf32, #tpu.memory_space<vmem>>
      tpu.enqueue_dma source(%dma_start3A_228 : memref<7808xf32, #tpu.memory_space<vmem>>) target(%dma_start3A_225 : memref<7808xf32, #tpu.memory_space<hbm>>) target_semaphore(%arg10 : memref<!tpu.dma_semaphore, #tpu.memory_space<semaphore_mem>>)
      %add3A_229 = arith.constant 4 : i32
      %add3A_230 = arith.addi %mul3A_3, %add3A_229 : i32
      %mul3A_231 = arith.constant 1000064 : i32
      %mul3A_232 = arith.muli %add3A_230, %mul3A_231 : i32
      %add3A_233 = arith.addi %mul3A_232, %mul3A_6 : i32
      %mul3A_234 = arith.constant 7808 : i32
      %mul3A_235 = arith.muli %mul3A_145, %mul3A_234 : i32
      %add3A_236 = arith.addi %add3A_233, %mul3A_235 : i32
      %dma_start3A_237 = arith.constant 4 : i32
      %dma_start3A_238 = arith.constant 0 : i32
      %dma_start3A_239 = tpu.memref_slice %arg5[%dma_start3A_237, %dma_start3A_238] : memref<8x7808xf32, #tpu.memory_space<vmem>> -> memref<1x7808xf32, #tpu.memory_space<vmem>>
      %dma_start3A_240 = tpu.memref_squeeze %dma_start3A_239 : memref<1x7808xf32, #tpu.memory_space<vmem>> -> memref<7808xf32, #tpu.memory_space<vmem>>
      %dma_start3A_241 = tpu.memref_slice %arg4[%add3A_236] : memref<32002048xf32, #tpu.memory_space<hbm>> -> memref<7808xf32, #tpu.memory_space<hbm>>
      %dma_start3A_242 = tpu.memref_slice %arg4[%add3A_236] : memref<32002048xf32, #tpu.memory_space<hbm>> -> memref<7808xf32, #tpu.memory_space<hbm>>
      %dma_start3A_243 = arith.constant 0 : i32
      %dma_start3A_244 = tpu.memref_slice %arg5[%dma_start3A_237, %dma_start3A_243] : memref<8x7808xf32, #tpu.memory_space<vmem>> -> memref<1x7808xf32, #tpu.memory_space<vmem>>
      %dma_start3A_245 = tpu.memref_squeeze %dma_start3A_244 : memref<1x7808xf32, #tpu.memory_space<vmem>> -> memref<7808xf32, #tpu.memory_space<vmem>>
      tpu.enqueue_dma source(%dma_start3A_245 : memref<7808xf32, #tpu.memory_space<vmem>>) target(%dma_start3A_242 : memref<7808xf32, #tpu.memory_space<hbm>>) target_semaphore(%arg10 : memref<!tpu.dma_semaphore, #tpu.memory_space<semaphore_mem>>)
      %add3A_246 = arith.constant 5 : i32
      %add3A_247 = arith.addi %mul3A_3, %add3A_246 : i32
      %mul3A_248 = arith.constant 1000064 : i32
      %mul3A_249 = arith.muli %add3A_247, %mul3A_248 : i32
      %add3A_250 = arith.addi %mul3A_249, %mul3A_6 : i32
      %mul3A_251 = arith.constant 7808 : i32
      %mul3A_252 = arith.muli %mul3A_145, %mul3A_251 : i32
      %add3A_253 = arith.addi %add3A_250, %mul3A_252 : i32
      %dma_start3A_254 = arith.constant 5 : i32
      %dma_start3A_255 = arith.constant 0 : i32
      %dma_start3A_256 = tpu.memref_slice %arg5[%dma_start3A_254, %dma_start3A_255] : memref<8x7808xf32, #tpu.memory_space<vmem>> -> memref<1x7808xf32, #tpu.memory_space<vmem>>
      %dma_start3A_257 = tpu.memref_squeeze %dma_start3A_256 : memref<1x7808xf32, #tpu.memory_space<vmem>> -> memref<7808xf32, #tpu.memory_space<vmem>>
      %dma_start3A_258 = tpu.memref_slice %arg4[%add3A_253] : memref<32002048xf32, #tpu.memory_space<hbm>> -> memref<7808xf32, #tpu.memory_space<hbm>>
      %dma_start3A_259 = tpu.memref_slice %arg4[%add3A_253] : memref<32002048xf32, #tpu.memory_space<hbm>> -> memref<7808xf32, #tpu.memory_space<hbm>>
      %dma_start3A_260 = arith.constant 0 : i32
      %dma_start3A_261 = tpu.memref_slice %arg5[%dma_start3A_254, %dma_start3A_260] : memref<8x7808xf32, #tpu.memory_space<vmem>> -> memref<1x7808xf32, #tpu.memory_space<vmem>>
      %dma_start3A_262 = tpu.memref_squeeze %dma_start3A_261 : memref<1x7808xf32, #tpu.memory_space<vmem>> -> memref<7808xf32, #tpu.memory_space<vmem>>
      tpu.enqueue_dma source(%dma_start3A_262 : memref<7808xf32, #tpu.memory_space<vmem>>) target(%dma_start3A_259 : memref<7808xf32, #tpu.memory_space<hbm>>) target_semaphore(%arg10 : memref<!tpu.dma_semaphore, #tpu.memory_space<semaphore_mem>>)
      %add3A_263 = arith.constant 6 : i32
      %add3A_264 = arith.addi %mul3A_3, %add3A_263 : i32
      %mul3A_265 = arith.constant 1000064 : i32
      %mul3A_266 = arith.muli %add3A_264, %mul3A_265 : i32
      %add3A_267 = arith.addi %mul3A_266, %mul3A_6 : i32
      %mul3A_268 = arith.constant 7808 : i32
      %mul3A_269 = arith.muli %mul3A_145, %mul3A_268 : i32
      %add3A_270 = arith.addi %add3A_267, %mul3A_269 : i32
      %dma_start3A_271 = arith.constant 6 : i32
      %dma_start3A_272 = arith.constant 0 : i32
      %dma_start3A_273 = tpu.memref_slice %arg5[%dma_start3A_271, %dma_start3A_272] : memref<8x7808xf32, #tpu.memory_space<vmem>> -> memref<1x7808xf32, #tpu.memory_space<vmem>>
      %dma_start3A_274 = tpu.memref_squeeze %dma_start3A_273 : memref<1x7808xf32, #tpu.memory_space<vmem>> -> memref<7808xf32, #tpu.memory_space<vmem>>
      %dma_start3A_275 = tpu.memref_slice %arg4[%add3A_270] : memref<32002048xf32, #tpu.memory_space<hbm>> -> memref<7808xf32, #tpu.memory_space<hbm>>
      %dma_start3A_276 = tpu.memref_slice %arg4[%add3A_270] : memref<32002048xf32, #tpu.memory_space<hbm>> -> memref<7808xf32, #tpu.memory_space<hbm>>
      %dma_start3A_277 = arith.constant 0 : i32
      %dma_start3A_278 = tpu.memref_slice %arg5[%dma_start3A_271, %dma_start3A_277] : memref<8x7808xf32, #tpu.memory_space<vmem>> -> memref<1x7808xf32, #tpu.memory_space<vmem>>
      %dma_start3A_279 = tpu.memref_squeeze %dma_start3A_278 : memref<1x7808xf32, #tpu.memory_space<vmem>> -> memref<7808xf32, #tpu.memory_space<vmem>>
      tpu.enqueue_dma source(%dma_start3A_279 : memref<7808xf32, #tpu.memory_space<vmem>>) target(%dma_start3A_276 : memref<7808xf32, #tpu.memory_space<hbm>>) target_semaphore(%arg10 : memref<!tpu.dma_semaphore, #tpu.memory_space<semaphore_mem>>)
      %add3A_280 = arith.constant 7 : i32
      %add3A_281 = arith.addi %mul3A_3, %add3A_280 : i32
      %mul3A_282 = arith.constant 1000064 : i32
      %mul3A_283 = arith.muli %add3A_281, %mul3A_282 : i32
      %add3A_284 = arith.addi %mul3A_283, %mul3A_6 : i32
      %mul3A_285 = arith.constant 7808 : i32
      %mul3A_286 = arith.muli %mul3A_145, %mul3A_285 : i32
      %add3A_287 = arith.addi %add3A_284, %mul3A_286 : i32
      %dma_start3A_288 = arith.constant 7 : i32
      %dma_start3A_289 = arith.constant 0 : i32
      %dma_start3A_290 = tpu.memref_slice %arg5[%dma_start3A_288, %dma_start3A_289] : memref<8x7808xf32, #tpu.memory_space<vmem>> -> memref<1x7808xf32, #tpu.memory_space<vmem>>
      %dma_start3A_291 = tpu.memref_squeeze %dma_start3A_290 : memref<1x7808xf32, #tpu.memory_space<vmem>> -> memref<7808xf32, #tpu.memory_space<vmem>>
      %dma_start3A_292 = tpu.memref_slice %arg4[%add3A_287] : memref<32002048xf32, #tpu.memory_space<hbm>> -> memref<7808xf32, #tpu.memory_space<hbm>>
      %dma_start3A_293 = tpu.memref_slice %arg4[%add3A_287] : memref<32002048xf32, #tpu.memory_space<hbm>> -> memref<7808xf32, #tpu.memory_space<hbm>>
      %dma_start3A_294 = arith.constant 0 : i32
      %dma_start3A_295 = tpu.memref_slice %arg5[%dma_start3A_288, %dma_start3A_294] : memref<8x7808xf32, #tpu.memory_space<vmem>> -> memref<1x7808xf32, #tpu.memory_space<vmem>>
      %dma_start3A_296 = tpu.memref_squeeze %dma_start3A_295 : memref<1x7808xf32, #tpu.memory_space<vmem>> -> memref<7808xf32, #tpu.memory_space<vmem>>
      tpu.enqueue_dma source(%dma_start3A_296 : memref<7808xf32, #tpu.memory_space<vmem>>) target(%dma_start3A_293 : memref<7808xf32, #tpu.memory_space<hbm>>) target_semaphore(%arg10 : memref<!tpu.dma_semaphore, #tpu.memory_space<semaphore_mem>>)
      %mul3A_297 = arith.constant 2 : i32
      %mul3A_298 = arith.muli %mul3A_297, %scan3A_143 : i32
      %add3A_299 = arith.constant 1 : i32
      %add3A_300 = arith.addi %mul3A_298, %add3A_299 : i32
      %mul3A_301 = arith.constant 7808 : i32
      %mul3A_302 = arith.muli %add3A_300, %mul3A_301 : i32
      %add3A_303 = arith.addi %mul3A_6, %mul3A_302 : i32
      %dma_wait3A_304 = tpu.memref_slice %arg2[%mul3A_3, %add3A_303] : memref<32x1000000xf32, #tpu.memory_space<hbm>> -> memref<8x7808xf32, #tpu.memory_space<hbm>>
      %dma_wait3A_305 = tpu.memref_slice %arg2[%mul3A_3, %add3A_303] : memref<32x1000000xf32, #tpu.memory_space<hbm>> -> memref<8x7808xf32, #tpu.memory_space<hbm>>
      tpu.wait_dma2 semaphore(%arg9 : memref<!tpu.dma_semaphore, #tpu.memory_space<semaphore_mem>>) src(%dma_wait3A_305 : memref<8x7808xf32, #tpu.memory_space<hbm>>) dst(%arg6 : memref<8x7808xf32, #tpu.memory_space<vmem>>)
      %ge3A_306 = arith.constant 1 : i32
      %ge3A_307 = arith.cmpi sge, %add3A_300, %ge3A_306 : i32
      %convert_element_type3A_308 = arith.extui %ge3A_307 : i1 to i32
      %cond3A_309 = arith.constant 0 : i32
      %cond3A_310 = arith.cmpi ne, %convert_element_type3A_308, %cond3A_309 : i32
      scf.if %cond3A_310 {
        %sub3A = arith.constant 1 : i32
        %sub3A_454 = arith.subi %add3A_300, %sub3A : i32
        %add3A_455 = arith.constant 0 : i32
        %add3A_456 = arith.addi %mul3A_3, %add3A_455 : i32
        %mul3A_457 = arith.constant 1000064 : i32
        %mul3A_458 = arith.muli %add3A_456, %mul3A_457 : i32
        %add3A_459 = arith.addi %mul3A_458, %mul3A_6 : i32
        %mul3A_460 = arith.constant 7808 : i32
        %mul3A_461 = arith.muli %sub3A_454, %mul3A_460 : i32
        %add3A_462 = arith.addi %add3A_459, %mul3A_461 : i32
        %dma_wait3A_463 = arith.constant 0 : i32
        %dma_wait3A_464 = arith.constant 0 : i32
        %dma_wait3A_465 = tpu.memref_slice %arg5[%dma_wait3A_463, %dma_wait3A_464] : memref<8x7808xf32, #tpu.memory_space<vmem>> -> memref<1x7808xf32, #tpu.memory_space<vmem>>
        %dma_wait3A_466 = tpu.memref_squeeze %dma_wait3A_465 : memref<1x7808xf32, #tpu.memory_space<vmem>> -> memref<7808xf32, #tpu.memory_space<vmem>>
        %dma_wait3A_467 = tpu.memref_slice %arg4[%add3A_462] : memref<32002048xf32, #tpu.memory_space<hbm>> -> memref<7808xf32, #tpu.memory_space<hbm>>
        %dma_wait3A_468 = tpu.memref_slice %arg4[%add3A_462] : memref<32002048xf32, #tpu.memory_space<hbm>> -> memref<7808xf32, #tpu.memory_space<hbm>>
        %dma_wait3A_469 = arith.constant 0 : i32
        %dma_wait3A_470 = tpu.memref_slice %arg5[%dma_wait3A_463, %dma_wait3A_469] : memref<8x7808xf32, #tpu.memory_space<vmem>> -> memref<1x7808xf32, #tpu.memory_space<vmem>>
        %dma_wait3A_471 = tpu.memref_squeeze %dma_wait3A_470 : memref<1x7808xf32, #tpu.memory_space<vmem>> -> memref<7808xf32, #tpu.memory_space<vmem>>
        tpu.wait_dma2 semaphore(%arg10 : memref<!tpu.dma_semaphore, #tpu.memory_space<semaphore_mem>>) src(%dma_wait3A_471 : memref<7808xf32, #tpu.memory_space<vmem>>) dst(%dma_wait3A_468 : memref<7808xf32, #tpu.memory_space<hbm>>)
        %sub3A_472 = arith.constant 1 : i32
        %sub3A_473 = arith.subi %add3A_300, %sub3A_472 : i32
        %add3A_474 = arith.constant 1 : i32
        %add3A_475 = arith.addi %mul3A_3, %add3A_474 : i32
        %mul3A_476 = arith.constant 1000064 : i32
        %mul3A_477 = arith.muli %add3A_475, %mul3A_476 : i32
        %add3A_478 = arith.addi %mul3A_477, %mul3A_6 : i32
        %mul3A_479 = arith.constant 7808 : i32
        %mul3A_480 = arith.muli %sub3A_473, %mul3A_479 : i32
        %add3A_481 = arith.addi %add3A_478, %mul3A_480 : i32
        %dma_wait3A_482 = arith.constant 1 : i32
        %dma_wait3A_483 = arith.constant 0 : i32
        %dma_wait3A_484 = tpu.memref_slice %arg5[%dma_wait3A_482, %dma_wait3A_483] : memref<8x7808xf32, #tpu.memory_space<vmem>> -> memref<1x7808xf32, #tpu.memory_space<vmem>>
        %dma_wait3A_485 = tpu.memref_squeeze %dma_wait3A_484 : memref<1x7808xf32, #tpu.memory_space<vmem>> -> memref<7808xf32, #tpu.memory_space<vmem>>
        %dma_wait3A_486 = tpu.memref_slice %arg4[%add3A_481] : memref<32002048xf32, #tpu.memory_space<hbm>> -> memref<7808xf32, #tpu.memory_space<hbm>>
        %dma_wait3A_487 = tpu.memref_slice %arg4[%add3A_481] : memref<32002048xf32, #tpu.memory_space<hbm>> -> memref<7808xf32, #tpu.memory_space<hbm>>
        %dma_wait3A_488 = arith.constant 0 : i32
        %dma_wait3A_489 = tpu.memref_slice %arg5[%dma_wait3A_482, %dma_wait3A_488] : memref<8x7808xf32, #tpu.memory_space<vmem>> -> memref<1x7808xf32, #tpu.memory_space<vmem>>
        %dma_wait3A_490 = tpu.memref_squeeze %dma_wait3A_489 : memref<1x7808xf32, #tpu.memory_space<vmem>> -> memref<7808xf32, #tpu.memory_space<vmem>>
        tpu.wait_dma2 semaphore(%arg10 : memref<!tpu.dma_semaphore, #tpu.memory_space<semaphore_mem>>) src(%dma_wait3A_490 : memref<7808xf32, #tpu.memory_space<vmem>>) dst(%dma_wait3A_487 : memref<7808xf32, #tpu.memory_space<hbm>>)
        %sub3A_491 = arith.constant 1 : i32
        %sub3A_492 = arith.subi %add3A_300, %sub3A_491 : i32
        %add3A_493 = arith.constant 2 : i32
        %add3A_494 = arith.addi %mul3A_3, %add3A_493 : i32
        %mul3A_495 = arith.constant 1000064 : i32
        %mul3A_496 = arith.muli %add3A_494, %mul3A_495 : i32
        %add3A_497 = arith.addi %mul3A_496, %mul3A_6 : i32
        %mul3A_498 = arith.constant 7808 : i32
        %mul3A_499 = arith.muli %sub3A_492, %mul3A_498 : i32
        %add3A_500 = arith.addi %add3A_497, %mul3A_499 : i32
        %dma_wait3A_501 = arith.constant 2 : i32
        %dma_wait3A_502 = arith.constant 0 : i32
        %dma_wait3A_503 = tpu.memref_slice %arg5[%dma_wait3A_501, %dma_wait3A_502] : memref<8x7808xf32, #tpu.memory_space<vmem>> -> memref<1x7808xf32, #tpu.memory_space<vmem>>
        %dma_wait3A_504 = tpu.memref_squeeze %dma_wait3A_503 : memref<1x7808xf32, #tpu.memory_space<vmem>> -> memref<7808xf32, #tpu.memory_space<vmem>>
        %dma_wait3A_505 = tpu.memref_slice %arg4[%add3A_500] : memref<32002048xf32, #tpu.memory_space<hbm>> -> memref<7808xf32, #tpu.memory_space<hbm>>
        %dma_wait3A_506 = tpu.memref_slice %arg4[%add3A_500] : memref<32002048xf32, #tpu.memory_space<hbm>> -> memref<7808xf32, #tpu.memory_space<hbm>>
        %dma_wait3A_507 = arith.constant 0 : i32
        %dma_wait3A_508 = tpu.memref_slice %arg5[%dma_wait3A_501, %dma_wait3A_507] : memref<8x7808xf32, #tpu.memory_space<vmem>> -> memref<1x7808xf32, #tpu.memory_space<vmem>>
        %dma_wait3A_509 = tpu.memref_squeeze %dma_wait3A_508 : memref<1x7808xf32, #tpu.memory_space<vmem>> -> memref<7808xf32, #tpu.memory_space<vmem>>
        tpu.wait_dma2 semaphore(%arg10 : memref<!tpu.dma_semaphore, #tpu.memory_space<semaphore_mem>>) src(%dma_wait3A_509 : memref<7808xf32, #tpu.memory_space<vmem>>) dst(%dma_wait3A_506 : memref<7808xf32, #tpu.memory_space<hbm>>)
        %sub3A_510 = arith.constant 1 : i32
        %sub3A_511 = arith.subi %add3A_300, %sub3A_510 : i32
        %add3A_512 = arith.constant 3 : i32
        %add3A_513 = arith.addi %mul3A_3, %add3A_512 : i32
        %mul3A_514 = arith.constant 1000064 : i32
        %mul3A_515 = arith.muli %add3A_513, %mul3A_514 : i32
        %add3A_516 = arith.addi %mul3A_515, %mul3A_6 : i32
        %mul3A_517 = arith.constant 7808 : i32
        %mul3A_518 = arith.muli %sub3A_511, %mul3A_517 : i32
        %add3A_519 = arith.addi %add3A_516, %mul3A_518 : i32
        %dma_wait3A_520 = arith.constant 3 : i32
        %dma_wait3A_521 = arith.constant 0 : i32
        %dma_wait3A_522 = tpu.memref_slice %arg5[%dma_wait3A_520, %dma_wait3A_521] : memref<8x7808xf32, #tpu.memory_space<vmem>> -> memref<1x7808xf32, #tpu.memory_space<vmem>>
        %dma_wait3A_523 = tpu.memref_squeeze %dma_wait3A_522 : memref<1x7808xf32, #tpu.memory_space<vmem>> -> memref<7808xf32, #tpu.memory_space<vmem>>
        %dma_wait3A_524 = tpu.memref_slice %arg4[%add3A_519] : memref<32002048xf32, #tpu.memory_space<hbm>> -> memref<7808xf32, #tpu.memory_space<hbm>>
        %dma_wait3A_525 = tpu.memref_slice %arg4[%add3A_519] : memref<32002048xf32, #tpu.memory_space<hbm>> -> memref<7808xf32, #tpu.memory_space<hbm>>
        %dma_wait3A_526 = arith.constant 0 : i32
        %dma_wait3A_527 = tpu.memref_slice %arg5[%dma_wait3A_520, %dma_wait3A_526] : memref<8x7808xf32, #tpu.memory_space<vmem>> -> memref<1x7808xf32, #tpu.memory_space<vmem>>
        %dma_wait3A_528 = tpu.memref_squeeze %dma_wait3A_527 : memref<1x7808xf32, #tpu.memory_space<vmem>> -> memref<7808xf32, #tpu.memory_space<vmem>>
        tpu.wait_dma2 semaphore(%arg10 : memref<!tpu.dma_semaphore, #tpu.memory_space<semaphore_mem>>) src(%dma_wait3A_528 : memref<7808xf32, #tpu.memory_space<vmem>>) dst(%dma_wait3A_525 : memref<7808xf32, #tpu.memory_space<hbm>>)
        %sub3A_529 = arith.constant 1 : i32
        %sub3A_530 = arith.subi %add3A_300, %sub3A_529 : i32
        %add3A_531 = arith.constant 4 : i32
        %add3A_532 = arith.addi %mul3A_3, %add3A_531 : i32
        %mul3A_533 = arith.constant 1000064 : i32
        %mul3A_534 = arith.muli %add3A_532, %mul3A_533 : i32
        %add3A_535 = arith.addi %mul3A_534, %mul3A_6 : i32
        %mul3A_536 = arith.constant 7808 : i32
        %mul3A_537 = arith.muli %sub3A_530, %mul3A_536 : i32
        %add3A_538 = arith.addi %add3A_535, %mul3A_537 : i32
        %dma_wait3A_539 = arith.constant 4 : i32
        %dma_wait3A_540 = arith.constant 0 : i32
        %dma_wait3A_541 = tpu.memref_slice %arg5[%dma_wait3A_539, %dma_wait3A_540] : memref<8x7808xf32, #tpu.memory_space<vmem>> -> memref<1x7808xf32, #tpu.memory_space<vmem>>
        %dma_wait3A_542 = tpu.memref_squeeze %dma_wait3A_541 : memref<1x7808xf32, #tpu.memory_space<vmem>> -> memref<7808xf32, #tpu.memory_space<vmem>>
        %dma_wait3A_543 = tpu.memref_slice %arg4[%add3A_538] : memref<32002048xf32, #tpu.memory_space<hbm>> -> memref<7808xf32, #tpu.memory_space<hbm>>
        %dma_wait3A_544 = tpu.memref_slice %arg4[%add3A_538] : memref<32002048xf32, #tpu.memory_space<hbm>> -> memref<7808xf32, #tpu.memory_space<hbm>>
        %dma_wait3A_545 = arith.constant 0 : i32
        %dma_wait3A_546 = tpu.memref_slice %arg5[%dma_wait3A_539, %dma_wait3A_545] : memref<8x7808xf32, #tpu.memory_space<vmem>> -> memref<1x7808xf32, #tpu.memory_space<vmem>>
        %dma_wait3A_547 = tpu.memref_squeeze %dma_wait3A_546 : memref<1x7808xf32, #tpu.memory_space<vmem>> -> memref<7808xf32, #tpu.memory_space<vmem>>
        tpu.wait_dma2 semaphore(%arg10 : memref<!tpu.dma_semaphore, #tpu.memory_space<semaphore_mem>>) src(%dma_wait3A_547 : memref<7808xf32, #tpu.memory_space<vmem>>) dst(%dma_wait3A_544 : memref<7808xf32, #tpu.memory_space<hbm>>)
        %sub3A_548 = arith.constant 1 : i32
        %sub3A_549 = arith.subi %add3A_300, %sub3A_548 : i32
        %add3A_550 = arith.constant 5 : i32
        %add3A_551 = arith.addi %mul3A_3, %add3A_550 : i32
        %mul3A_552 = arith.constant 1000064 : i32
        %mul3A_553 = arith.muli %add3A_551, %mul3A_552 : i32
        %add3A_554 = arith.addi %mul3A_553, %mul3A_6 : i32
        %mul3A_555 = arith.constant 7808 : i32
        %mul3A_556 = arith.muli %sub3A_549, %mul3A_555 : i32
        %add3A_557 = arith.addi %add3A_554, %mul3A_556 : i32
        %dma_wait3A_558 = arith.constant 5 : i32
        %dma_wait3A_559 = arith.constant 0 : i32
        %dma_wait3A_560 = tpu.memref_slice %arg5[%dma_wait3A_558, %dma_wait3A_559] : memref<8x7808xf32, #tpu.memory_space<vmem>> -> memref<1x7808xf32, #tpu.memory_space<vmem>>
        %dma_wait3A_561 = tpu.memref_squeeze %dma_wait3A_560 : memref<1x7808xf32, #tpu.memory_space<vmem>> -> memref<7808xf32, #tpu.memory_space<vmem>>
        %dma_wait3A_562 = tpu.memref_slice %arg4[%add3A_557] : memref<32002048xf32, #tpu.memory_space<hbm>> -> memref<7808xf32, #tpu.memory_space<hbm>>
        %dma_wait3A_563 = tpu.memref_slice %arg4[%add3A_557] : memref<32002048xf32, #tpu.memory_space<hbm>> -> memref<7808xf32, #tpu.memory_space<hbm>>
        %dma_wait3A_564 = arith.constant 0 : i32
        %dma_wait3A_565 = tpu.memref_slice %arg5[%dma_wait3A_558, %dma_wait3A_564] : memref<8x7808xf32, #tpu.memory_space<vmem>> -> memref<1x7808xf32, #tpu.memory_space<vmem>>
        %dma_wait3A_566 = tpu.memref_squeeze %dma_wait3A_565 : memref<1x7808xf32, #tpu.memory_space<vmem>> -> memref<7808xf32, #tpu.memory_space<vmem>>
        tpu.wait_dma2 semaphore(%arg10 : memref<!tpu.dma_semaphore, #tpu.memory_space<semaphore_mem>>) src(%dma_wait3A_566 : memref<7808xf32, #tpu.memory_space<vmem>>) dst(%dma_wait3A_563 : memref<7808xf32, #tpu.memory_space<hbm>>)
        %sub3A_567 = arith.constant 1 : i32
        %sub3A_568 = arith.subi %add3A_300, %sub3A_567 : i32
        %add3A_569 = arith.constant 6 : i32
        %add3A_570 = arith.addi %mul3A_3, %add3A_569 : i32
        %mul3A_571 = arith.constant 1000064 : i32
        %mul3A_572 = arith.muli %add3A_570, %mul3A_571 : i32
        %add3A_573 = arith.addi %mul3A_572, %mul3A_6 : i32
        %mul3A_574 = arith.constant 7808 : i32
        %mul3A_575 = arith.muli %sub3A_568, %mul3A_574 : i32
        %add3A_576 = arith.addi %add3A_573, %mul3A_575 : i32
        %dma_wait3A_577 = arith.constant 6 : i32
        %dma_wait3A_578 = arith.constant 0 : i32
        %dma_wait3A_579 = tpu.memref_slice %arg5[%dma_wait3A_577, %dma_wait3A_578] : memref<8x7808xf32, #tpu.memory_space<vmem>> -> memref<1x7808xf32, #tpu.memory_space<vmem>>
        %dma_wait3A_580 = tpu.memref_squeeze %dma_wait3A_579 : memref<1x7808xf32, #tpu.memory_space<vmem>> -> memref<7808xf32, #tpu.memory_space<vmem>>
        %dma_wait3A_581 = tpu.memref_slice %arg4[%add3A_576] : memref<32002048xf32, #tpu.memory_space<hbm>> -> memref<7808xf32, #tpu.memory_space<hbm>>
        %dma_wait3A_582 = tpu.memref_slice %arg4[%add3A_576] : memref<32002048xf32, #tpu.memory_space<hbm>> -> memref<7808xf32, #tpu.memory_space<hbm>>
        %dma_wait3A_583 = arith.constant 0 : i32
        %dma_wait3A_584 = tpu.memref_slice %arg5[%dma_wait3A_577, %dma_wait3A_583] : memref<8x7808xf32, #tpu.memory_space<vmem>> -> memref<1x7808xf32, #tpu.memory_space<vmem>>
        %dma_wait3A_585 = tpu.memref_squeeze %dma_wait3A_584 : memref<1x7808xf32, #tpu.memory_space<vmem>> -> memref<7808xf32, #tpu.memory_space<vmem>>
        tpu.wait_dma2 semaphore(%arg10 : memref<!tpu.dma_semaphore, #tpu.memory_space<semaphore_mem>>) src(%dma_wait3A_585 : memref<7808xf32, #tpu.memory_space<vmem>>) dst(%dma_wait3A_582 : memref<7808xf32, #tpu.memory_space<hbm>>)
        %sub3A_586 = arith.constant 1 : i32
        %sub3A_587 = arith.subi %add3A_300, %sub3A_586 : i32
        %add3A_588 = arith.constant 7 : i32
        %add3A_589 = arith.addi %mul3A_3, %add3A_588 : i32
        %mul3A_590 = arith.constant 1000064 : i32
        %mul3A_591 = arith.muli %add3A_589, %mul3A_590 : i32
        %add3A_592 = arith.addi %mul3A_591, %mul3A_6 : i32
        %mul3A_593 = arith.constant 7808 : i32
        %mul3A_594 = arith.muli %sub3A_587, %mul3A_593 : i32
        %add3A_595 = arith.addi %add3A_592, %mul3A_594 : i32
        %dma_wait3A_596 = arith.constant 7 : i32
        %dma_wait3A_597 = arith.constant 0 : i32
        %dma_wait3A_598 = tpu.memref_slice %arg5[%dma_wait3A_596, %dma_wait3A_597] : memref<8x7808xf32, #tpu.memory_space<vmem>> -> memref<1x7808xf32, #tpu.memory_space<vmem>>
        %dma_wait3A_599 = tpu.memref_squeeze %dma_wait3A_598 : memref<1x7808xf32, #tpu.memory_space<vmem>> -> memref<7808xf32, #tpu.memory_space<vmem>>
        %dma_wait3A_600 = tpu.memref_slice %arg4[%add3A_595] : memref<32002048xf32, #tpu.memory_space<hbm>> -> memref<7808xf32, #tpu.memory_space<hbm>>
        %dma_wait3A_601 = tpu.memref_slice %arg4[%add3A_595] : memref<32002048xf32, #tpu.memory_space<hbm>> -> memref<7808xf32, #tpu.memory_space<hbm>>
        %dma_wait3A_602 = arith.constant 0 : i32
        %dma_wait3A_603 = tpu.memref_slice %arg5[%dma_wait3A_596, %dma_wait3A_602] : memref<8x7808xf32, #tpu.memory_space<vmem>> -> memref<1x7808xf32, #tpu.memory_space<vmem>>
        %dma_wait3A_604 = tpu.memref_squeeze %dma_wait3A_603 : memref<1x7808xf32, #tpu.memory_space<vmem>> -> memref<7808xf32, #tpu.memory_space<vmem>>
        tpu.wait_dma2 semaphore(%arg10 : memref<!tpu.dma_semaphore, #tpu.memory_space<semaphore_mem>>) src(%dma_wait3A_604 : memref<7808xf32, #tpu.memory_space<vmem>>) dst(%dma_wait3A_601 : memref<7808xf32, #tpu.memory_space<hbm>>)
      } else {
      }
      %add3A_311 = arith.constant 1 : i32
      %add3A_312 = arith.addi %add3A_300, %add3A_311 : i32
      %lt3A_313 = arith.constant 16 : i32
      %lt3A_314 = arith.cmpi slt, %add3A_312, %lt3A_313 : i32
      %convert_element_type3A_315 = arith.extui %lt3A_314 : i1 to i32
      %cond3A_316 = arith.constant 0 : i32
      %cond3A_317 = arith.cmpi ne, %convert_element_type3A_315, %cond3A_316 : i32
      scf.if %cond3A_317 {
        %add3A_454 = arith.constant 1 : i32
        %add3A_455 = arith.addi %add3A_300, %add3A_454 : i32
        %mul3A_456 = arith.constant 7808 : i32
        %mul3A_457 = arith.muli %add3A_455, %mul3A_456 : i32
        %add3A_458 = arith.addi %mul3A_6, %mul3A_457 : i32
        %dma_start3A_459 = tpu.memref_slice %arg2[%mul3A_3, %add3A_458] : memref<32x1000000xf32, #tpu.memory_space<hbm>> -> memref<8x7808xf32, #tpu.memory_space<hbm>>
        %dma_start3A_460 = tpu.memref_slice %arg2[%mul3A_3, %add3A_458] : memref<32x1000000xf32, #tpu.memory_space<hbm>> -> memref<8x7808xf32, #tpu.memory_space<hbm>>
        tpu.enqueue_dma source(%dma_start3A_460 : memref<8x7808xf32, #tpu.memory_space<hbm>>) target(%arg5 : memref<8x7808xf32, #tpu.memory_space<vmem>>) target_semaphore(%arg8 : memref<!tpu.dma_semaphore, #tpu.memory_space<semaphore_mem>>)
      } else {
      }
      %add3A_318 = arith.constant 0 : i32
      %add3A_319 = arith.addi %mul3A_3, %add3A_318 : i32
      %mul3A_320 = arith.constant 1000064 : i32
      %mul3A_321 = arith.muli %add3A_319, %mul3A_320 : i32
      %add3A_322 = arith.addi %mul3A_321, %mul3A_6 : i32
      %mul3A_323 = arith.constant 7808 : i32
      %mul3A_324 = arith.muli %add3A_300, %mul3A_323 : i32
      %add3A_325 = arith.addi %add3A_322, %mul3A_324 : i32
      %dma_start3A_326 = arith.constant 0 : i32
      %dma_start3A_327 = arith.constant 0 : i32
      %dma_start3A_328 = tpu.memref_slice %arg6[%dma_start3A_326, %dma_start3A_327] : memref<8x7808xf32, #tpu.memory_space<vmem>> -> memref<1x7808xf32, #tpu.memory_space<vmem>>
      %dma_start3A_329 = tpu.memref_squeeze %dma_start3A_328 : memref<1x7808xf32, #tpu.memory_space<vmem>> -> memref<7808xf32, #tpu.memory_space<vmem>>
      %dma_start3A_330 = tpu.memref_slice %arg4[%add3A_325] : memref<32002048xf32, #tpu.memory_space<hbm>> -> memref<7808xf32, #tpu.memory_space<hbm>>
      %dma_start3A_331 = tpu.memref_slice %arg4[%add3A_325] : memref<32002048xf32, #tpu.memory_space<hbm>> -> memref<7808xf32, #tpu.memory_space<hbm>>
      %dma_start3A_332 = arith.constant 0 : i32
      %dma_start3A_333 = tpu.memref_slice %arg6[%dma_start3A_326, %dma_start3A_332] : memref<8x7808xf32, #tpu.memory_space<vmem>> -> memref<1x7808xf32, #tpu.memory_space<vmem>>
      %dma_start3A_334 = tpu.memref_squeeze %dma_start3A_333 : memref<1x7808xf32, #tpu.memory_space<vmem>> -> memref<7808xf32, #tpu.memory_space<vmem>>
      tpu.enqueue_dma source(%dma_start3A_334 : memref<7808xf32, #tpu.memory_space<vmem>>) target(%dma_start3A_331 : memref<7808xf32, #tpu.memory_space<hbm>>) target_semaphore(%arg11 : memref<!tpu.dma_semaphore, #tpu.memory_space<semaphore_mem>>)
      %add3A_335 = arith.constant 1 : i32
      %add3A_336 = arith.addi %mul3A_3, %add3A_335 : i32
      %mul3A_337 = arith.constant 1000064 : i32
      %mul3A_338 = arith.muli %add3A_336, %mul3A_337 : i32
      %add3A_339 = arith.addi %mul3A_338, %mul3A_6 : i32
      %mul3A_340 = arith.constant 7808 : i32
      %mul3A_341 = arith.muli %add3A_300, %mul3A_340 : i32
      %add3A_342 = arith.addi %add3A_339, %mul3A_341 : i32
      %dma_start3A_343 = arith.constant 1 : i32
      %dma_start3A_344 = arith.constant 0 : i32
      %dma_start3A_345 = tpu.memref_slice %arg6[%dma_start3A_343, %dma_start3A_344] : memref<8x7808xf32, #tpu.memory_space<vmem>> -> memref<1x7808xf32, #tpu.memory_space<vmem>>
      %dma_start3A_346 = tpu.memref_squeeze %dma_start3A_345 : memref<1x7808xf32, #tpu.memory_space<vmem>> -> memref<7808xf32, #tpu.memory_space<vmem>>
      %dma_start3A_347 = tpu.memref_slice %arg4[%add3A_342] : memref<32002048xf32, #tpu.memory_space<hbm>> -> memref<7808xf32, #tpu.memory_space<hbm>>
      %dma_start3A_348 = tpu.memref_slice %arg4[%add3A_342] : memref<32002048xf32, #tpu.memory_space<hbm>> -> memref<7808xf32, #tpu.memory_space<hbm>>
      %dma_start3A_349 = arith.constant 0 : i32
      %dma_start3A_350 = tpu.memref_slice %arg6[%dma_start3A_343, %dma_start3A_349] : memref<8x7808xf32, #tpu.memory_space<vmem>> -> memref<1x7808xf32, #tpu.memory_space<vmem>>
      %dma_start3A_351 = tpu.memref_squeeze %dma_start3A_350 : memref<1x7808xf32, #tpu.memory_space<vmem>> -> memref<7808xf32, #tpu.memory_space<vmem>>
      tpu.enqueue_dma source(%dma_start3A_351 : memref<7808xf32, #tpu.memory_space<vmem>>) target(%dma_start3A_348 : memref<7808xf32, #tpu.memory_space<hbm>>) target_semaphore(%arg11 : memref<!tpu.dma_semaphore, #tpu.memory_space<semaphore_mem>>)
      %add3A_352 = arith.constant 2 : i32
      %add3A_353 = arith.addi %mul3A_3, %add3A_352 : i32
      %mul3A_354 = arith.constant 1000064 : i32
      %mul3A_355 = arith.muli %add3A_353, %mul3A_354 : i32
      %add3A_356 = arith.addi %mul3A_355, %mul3A_6 : i32
      %mul3A_357 = arith.constant 7808 : i32
      %mul3A_358 = arith.muli %add3A_300, %mul3A_357 : i32
      %add3A_359 = arith.addi %add3A_356, %mul3A_358 : i32
      %dma_start3A_360 = arith.constant 2 : i32
      %dma_start3A_361 = arith.constant 0 : i32
      %dma_start3A_362 = tpu.memref_slice %arg6[%dma_start3A_360, %dma_start3A_361] : memref<8x7808xf32, #tpu.memory_space<vmem>> -> memref<1x7808xf32, #tpu.memory_space<vmem>>
      %dma_start3A_363 = tpu.memref_squeeze %dma_start3A_362 : memref<1x7808xf32, #tpu.memory_space<vmem>> -> memref<7808xf32, #tpu.memory_space<vmem>>
      %dma_start3A_364 = tpu.memref_slice %arg4[%add3A_359] : memref<32002048xf32, #tpu.memory_space<hbm>> -> memref<7808xf32, #tpu.memory_space<hbm>>
      %dma_start3A_365 = tpu.memref_slice %arg4[%add3A_359] : memref<32002048xf32, #tpu.memory_space<hbm>> -> memref<7808xf32, #tpu.memory_space<hbm>>
      %dma_start3A_366 = arith.constant 0 : i32
      %dma_start3A_367 = tpu.memref_slice %arg6[%dma_start3A_360, %dma_start3A_366] : memref<8x7808xf32, #tpu.memory_space<vmem>> -> memref<1x7808xf32, #tpu.memory_space<vmem>>
      %dma_start3A_368 = tpu.memref_squeeze %dma_start3A_367 : memref<1x7808xf32, #tpu.memory_space<vmem>> -> memref<7808xf32, #tpu.memory_space<vmem>>
      tpu.enqueue_dma source(%dma_start3A_368 : memref<7808xf32, #tpu.memory_space<vmem>>) target(%dma_start3A_365 : memref<7808xf32, #tpu.memory_space<hbm>>) target_semaphore(%arg11 : memref<!tpu.dma_semaphore, #tpu.memory_space<semaphore_mem>>)
      %add3A_369 = arith.constant 3 : i32
      %add3A_370 = arith.addi %mul3A_3, %add3A_369 : i32
      %mul3A_371 = arith.constant 1000064 : i32
      %mul3A_372 = arith.muli %add3A_370, %mul3A_371 : i32
      %add3A_373 = arith.addi %mul3A_372, %mul3A_6 : i32
      %mul3A_374 = arith.constant 7808 : i32
      %mul3A_375 = arith.muli %add3A_300, %mul3A_374 : i32
      %add3A_376 = arith.addi %add3A_373, %mul3A_375 : i32
      %dma_start3A_377 = arith.constant 3 : i32
      %dma_start3A_378 = arith.constant 0 : i32
      %dma_start3A_379 = tpu.memref_slice %arg6[%dma_start3A_377, %dma_start3A_378] : memref<8x7808xf32, #tpu.memory_space<vmem>> -> memref<1x7808xf32, #tpu.memory_space<vmem>>
      %dma_start3A_380 = tpu.memref_squeeze %dma_start3A_379 : memref<1x7808xf32, #tpu.memory_space<vmem>> -> memref<7808xf32, #tpu.memory_space<vmem>>
      %dma_start3A_381 = tpu.memref_slice %arg4[%add3A_376] : memref<32002048xf32, #tpu.memory_space<hbm>> -> memref<7808xf32, #tpu.memory_space<hbm>>
      %dma_start3A_382 = tpu.memref_slice %arg4[%add3A_376] : memref<32002048xf32, #tpu.memory_space<hbm>> -> memref<7808xf32, #tpu.memory_space<hbm>>
      %dma_start3A_383 = arith.constant 0 : i32
      %dma_start3A_384 = tpu.memref_slice %arg6[%dma_start3A_377, %dma_start3A_383] : memref<8x7808xf32, #tpu.memory_space<vmem>> -> memref<1x7808xf32, #tpu.memory_space<vmem>>
      %dma_start3A_385 = tpu.memref_squeeze %dma_start3A_384 : memref<1x7808xf32, #tpu.memory_space<vmem>> -> memref<7808xf32, #tpu.memory_space<vmem>>
      tpu.enqueue_dma source(%dma_start3A_385 : memref<7808xf32, #tpu.memory_space<vmem>>) target(%dma_start3A_382 : memref<7808xf32, #tpu.memory_space<hbm>>) target_semaphore(%arg11 : memref<!tpu.dma_semaphore, #tpu.memory_space<semaphore_mem>>)
      %add3A_386 = arith.constant 4 : i32
      %add3A_387 = arith.addi %mul3A_3, %add3A_386 : i32
      %mul3A_388 = arith.constant 1000064 : i32
      %mul3A_389 = arith.muli %add3A_387, %mul3A_388 : i32
      %add3A_390 = arith.addi %mul3A_389, %mul3A_6 : i32
      %mul3A_391 = arith.constant 7808 : i32
      %mul3A_392 = arith.muli %add3A_300, %mul3A_391 : i32
      %add3A_393 = arith.addi %add3A_390, %mul3A_392 : i32
      %dma_start3A_394 = arith.constant 4 : i32
      %dma_start3A_395 = arith.constant 0 : i32
      %dma_start3A_396 = tpu.memref_slice %arg6[%dma_start3A_394, %dma_start3A_395] : memref<8x7808xf32, #tpu.memory_space<vmem>> -> memref<1x7808xf32, #tpu.memory_space<vmem>>
      %dma_start3A_397 = tpu.memref_squeeze %dma_start3A_396 : memref<1x7808xf32, #tpu.memory_space<vmem>> -> memref<7808xf32, #tpu.memory_space<vmem>>
      %dma_start3A_398 = tpu.memref_slice %arg4[%add3A_393] : memref<32002048xf32, #tpu.memory_space<hbm>> -> memref<7808xf32, #tpu.memory_space<hbm>>
      %dma_start3A_399 = tpu.memref_slice %arg4[%add3A_393] : memref<32002048xf32, #tpu.memory_space<hbm>> -> memref<7808xf32, #tpu.memory_space<hbm>>
      %dma_start3A_400 = arith.constant 0 : i32
      %dma_start3A_401 = tpu.memref_slice %arg6[%dma_start3A_394, %dma_start3A_400] : memref<8x7808xf32, #tpu.memory_space<vmem>> -> memref<1x7808xf32, #tpu.memory_space<vmem>>
      %dma_start3A_402 = tpu.memref_squeeze %dma_start3A_401 : memref<1x7808xf32, #tpu.memory_space<vmem>> -> memref<7808xf32, #tpu.memory_space<vmem>>
      tpu.enqueue_dma source(%dma_start3A_402 : memref<7808xf32, #tpu.memory_space<vmem>>) target(%dma_start3A_399 : memref<7808xf32, #tpu.memory_space<hbm>>) target_semaphore(%arg11 : memref<!tpu.dma_semaphore, #tpu.memory_space<semaphore_mem>>)
      %add3A_403 = arith.constant 5 : i32
      %add3A_404 = arith.addi %mul3A_3, %add3A_403 : i32
      %mul3A_405 = arith.constant 1000064 : i32
      %mul3A_406 = arith.muli %add3A_404, %mul3A_405 : i32
      %add3A_407 = arith.addi %mul3A_406, %mul3A_6 : i32
      %mul3A_408 = arith.constant 7808 : i32
      %mul3A_409 = arith.muli %add3A_300, %mul3A_408 : i32
      %add3A_410 = arith.addi %add3A_407, %mul3A_409 : i32
      %dma_start3A_411 = arith.constant 5 : i32
      %dma_start3A_412 = arith.constant 0 : i32
      %dma_start3A_413 = tpu.memref_slice %arg6[%dma_start3A_411, %dma_start3A_412] : memref<8x7808xf32, #tpu.memory_space<vmem>> -> memref<1x7808xf32, #tpu.memory_space<vmem>>
      %dma_start3A_414 = tpu.memref_squeeze %dma_start3A_413 : memref<1x7808xf32, #tpu.memory_space<vmem>> -> memref<7808xf32, #tpu.memory_space<vmem>>
      %dma_start3A_415 = tpu.memref_slice %arg4[%add3A_410] : memref<32002048xf32, #tpu.memory_space<hbm>> -> memref<7808xf32, #tpu.memory_space<hbm>>
      %dma_start3A_416 = tpu.memref_slice %arg4[%add3A_410] : memref<32002048xf32, #tpu.memory_space<hbm>> -> memref<7808xf32, #tpu.memory_space<hbm>>
      %dma_start3A_417 = arith.constant 0 : i32
      %dma_start3A_418 = tpu.memref_slice %arg6[%dma_start3A_411, %dma_start3A_417] : memref<8x7808xf32, #tpu.memory_space<vmem>> -> memref<1x7808xf32, #tpu.memory_space<vmem>>
      %dma_start3A_419 = tpu.memref_squeeze %dma_start3A_418 : memref<1x7808xf32, #tpu.memory_space<vmem>> -> memref<7808xf32, #tpu.memory_space<vmem>>
      tpu.enqueue_dma source(%dma_start3A_419 : memref<7808xf32, #tpu.memory_space<vmem>>) target(%dma_start3A_416 : memref<7808xf32, #tpu.memory_space<hbm>>) target_semaphore(%arg11 : memref<!tpu.dma_semaphore, #tpu.memory_space<semaphore_mem>>)
      %add3A_420 = arith.constant 6 : i32
      %add3A_421 = arith.addi %mul3A_3, %add3A_420 : i32
      %mul3A_422 = arith.constant 1000064 : i32
      %mul3A_423 = arith.muli %add3A_421, %mul3A_422 : i32
      %add3A_424 = arith.addi %mul3A_423, %mul3A_6 : i32
      %mul3A_425 = arith.constant 7808 : i32
      %mul3A_426 = arith.muli %add3A_300, %mul3A_425 : i32
      %add3A_427 = arith.addi %add3A_424, %mul3A_426 : i32
      %dma_start3A_428 = arith.constant 6 : i32
      %dma_start3A_429 = arith.constant 0 : i32
      %dma_start3A_430 = tpu.memref_slice %arg6[%dma_start3A_428, %dma_start3A_429] : memref<8x7808xf32, #tpu.memory_space<vmem>> -> memref<1x7808xf32, #tpu.memory_space<vmem>>
      %dma_start3A_431 = tpu.memref_squeeze %dma_start3A_430 : memref<1x7808xf32, #tpu.memory_space<vmem>> -> memref<7808xf32, #tpu.memory_space<vmem>>
      %dma_start3A_432 = tpu.memref_slice %arg4[%add3A_427] : memref<32002048xf32, #tpu.memory_space<hbm>> -> memref<7808xf32, #tpu.memory_space<hbm>>
      %dma_start3A_433 = tpu.memref_slice %arg4[%add3A_427] : memref<32002048xf32, #tpu.memory_space<hbm>> -> memref<7808xf32, #tpu.memory_space<hbm>>
      %dma_start3A_434 = arith.constant 0 : i32
      %dma_start3A_435 = tpu.memref_slice %arg6[%dma_start3A_428, %dma_start3A_434] : memref<8x7808xf32, #tpu.memory_space<vmem>> -> memref<1x7808xf32, #tpu.memory_space<vmem>>
      %dma_start3A_436 = tpu.memref_squeeze %dma_start3A_435 : memref<1x7808xf32, #tpu.memory_space<vmem>> -> memref<7808xf32, #tpu.memory_space<vmem>>
      tpu.enqueue_dma source(%dma_start3A_436 : memref<7808xf32, #tpu.memory_space<vmem>>) target(%dma_start3A_433 : memref<7808xf32, #tpu.memory_space<hbm>>) target_semaphore(%arg11 : memref<!tpu.dma_semaphore, #tpu.memory_space<semaphore_mem>>)
      %add3A_437 = arith.constant 7 : i32
      %add3A_438 = arith.addi %mul3A_3, %add3A_437 : i32
      %mul3A_439 = arith.constant 1000064 : i32
      %mul3A_440 = arith.muli %add3A_438, %mul3A_439 : i32
      %add3A_441 = arith.addi %mul3A_440, %mul3A_6 : i32
      %mul3A_442 = arith.constant 7808 : i32
      %mul3A_443 = arith.muli %add3A_300, %mul3A_442 : i32
      %add3A_444 = arith.addi %add3A_441, %mul3A_443 : i32
      %dma_start3A_445 = arith.constant 7 : i32
      %dma_start3A_446 = arith.constant 0 : i32
      %dma_start3A_447 = tpu.memref_slice %arg6[%dma_start3A_445, %dma_start3A_446] : memref<8x7808xf32, #tpu.memory_space<vmem>> -> memref<1x7808xf32, #tpu.memory_space<vmem>>
      %dma_start3A_448 = tpu.memref_squeeze %dma_start3A_447 : memref<1x7808xf32, #tpu.memory_space<vmem>> -> memref<7808xf32, #tpu.memory_space<vmem>>
      %dma_start3A_449 = tpu.memref_slice %arg4[%add3A_444] : memref<32002048xf32, #tpu.memory_space<hbm>> -> memref<7808xf32, #tpu.memory_space<hbm>>
      %dma_start3A_450 = tpu.memref_slice %arg4[%add3A_444] : memref<32002048xf32, #tpu.memory_space<hbm>> -> memref<7808xf32, #tpu.memory_space<hbm>>
      %dma_start3A_451 = arith.constant 0 : i32
      %dma_start3A_452 = tpu.memref_slice %arg6[%dma_start3A_445, %dma_start3A_451] : memref<8x7808xf32, #tpu.memory_space<vmem>> -> memref<1x7808xf32, #tpu.memory_space<vmem>>
      %dma_start3A_453 = tpu.memref_squeeze %dma_start3A_452 : memref<1x7808xf32, #tpu.memory_space<vmem>> -> memref<7808xf32, #tpu.memory_space<vmem>>
      tpu.enqueue_dma source(%dma_start3A_453 : memref<7808xf32, #tpu.memory_space<vmem>>) target(%dma_start3A_450 : memref<7808xf32, #tpu.memory_space<hbm>>) target_semaphore(%arg11 : memref<!tpu.dma_semaphore, #tpu.memory_space<semaphore_mem>>)
    }
    %scan3A_15 = arith.constant 8 : i32
    %add3A_16 = arith.constant 0 : i32
    %add3A_17 = arith.addi %mul3A_3, %add3A_16 : i32
    %mul3A_18 = arith.constant 1000064 : i32
    %mul3A_19 = arith.muli %add3A_17, %mul3A_18 : i32
    %add3A_20 = arith.addi %mul3A_19, %mul3A_6 : i32
    %add3A_21 = arith.constant 117120 : i32
    %add3A_22 = arith.addi %add3A_20, %add3A_21 : i32
    %dma_wait3A = arith.constant 0 : i32
    %dma_wait3A_23 = arith.constant 0 : i32
    %dma_wait3A_24 = tpu.memref_slice %arg6[%dma_wait3A, %dma_wait3A_23] : memref<8x7808xf32, #tpu.memory_space<vmem>> -> memref<1x7808xf32, #tpu.memory_space<vmem>>
    %dma_wait3A_25 = tpu.memref_squeeze %dma_wait3A_24 : memref<1x7808xf32, #tpu.memory_space<vmem>> -> memref<7808xf32, #tpu.memory_space<vmem>>
    %dma_wait3A_26 = tpu.memref_slice %arg4[%add3A_22] : memref<32002048xf32, #tpu.memory_space<hbm>> -> memref<7808xf32, #tpu.memory_space<hbm>>
    %dma_wait3A_27 = tpu.memref_slice %arg4[%add3A_22] : memref<32002048xf32, #tpu.memory_space<hbm>> -> memref<7808xf32, #tpu.memory_space<hbm>>
    %dma_wait3A_28 = arith.constant 0 : i32
    %dma_wait3A_29 = tpu.memref_slice %arg6[%dma_wait3A, %dma_wait3A_28] : memref<8x7808xf32, #tpu.memory_space<vmem>> -> memref<1x7808xf32, #tpu.memory_space<vmem>>
    %dma_wait3A_30 = tpu.memref_squeeze %dma_wait3A_29 : memref<1x7808xf32, #tpu.memory_space<vmem>> -> memref<7808xf32, #tpu.memory_space<vmem>>
    tpu.wait_dma2 semaphore(%arg11 : memref<!tpu.dma_semaphore, #tpu.memory_space<semaphore_mem>>) src(%dma_wait3A_30 : memref<7808xf32, #tpu.memory_space<vmem>>) dst(%dma_wait3A_27 : memref<7808xf32, #tpu.memory_space<hbm>>)
    %add3A_31 = arith.constant 1 : i32
    %add3A_32 = arith.addi %mul3A_3, %add3A_31 : i32
    %mul3A_33 = arith.constant 1000064 : i32
    %mul3A_34 = arith.muli %add3A_32, %mul3A_33 : i32
    %add3A_35 = arith.addi %mul3A_34, %mul3A_6 : i32
    %add3A_36 = arith.constant 117120 : i32
    %add3A_37 = arith.addi %add3A_35, %add3A_36 : i32
    %dma_wait3A_38 = arith.constant 1 : i32
    %dma_wait3A_39 = arith.constant 0 : i32
    %dma_wait3A_40 = tpu.memref_slice %arg6[%dma_wait3A_38, %dma_wait3A_39] : memref<8x7808xf32, #tpu.memory_space<vmem>> -> memref<1x7808xf32, #tpu.memory_space<vmem>>
    %dma_wait3A_41 = tpu.memref_squeeze %dma_wait3A_40 : memref<1x7808xf32, #tpu.memory_space<vmem>> -> memref<7808xf32, #tpu.memory_space<vmem>>
    %dma_wait3A_42 = tpu.memref_slice %arg4[%add3A_37] : memref<32002048xf32, #tpu.memory_space<hbm>> -> memref<7808xf32, #tpu.memory_space<hbm>>
    %dma_wait3A_43 = tpu.memref_slice %arg4[%add3A_37] : memref<32002048xf32, #tpu.memory_space<hbm>> -> memref<7808xf32, #tpu.memory_space<hbm>>
    %dma_wait3A_44 = arith.constant 0 : i32
    %dma_wait3A_45 = tpu.memref_slice %arg6[%dma_wait3A_38, %dma_wait3A_44] : memref<8x7808xf32, #tpu.memory_space<vmem>> -> memref<1x7808xf32, #tpu.memory_space<vmem>>
    %dma_wait3A_46 = tpu.memref_squeeze %dma_wait3A_45 : memref<1x7808xf32, #tpu.memory_space<vmem>> -> memref<7808xf32, #tpu.memory_space<vmem>>
    tpu.wait_dma2 semaphore(%arg11 : memref<!tpu.dma_semaphore, #tpu.memory_space<semaphore_mem>>) src(%dma_wait3A_46 : memref<7808xf32, #tpu.memory_space<vmem>>) dst(%dma_wait3A_43 : memref<7808xf32, #tpu.memory_space<hbm>>)
    %add3A_47 = arith.constant 2 : i32
    %add3A_48 = arith.addi %mul3A_3, %add3A_47 : i32
    %mul3A_49 = arith.constant 1000064 : i32
    %mul3A_50 = arith.muli %add3A_48, %mul3A_49 : i32
    %add3A_51 = arith.addi %mul3A_50, %mul3A_6 : i32
    %add3A_52 = arith.constant 117120 : i32
    %add3A_53 = arith.addi %add3A_51, %add3A_52 : i32
    %dma_wait3A_54 = arith.constant 2 : i32
    %dma_wait3A_55 = arith.constant 0 : i32
    %dma_wait3A_56 = tpu.memref_slice %arg6[%dma_wait3A_54, %dma_wait3A_55] : memref<8x7808xf32, #tpu.memory_space<vmem>> -> memref<1x7808xf32, #tpu.memory_space<vmem>>
    %dma_wait3A_57 = tpu.memref_squeeze %dma_wait3A_56 : memref<1x7808xf32, #tpu.memory_space<vmem>> -> memref<7808xf32, #tpu.memory_space<vmem>>
    %dma_wait3A_58 = tpu.memref_slice %arg4[%add3A_53] : memref<32002048xf32, #tpu.memory_space<hbm>> -> memref<7808xf32, #tpu.memory_space<hbm>>
    %dma_wait3A_59 = tpu.memref_slice %arg4[%add3A_53] : memref<32002048xf32, #tpu.memory_space<hbm>> -> memref<7808xf32, #tpu.memory_space<hbm>>
    %dma_wait3A_60 = arith.constant 0 : i32
    %dma_wait3A_61 = tpu.memref_slice %arg6[%dma_wait3A_54, %dma_wait3A_60] : memref<8x7808xf32, #tpu.memory_space<vmem>> -> memref<1x7808xf32, #tpu.memory_space<vmem>>
    %dma_wait3A_62 = tpu.memref_squeeze %dma_wait3A_61 : memref<1x7808xf32, #tpu.memory_space<vmem>> -> memref<7808xf32, #tpu.memory_space<vmem>>
    tpu.wait_dma2 semaphore(%arg11 : memref<!tpu.dma_semaphore, #tpu.memory_space<semaphore_mem>>) src(%dma_wait3A_62 : memref<7808xf32, #tpu.memory_space<vmem>>) dst(%dma_wait3A_59 : memref<7808xf32, #tpu.memory_space<hbm>>)
    %add3A_63 = arith.constant 3 : i32
    %add3A_64 = arith.addi %mul3A_3, %add3A_63 : i32
    %mul3A_65 = arith.constant 1000064 : i32
    %mul3A_66 = arith.muli %add3A_64, %mul3A_65 : i32
    %add3A_67 = arith.addi %mul3A_66, %mul3A_6 : i32
    %add3A_68 = arith.constant 117120 : i32
    %add3A_69 = arith.addi %add3A_67, %add3A_68 : i32
    %dma_wait3A_70 = arith.constant 3 : i32
    %dma_wait3A_71 = arith.constant 0 : i32
    %dma_wait3A_72 = tpu.memref_slice %arg6[%dma_wait3A_70, %dma_wait3A_71] : memref<8x7808xf32, #tpu.memory_space<vmem>> -> memref<1x7808xf32, #tpu.memory_space<vmem>>
    %dma_wait3A_73 = tpu.memref_squeeze %dma_wait3A_72 : memref<1x7808xf32, #tpu.memory_space<vmem>> -> memref<7808xf32, #tpu.memory_space<vmem>>
    %dma_wait3A_74 = tpu.memref_slice %arg4[%add3A_69] : memref<32002048xf32, #tpu.memory_space<hbm>> -> memref<7808xf32, #tpu.memory_space<hbm>>
    %dma_wait3A_75 = tpu.memref_slice %arg4[%add3A_69] : memref<32002048xf32, #tpu.memory_space<hbm>> -> memref<7808xf32, #tpu.memory_space<hbm>>
    %dma_wait3A_76 = arith.constant 0 : i32
    %dma_wait3A_77 = tpu.memref_slice %arg6[%dma_wait3A_70, %dma_wait3A_76] : memref<8x7808xf32, #tpu.memory_space<vmem>> -> memref<1x7808xf32, #tpu.memory_space<vmem>>
    %dma_wait3A_78 = tpu.memref_squeeze %dma_wait3A_77 : memref<1x7808xf32, #tpu.memory_space<vmem>> -> memref<7808xf32, #tpu.memory_space<vmem>>
    tpu.wait_dma2 semaphore(%arg11 : memref<!tpu.dma_semaphore, #tpu.memory_space<semaphore_mem>>) src(%dma_wait3A_78 : memref<7808xf32, #tpu.memory_space<vmem>>) dst(%dma_wait3A_75 : memref<7808xf32, #tpu.memory_space<hbm>>)
    %add3A_79 = arith.constant 4 : i32
    %add3A_80 = arith.addi %mul3A_3, %add3A_79 : i32
    %mul3A_81 = arith.constant 1000064 : i32
    %mul3A_82 = arith.muli %add3A_80, %mul3A_81 : i32
    %add3A_83 = arith.addi %mul3A_82, %mul3A_6 : i32
    %add3A_84 = arith.constant 117120 : i32
    %add3A_85 = arith.addi %add3A_83, %add3A_84 : i32
    %dma_wait3A_86 = arith.constant 4 : i32
    %dma_wait3A_87 = arith.constant 0 : i32
    %dma_wait3A_88 = tpu.memref_slice %arg6[%dma_wait3A_86, %dma_wait3A_87] : memref<8x7808xf32, #tpu.memory_space<vmem>> -> memref<1x7808xf32, #tpu.memory_space<vmem>>
    %dma_wait3A_89 = tpu.memref_squeeze %dma_wait3A_88 : memref<1x7808xf32, #tpu.memory_space<vmem>> -> memref<7808xf32, #tpu.memory_space<vmem>>
    %dma_wait3A_90 = tpu.memref_slice %arg4[%add3A_85] : memref<32002048xf32, #tpu.memory_space<hbm>> -> memref<7808xf32, #tpu.memory_space<hbm>>
    %dma_wait3A_91 = tpu.memref_slice %arg4[%add3A_85] : memref<32002048xf32, #tpu.memory_space<hbm>> -> memref<7808xf32, #tpu.memory_space<hbm>>
    %dma_wait3A_92 = arith.constant 0 : i32
    %dma_wait3A_93 = tpu.memref_slice %arg6[%dma_wait3A_86, %dma_wait3A_92] : memref<8x7808xf32, #tpu.memory_space<vmem>> -> memref<1x7808xf32, #tpu.memory_space<vmem>>
    %dma_wait3A_94 = tpu.memref_squeeze %dma_wait3A_93 : memref<1x7808xf32, #tpu.memory_space<vmem>> -> memref<7808xf32, #tpu.memory_space<vmem>>
    tpu.wait_dma2 semaphore(%arg11 : memref<!tpu.dma_semaphore, #tpu.memory_space<semaphore_mem>>) src(%dma_wait3A_94 : memref<7808xf32, #tpu.memory_space<vmem>>) dst(%dma_wait3A_91 : memref<7808xf32, #tpu.memory_space<hbm>>)
    %add3A_95 = arith.constant 5 : i32
    %add3A_96 = arith.addi %mul3A_3, %add3A_95 : i32
    %mul3A_97 = arith.constant 1000064 : i32
    %mul3A_98 = arith.muli %add3A_96, %mul3A_97 : i32
    %add3A_99 = arith.addi %mul3A_98, %mul3A_6 : i32
    %add3A_100 = arith.constant 117120 : i32
    %add3A_101 = arith.addi %add3A_99, %add3A_100 : i32
    %dma_wait3A_102 = arith.constant 5 : i32
    %dma_wait3A_103 = arith.constant 0 : i32
    %dma_wait3A_104 = tpu.memref_slice %arg6[%dma_wait3A_102, %dma_wait3A_103] : memref<8x7808xf32, #tpu.memory_space<vmem>> -> memref<1x7808xf32, #tpu.memory_space<vmem>>
    %dma_wait3A_105 = tpu.memref_squeeze %dma_wait3A_104 : memref<1x7808xf32, #tpu.memory_space<vmem>> -> memref<7808xf32, #tpu.memory_space<vmem>>
    %dma_wait3A_106 = tpu.memref_slice %arg4[%add3A_101] : memref<32002048xf32, #tpu.memory_space<hbm>> -> memref<7808xf32, #tpu.memory_space<hbm>>
    %dma_wait3A_107 = tpu.memref_slice %arg4[%add3A_101] : memref<32002048xf32, #tpu.memory_space<hbm>> -> memref<7808xf32, #tpu.memory_space<hbm>>
    %dma_wait3A_108 = arith.constant 0 : i32
    %dma_wait3A_109 = tpu.memref_slice %arg6[%dma_wait3A_102, %dma_wait3A_108] : memref<8x7808xf32, #tpu.memory_space<vmem>> -> memref<1x7808xf32, #tpu.memory_space<vmem>>
    %dma_wait3A_110 = tpu.memref_squeeze %dma_wait3A_109 : memref<1x7808xf32, #tpu.memory_space<vmem>> -> memref<7808xf32, #tpu.memory_space<vmem>>
    tpu.wait_dma2 semaphore(%arg11 : memref<!tpu.dma_semaphore, #tpu.memory_space<semaphore_mem>>) src(%dma_wait3A_110 : memref<7808xf32, #tpu.memory_space<vmem>>) dst(%dma_wait3A_107 : memref<7808xf32, #tpu.memory_space<hbm>>)
    %add3A_111 = arith.constant 6 : i32
    %add3A_112 = arith.addi %mul3A_3, %add3A_111 : i32
    %mul3A_113 = arith.constant 1000064 : i32
    %mul3A_114 = arith.muli %add3A_112, %mul3A_113 : i32
    %add3A_115 = arith.addi %mul3A_114, %mul3A_6 : i32
    %add3A_116 = arith.constant 117120 : i32
    %add3A_117 = arith.addi %add3A_115, %add3A_116 : i32
    %dma_wait3A_118 = arith.constant 6 : i32
    %dma_wait3A_119 = arith.constant 0 : i32
    %dma_wait3A_120 = tpu.memref_slice %arg6[%dma_wait3A_118, %dma_wait3A_119] : memref<8x7808xf32, #tpu.memory_space<vmem>> -> memref<1x7808xf32, #tpu.memory_space<vmem>>
    %dma_wait3A_121 = tpu.memref_squeeze %dma_wait3A_120 : memref<1x7808xf32, #tpu.memory_space<vmem>> -> memref<7808xf32, #tpu.memory_space<vmem>>
    %dma_wait3A_122 = tpu.memref_slice %arg4[%add3A_117] : memref<32002048xf32, #tpu.memory_space<hbm>> -> memref<7808xf32, #tpu.memory_space<hbm>>
    %dma_wait3A_123 = tpu.memref_slice %arg4[%add3A_117] : memref<32002048xf32, #tpu.memory_space<hbm>> -> memref<7808xf32, #tpu.memory_space<hbm>>
    %dma_wait3A_124 = arith.constant 0 : i32
    %dma_wait3A_125 = tpu.memref_slice %arg6[%dma_wait3A_118, %dma_wait3A_124] : memref<8x7808xf32, #tpu.memory_space<vmem>> -> memref<1x7808xf32, #tpu.memory_space<vmem>>
    %dma_wait3A_126 = tpu.memref_squeeze %dma_wait3A_125 : memref<1x7808xf32, #tpu.memory_space<vmem>> -> memref<7808xf32, #tpu.memory_space<vmem>>
    tpu.wait_dma2 semaphore(%arg11 : memref<!tpu.dma_semaphore, #tpu.memory_space<semaphore_mem>>) src(%dma_wait3A_126 : memref<7808xf32, #tpu.memory_space<vmem>>) dst(%dma_wait3A_123 : memref<7808xf32, #tpu.memory_space<hbm>>)
    %add3A_127 = arith.constant 7 : i32
    %add3A_128 = arith.addi %mul3A_3, %add3A_127 : i32
    %mul3A_129 = arith.constant 1000064 : i32
    %mul3A_130 = arith.muli %add3A_128, %mul3A_129 : i32
    %add3A_131 = arith.addi %mul3A_130, %mul3A_6 : i32
    %add3A_132 = arith.constant 117120 : i32
    %add3A_133 = arith.addi %add3A_131, %add3A_132 : i32
    %dma_wait3A_134 = arith.constant 7 : i32
    %dma_wait3A_135 = arith.constant 0 : i32
    %dma_wait3A_136 = tpu.memref_slice %arg6[%dma_wait3A_134, %dma_wait3A_135] : memref<8x7808xf32, #tpu.memory_space<vmem>> -> memref<1x7808xf32, #tpu.memory_space<vmem>>
    %dma_wait3A_137 = tpu.memref_squeeze %dma_wait3A_136 : memref<1x7808xf32, #tpu.memory_space<vmem>> -> memref<7808xf32, #tpu.memory_space<vmem>>
    %dma_wait3A_138 = tpu.memref_slice %arg4[%add3A_133] : memref<32002048xf32, #tpu.memory_space<hbm>> -> memref<7808xf32, #tpu.memory_space<hbm>>
    %dma_wait3A_139 = tpu.memref_slice %arg4[%add3A_133] : memref<32002048xf32, #tpu.memory_space<hbm>> -> memref<7808xf32, #tpu.memory_space<hbm>>
    %dma_wait3A_140 = arith.constant 0 : i32
    %dma_wait3A_141 = tpu.memref_slice %arg6[%dma_wait3A_134, %dma_wait3A_140] : memref<8x7808xf32, #tpu.memory_space<vmem>> -> memref<1x7808xf32, #tpu.memory_space<vmem>>
    %dma_wait3A_142 = tpu.memref_squeeze %dma_wait3A_141 : memref<1x7808xf32, #tpu.memory_space<vmem>> -> memref<7808xf32, #tpu.memory_space<vmem>>
    tpu.wait_dma2 semaphore(%arg11 : memref<!tpu.dma_semaphore, #tpu.memory_space<semaphore_mem>>) src(%dma_wait3A_142 : memref<7808xf32, #tpu.memory_space<vmem>>) dst(%dma_wait3A_139 : memref<7808xf32, #tpu.memory_space<hbm>>)
    return
  }
}

module attributes {stable_mosaic.version = 14 : i64} {
  func.func @_ltc_body(%arg0: i32, %arg1: memref<32x20480xf32, #tpu.memory_space<vmem>>, %arg2: memref<32x64xf32, #tpu.memory_space<vmem>>, %arg3: memref<64x64xf32, #tpu.memory_space<vmem>>, %arg4: memref<1x64xf32, #tpu.memory_space<vmem>>, %arg5: memref<1x64xf32, #tpu.memory_space<vmem>>, %arg6: memref<4096x64xf32, #tpu.memory_space<vmem>>, %arg7: memref<4096x64xf32, #tpu.memory_space<vmem>>) attributes {dimension_semantics = [#tpu.dimension_semantics<arbitrary>], iteration_bounds = array<i64: 4>, scalar_prefetch = 0 : i64, scratch_operands = 1 : i64, tpu.core_type = #tpu.core_type<tc>, window_params = [{transform_indices = @transform_0, window_bounds = array<i64: 32, 20480>}, {pipeline_mode = #tpu.pipeline_mode<synchronous>, transform_indices = @transform_1, window_bounds = array<i64: 32, 64>}, {pipeline_mode = #tpu.pipeline_mode<synchronous>, transform_indices = @transform_2, window_bounds = array<i64: 64, 64>}, {pipeline_mode = #tpu.pipeline_mode<synchronous>, transform_indices = @transform_3, window_bounds = array<i64: 1, 64>}, {pipeline_mode = #tpu.pipeline_mode<synchronous>, transform_indices = @transform_4, window_bounds = array<i64: 1, 64>}, {pipeline_mode = #tpu.pipeline_mode<synchronous>, transform_indices = @transform_5, window_bounds = array<i64: 4096, 64>}]} {
    %get3A = arith.constant 0 : index
    %get3A_0 = arith.constant 0 : index
    %get3A_1 = vector.load %arg2[%get3A, %get3A_0] : memref<32x64xf32, #tpu.memory_space<vmem>>, vector<32x64xf32>
    %get3A_2 = arith.constant 0 : index
    %get3A_3 = arith.constant 0 : index
    %get3A_4 = vector.load %arg3[%get3A_2, %get3A_3] : memref<64x64xf32, #tpu.memory_space<vmem>>, vector<64x64xf32>
    %get3A_5 = arith.constant 0 : index
    %get3A_6 = arith.constant 0 : index
    %get3A_7 = vector.load %arg4[%get3A_5, %get3A_6] : memref<1x64xf32, #tpu.memory_space<vmem>>, vector<1x64xf32>
    %get3A_8 = arith.constant 0 : index
    %get3A_9 = arith.constant 0 : index
    %get3A_10 = vector.load %arg5[%get3A_8, %get3A_9] : memref<1x64xf32, #tpu.memory_space<vmem>>, vector<1x64xf32>
    %eq3A = arith.constant 0 : i32
    %eq3A_11 = arith.cmpi eq, %arg0, %eq3A : i32
    %convert_element_type3A = arith.extui %eq3A_11 : i1 to i32
    %cond3A = arith.constant 0 : i32
    %cond3A_12 = arith.cmpi ne, %convert_element_type3A, %cond3A : i32
    scf.if %cond3A_12 {
      %broadcast_in_dim3A = arith.constant 0.000000e+00 : f32
      %broadcast_in_dim3A_104 = vector.broadcast %broadcast_in_dim3A : f32 to vector<4096x64xf32>
      %swap3A_105 = arith.constant 0 : index
      %swap3A_106 = arith.constant 0 : index
      %swap3A_107 = vector.load %arg7[%swap3A_105, %swap3A_106] : memref<4096x64xf32, #tpu.memory_space<vmem>>, vector<4096x64xf32>
      tpu.vector_store %arg7[%swap3A_105, %swap3A_106], %broadcast_in_dim3A_104 {strides = array<i32>} : memref<4096x64xf32, #tpu.memory_space<vmem>>, vector<4096x64xf32>,
    } else {
    }
    %get3A_13 = arith.constant 0 : index
    %get3A_14 = arith.constant 0 : index
    %get3A_15 = vector.load %arg7[%get3A_13, %get3A_14] : memref<4096x64xf32, #tpu.memory_space<vmem>>, vector<4096x64xf32>
    %get3A_16 = arith.constant 0 : index
    %get3A_17 = arith.constant 0 : index
    %get3A_18 = vector.load %arg1[%get3A_16, %get3A_17] : memref<32x20480xf32, #tpu.memory_space<vmem>>, vector<32x4096xf32>
    %dot_general3A = arith.constant dense<0.000000e+00> : vector<4096x64xf32>
    %dot_general3A_19 = tpu.matmul %get3A_18, %get3A_1, %dot_general3A {dimension_numbers = #tpu.dot_dimension_numbers<[0], [0], [1], [1], [0, 1, 1, 1], [], []>, transpose_lhs_hint = false} : vector<32x4096xf32>, vector<32x64xf32>, vector<4096x64xf32> -> vector<4096x64xf32>
    %dot_general3A_20 = arith.constant dense<0.000000e+00> : vector<4096x64xf32>
    %dot_general3A_21 = tpu.matmul %get3A_15, %get3A_4, %dot_general3A_20 {dimension_numbers = #tpu.dot_dimension_numbers<[1], [0], [0], [1], [0, 0, 1, 1], [], []>, transpose_lhs_hint = false} : vector<4096x64xf32>, vector<64x64xf32>, vector<4096x64xf32> -> vector<4096x64xf32>
    %add3A = arith.addf %dot_general3A_19, %dot_general3A_21 : vector<4096x64xf32>
    %add3A_22 = vector.broadcast %get3A_7 : vector<1x64xf32> to vector<4096x64xf32>
    %add3A_23 = arith.addf %add3A, %add3A_22 : vector<4096x64xf32>
    %mul3A = vector.broadcast %get3A_10 : vector<1x64xf32> to vector<4096x64xf32>
    %mul3A_24 = arith.mulf %get3A_15, %mul3A : vector<4096x64xf32>
    %tanh3A = math.tanh %add3A_23 : vector<4096x64xf32>
    %mul3A_25 = arith.constant 1.000000e-01 : f32
    %mul3A_26 = vector.broadcast %mul3A_25 : f32 to vector<4096x64xf32>
    %mul3A_27 = arith.mulf %mul3A_26, %tanh3A : vector<4096x64xf32>
    %add3A_28 = arith.addf %mul3A_24, %mul3A_27 : vector<4096x64xf32>
    %get3A_29 = arith.constant 0 : index
    %get3A_30 = arith.constant 4096 : index
    %get3A_31 = vector.load %arg1[%get3A_29, %get3A_30] : memref<32x20480xf32, #tpu.memory_space<vmem>>, vector<32x4096xf32>
    %dot_general3A_32 = arith.constant dense<0.000000e+00> : vector<4096x64xf32>
    %dot_general3A_33 = tpu.matmul %get3A_31, %get3A_1, %dot_general3A_32 {dimension_numbers = #tpu.dot_dimension_numbers<[0], [0], [1], [1], [0, 1, 1, 1], [], []>, transpose_lhs_hint = false} : vector<32x4096xf32>, vector<32x64xf32>, vector<4096x64xf32> -> vector<4096x64xf32>
    %dot_general3A_34 = arith.constant dense<0.000000e+00> : vector<4096x64xf32>
    %dot_general3A_35 = tpu.matmul %add3A_28, %get3A_4, %dot_general3A_34 {dimension_numbers = #tpu.dot_dimension_numbers<[1], [0], [0], [1], [0, 0, 1, 1], [], []>, transpose_lhs_hint = false} : vector<4096x64xf32>, vector<64x64xf32>, vector<4096x64xf32> -> vector<4096x64xf32>
    %add3A_36 = arith.addf %dot_general3A_33, %dot_general3A_35 : vector<4096x64xf32>
    %add3A_37 = vector.broadcast %get3A_7 : vector<1x64xf32> to vector<4096x64xf32>
    %add3A_38 = arith.addf %add3A_36, %add3A_37 : vector<4096x64xf32>
    %mul3A_39 = vector.broadcast %get3A_10 : vector<1x64xf32> to vector<4096x64xf32>
    %mul3A_40 = arith.mulf %add3A_28, %mul3A_39 : vector<4096x64xf32>
    %tanh3A_41 = math.tanh %add3A_38 : vector<4096x64xf32>
    %mul3A_42 = arith.constant 1.000000e-01 : f32
    %mul3A_43 = vector.broadcast %mul3A_42 : f32 to vector<4096x64xf32>
    %mul3A_44 = arith.mulf %mul3A_43, %tanh3A_41 : vector<4096x64xf32>
    %add3A_45 = arith.addf %mul3A_40, %mul3A_44 : vector<4096x64xf32>
    %get3A_46 = arith.constant 0 : index
    %get3A_47 = arith.constant 8192 : index
    %get3A_48 = vector.load %arg1[%get3A_46, %get3A_47] : memref<32x20480xf32, #tpu.memory_space<vmem>>, vector<32x4096xf32>
    %dot_general3A_49 = arith.constant dense<0.000000e+00> : vector<4096x64xf32>
    %dot_general3A_50 = tpu.matmul %get3A_48, %get3A_1, %dot_general3A_49 {dimension_numbers = #tpu.dot_dimension_numbers<[0], [0], [1], [1], [0, 1, 1, 1], [], []>, transpose_lhs_hint = false} : vector<32x4096xf32>, vector<32x64xf32>, vector<4096x64xf32> -> vector<4096x64xf32>
    %dot_general3A_51 = arith.constant dense<0.000000e+00> : vector<4096x64xf32>
    %dot_general3A_52 = tpu.matmul %add3A_45, %get3A_4, %dot_general3A_51 {dimension_numbers = #tpu.dot_dimension_numbers<[1], [0], [0], [1], [0, 0, 1, 1], [], []>, transpose_lhs_hint = false} : vector<4096x64xf32>, vector<64x64xf32>, vector<4096x64xf32> -> vector<4096x64xf32>
    %add3A_53 = arith.addf %dot_general3A_50, %dot_general3A_52 : vector<4096x64xf32>
    %add3A_54 = vector.broadcast %get3A_7 : vector<1x64xf32> to vector<4096x64xf32>
    %add3A_55 = arith.addf %add3A_53, %add3A_54 : vector<4096x64xf32>
    %mul3A_56 = vector.broadcast %get3A_10 : vector<1x64xf32> to vector<4096x64xf32>
    %mul3A_57 = arith.mulf %add3A_45, %mul3A_56 : vector<4096x64xf32>
    %tanh3A_58 = math.tanh %add3A_55 : vector<4096x64xf32>
    %mul3A_59 = arith.constant 1.000000e-01 : f32
    %mul3A_60 = vector.broadcast %mul3A_59 : f32 to vector<4096x64xf32>
    %mul3A_61 = arith.mulf %mul3A_60, %tanh3A_58 : vector<4096x64xf32>
    %add3A_62 = arith.addf %mul3A_57, %mul3A_61 : vector<4096x64xf32>
    %get3A_63 = arith.constant 0 : index
    %get3A_64 = arith.constant 12288 : index
    %get3A_65 = vector.load %arg1[%get3A_63, %get3A_64] : memref<32x20480xf32, #tpu.memory_space<vmem>>, vector<32x4096xf32>
    %dot_general3A_66 = arith.constant dense<0.000000e+00> : vector<4096x64xf32>
    %dot_general3A_67 = tpu.matmul %get3A_65, %get3A_1, %dot_general3A_66 {dimension_numbers = #tpu.dot_dimension_numbers<[0], [0], [1], [1], [0, 1, 1, 1], [], []>, transpose_lhs_hint = false} : vector<32x4096xf32>, vector<32x64xf32>, vector<4096x64xf32> -> vector<4096x64xf32>
    %dot_general3A_68 = arith.constant dense<0.000000e+00> : vector<4096x64xf32>
    %dot_general3A_69 = tpu.matmul %add3A_62, %get3A_4, %dot_general3A_68 {dimension_numbers = #tpu.dot_dimension_numbers<[1], [0], [0], [1], [0, 0, 1, 1], [], []>, transpose_lhs_hint = false} : vector<4096x64xf32>, vector<64x64xf32>, vector<4096x64xf32> -> vector<4096x64xf32>
    %add3A_70 = arith.addf %dot_general3A_67, %dot_general3A_69 : vector<4096x64xf32>
    %add3A_71 = vector.broadcast %get3A_7 : vector<1x64xf32> to vector<4096x64xf32>
    %add3A_72 = arith.addf %add3A_70, %add3A_71 : vector<4096x64xf32>
    %mul3A_73 = vector.broadcast %get3A_10 : vector<1x64xf32> to vector<4096x64xf32>
    %mul3A_74 = arith.mulf %add3A_62, %mul3A_73 : vector<4096x64xf32>
    %tanh3A_75 = math.tanh %add3A_72 : vector<4096x64xf32>
    %mul3A_76 = arith.constant 1.000000e-01 : f32
    %mul3A_77 = vector.broadcast %mul3A_76 : f32 to vector<4096x64xf32>
    %mul3A_78 = arith.mulf %mul3A_77, %tanh3A_75 : vector<4096x64xf32>
    %add3A_79 = arith.addf %mul3A_74, %mul3A_78 : vector<4096x64xf32>
    %get3A_80 = arith.constant 0 : index
    %get3A_81 = arith.constant 16384 : index
    %get3A_82 = vector.load %arg1[%get3A_80, %get3A_81] : memref<32x20480xf32, #tpu.memory_space<vmem>>, vector<32x4096xf32>
    %dot_general3A_83 = arith.constant dense<0.000000e+00> : vector<4096x64xf32>
    %dot_general3A_84 = tpu.matmul %get3A_82, %get3A_1, %dot_general3A_83 {dimension_numbers = #tpu.dot_dimension_numbers<[0], [0], [1], [1], [0, 1, 1, 1], [], []>, transpose_lhs_hint = false} : vector<32x4096xf32>, vector<32x64xf32>, vector<4096x64xf32> -> vector<4096x64xf32>
    %dot_general3A_85 = arith.constant dense<0.000000e+00> : vector<4096x64xf32>
    %dot_general3A_86 = tpu.matmul %add3A_79, %get3A_4, %dot_general3A_85 {dimension_numbers = #tpu.dot_dimension_numbers<[1], [0], [0], [1], [0, 0, 1, 1], [], []>, transpose_lhs_hint = false} : vector<4096x64xf32>, vector<64x64xf32>, vector<4096x64xf32> -> vector<4096x64xf32>
    %add3A_87 = arith.addf %dot_general3A_84, %dot_general3A_86 : vector<4096x64xf32>
    %add3A_88 = vector.broadcast %get3A_7 : vector<1x64xf32> to vector<4096x64xf32>
    %add3A_89 = arith.addf %add3A_87, %add3A_88 : vector<4096x64xf32>
    %mul3A_90 = vector.broadcast %get3A_10 : vector<1x64xf32> to vector<4096x64xf32>
    %mul3A_91 = arith.mulf %add3A_79, %mul3A_90 : vector<4096x64xf32>
    %tanh3A_92 = math.tanh %add3A_89 : vector<4096x64xf32>
    %mul3A_93 = arith.constant 1.000000e-01 : f32
    %mul3A_94 = vector.broadcast %mul3A_93 : f32 to vector<4096x64xf32>
    %mul3A_95 = arith.mulf %mul3A_94, %tanh3A_92 : vector<4096x64xf32>
    %add3A_96 = arith.addf %mul3A_91, %mul3A_95 : vector<4096x64xf32>
    %swap3A = arith.constant 0 : index
    %swap3A_97 = arith.constant 0 : index
    %swap3A_98 = vector.load %arg7[%swap3A, %swap3A_97] : memref<4096x64xf32, #tpu.memory_space<vmem>>, vector<4096x64xf32>
    tpu.vector_store %arg7[%swap3A, %swap3A_97], %add3A_96 {strides = array<i32>} : memref<4096x64xf32, #tpu.memory_space<vmem>>, vector<4096x64xf32>,
    %eq3A_99 = arith.constant 3 : i32
    %eq3A_100 = arith.cmpi eq, %arg0, %eq3A_99 : i32
    %convert_element_type3A_101 = arith.extui %eq3A_100 : i1 to i32
    %cond3A_102 = arith.constant 0 : i32
    %cond3A_103 = arith.cmpi ne, %convert_element_type3A_101, %cond3A_102 : i32
    scf.if %cond3A_103 {
      %swap3A_104 = arith.constant 0 : index
      %swap3A_105 = arith.constant 0 : index
      %swap3A_106 = vector.load %arg6[%swap3A_104, %swap3A_105] : memref<4096x64xf32, #tpu.memory_space<vmem>>, vector<4096x64xf32>
      tpu.vector_store %arg6[%swap3A_104, %swap3A_105], %add3A_96 {strides = array<i32>} : memref<4096x64xf32, #tpu.memory_space<vmem>>, vector<4096x64xf32>,
    } else {
    }
    return
  }
  func.func @transform_0(%arg0: i32) -> (i32, i32) {
    %c0_i32 = arith.constant 0 : i32
    %c0_i32_0 = arith.constant 0 : i32
    return %c0_i32, %arg0 : i32, i32
  }
  func.func @transform_1(%arg0: i32) -> (i32, i32) {
    %c0_i32 = arith.constant 0 : i32
    %c0_i32_0 = arith.constant 0 : i32
    %c0_i32_1 = arith.constant 0 : i32
    return %c0_i32, %c0_i32_0 : i32, i32
  }
  func.func @transform_2(%arg0: i32) -> (i32, i32) {
    %c0_i32 = arith.constant 0 : i32
    %c0_i32_0 = arith.constant 0 : i32
    %c0_i32_1 = arith.constant 0 : i32
    return %c0_i32, %c0_i32_0 : i32, i32
  }
  func.func @transform_3(%arg0: i32) -> (i32, i32) {
    %c0_i32 = arith.constant 0 : i32
    %c0_i32_0 = arith.constant 0 : i32
    %c0_i32_1 = arith.constant 0 : i32
    return %c0_i32, %c0_i32_0 : i32, i32
  }
  func.func @transform_4(%arg0: i32) -> (i32, i32) {
    %c0_i32 = arith.constant 0 : i32
    %c0_i32_0 = arith.constant 0 : i32
    %c0_i32_1 = arith.constant 0 : i32
    return %c0_i32, %c0_i32_0 : i32, i32
  }
  func.func @transform_5(%arg0: i32) -> (i32, i32) {
    %c0_i32 = arith.constant 0 : i32
    %c0_i32_0 = arith.constant 0 : i32
    %c0_i32_1 = arith.constant 0 : i32
    return %c0_i32, %c0_i32_0 : i32, i32
  }
}

</mosaic_0001>

<sc_bundles>
// kernel: kernel.5.cloned.1.call-start
scs
__scs_entry_jumppad:
0x0: {  	(pc) =	sbr.rel $0x88, $3  }
0x1: {  	(tag) =	ssettag $0x0;
	lr =	simm.s32 $0x1  }
0x2: {  	[smem:$0x3F9B] =	sst lr;
	_ =	strace $0xD0000000  }
0x3: {  	_ = 	snop  }
0x4: {  	_ = 	snop  }
0x5: {  	_ = 	snop  }
0x6: {  	_ = 	snop  }
0x7: {  	_ = 	snop  }
__scs_overlays_trampoline_lowered:
0x8: {  	[smem:$0x3FAA] =	sst s0  }
0x9: {  	[smem:$0x3FAB] =	sst s1  }
0xa: {  	[smem:$0x3FAC] =	sst s2  }
0xb: {  	[smem:$0x3FAD] =	sst s3  }
0xc: {  	[smem:$0x3FAE] =	sst s4  }
0xd: {  	[smem:$0x3FAF] =	sst s5  }
0xe: {  	[smem:$0x3FB0] =	sst s6  }
0xf: {  	[smem:$0x3FB1] =	sst s7  }
0x10: {  	[smem:$0x3FB2] =	sst s8  }
0x11: {  	[smem:$0x3FB3] =	sst s9;
	s0 =	simm.s32 @!p0 $0x0  }
0x12: {  	s1 =	sld [smem:$0x3F99];
	s0 =	simm.s32 @p0 $0x1  }
0x13: {  	[smem:$0x3FB4] =	sst s0;
	s0 =	simm.s32 @!p1 $0x0  }
0x14: {  	s2 =	sld [smem:$0x3F98];
	s0 =	simm.s32 @p1 $0x1  }
0x15: {  	[smem:$0x3FB5] =	sst s0;
	s0 =	simm.s32 @!p2 $0x0  }
0x16: {  	s3 =	sld [smem:$0x3FDB];
	s0 =	simm.s32 @p2 $0x1  }
0x17: {  	s4 =	simm.s32 $0x1BF5;
	[smem:$0x3FB7] =	sst s0  }
0x18: {  	s0 =	sld [smem:$0x3F9A];
	_ =	swait.ge [sflag:s4], $0x0  }
0x19: {  	s7 =	sld [smem:$0x3F9B]  }
0x1a: {  	s8 =	sadd.s32 $0xFFFFE003, lr  }
0x1b: {  	s9 =	sadd.s32 $0xFFFFFEF7, lr;
	s5 =	simm.s32 $0xFFFFFFFF;
	p2 =	slt.u32 s8, $0xFFFFF086  }
0x1c: {  	p1 =	slt.u32 s9, $0xF7A;
	s5 =	simm.s32 @!p2 $0x0  }
0x1d: {  	s5 =	simm.s32 @p1 $0x1;
	p0 =	seq.s32 s7, s2  }
0x1e: {  	s7 =	smul.u32 @!p0 $0xF7A, s2;
	p2 =	seq.s32 @!p0 s5, $0x0  }
0x1f: {  	s9 =	smul.u32 $0xF7A, s1;
	s8 =	simm.s32 @!p0 $0x1BF5;
	p2 =	por !p2, p0  }
0x20: {  	[sflag:s8] =	ssyncset.s32 @!p0 $0xFFFFF086;
	s6 =	sadd.s32 @!p0 s3, s7;
	s7 =	simm.s32 @!p0 $0x108  }
0x21: {  	s3 =	sadd.s32 s3, s9;
	s6 =	sadd.s32 @!p0 $0x88, s6;
	s7 =	simm.s32 @p2 $0x1082  }
0x22: {  	[simem:s7], [sflag:s8] =	dma.local @!p0 [hbm:s6], $0xF7A  }
0x23: {  	s9 =	sor.u32 $0xD0000000, s2;
	s6 =	simm.s32 $0x108;
	_ =	swait.ge @!p0 [sflag:s8], $0x0  }
0x24: {  	s3 =	sadd.s32 $0x88, s3;
	s6 =	simm.s32 @!p1 $0x1082;
	[sflag:s4] =	ssyncset.s32 $0xFFFFF086  }
0x25: {  	[simem:s6], [sflag:s4] =	dma.local [hbm:s3], $0xF7A  }
0x26: {  	[smem:$0x3F9B] =	sst s1;
	(tag) =	ssettag s2;
	_ =	strace s9  }
0x27: {  	s1 =	sld [smem:$0x3FAB]  }
0x28: {  	s2 =	sld [smem:$0x3FAC]  }
0x29: {  	s4 =	sld [smem:$0x3FAE]  }
0x2a: {  	p0 =	seq.s32 s5, $0x0;
	s5 =	sld [smem:$0x3FAF]  }
0x2b: {  	s6 =	sld [smem:$0x3FB0]  }
0x2c: {  	s7 =	sld [smem:$0x3FB1]  }
0x2d: {  	s3 =	simm.s32 $0x108;
	s8 =	sld [smem:$0x3FB2]  }
0x2e: {  	s3 =	simm.s32 @!p0 $0x1082;
	s9 =	sld [smem:$0x3FB3]  }
0x2f: {  	lr =	sadd.s32 s0, s3;
	s0 =	sld [smem:$0x3FAA]  }
0x30: {  	s3 =	sld [smem:$0x3FAD]  }
0x31: {  	[smem:$0x3FB6] =	sst s10  }
0x32: {  	s10 =	sld [smem:$0x3FB4];
	_ =	sdelay $0x3  }
0x33: {  	p0 =	seq.s32 s10, $0x1;
	s10 =	sld [smem:$0x3FB6];
	_ =	sdelay $0x3  }
0x34: {  	[smem:$0x3FB6] =	sst s10  }
0x35: {  	s10 =	sld [smem:$0x3FB5];
	_ =	sdelay $0x3  }
0x36: {  	p1 =	seq.s32 s10, $0x1;
	s10 =	sld [smem:$0x3FB6];
	_ =	sdelay $0x3  }
0x37: {  	[smem:$0x3FB6] =	sst s10  }
0x38: {  	s10 =	sld [smem:$0x3FB7]  }
0x39: {  	_ = 	snop;
	(pc) =	sbr.ind lr, $3  }
0x3a: {  	_ = 	snop  }
0x3b: {  	_ = 	snop  }
0x3c: {  	p2 =	seq.s32 s10, $0x1;
	s10 =	sld [smem:$0x3FB6]  }
0x3d: {  	_ =	shalt  }
0x3e: {  	_ =	shalt  }
0x3f: {  	_ =	shalt  }
0x40: {  	_ =	shalt  }
0x41: {  	_ =	shalt  }
0x42: {  	_ =	shalt  }
0x43: {  	_ =	shalt  }
0x44: {  	_ =	shalt  }
0x45: {  	_ =	shalt  }
0x46: {  	_ =	shalt  }
0x47: {  	_ =	shalt  }
0x48: {  	_ =	shalt  }
0x49: {  	_ =	shalt  }
0x4a: {  	_ =	shalt  }
0x4b: {  	_ =	shalt  }
0x4c: {  	_ =	shalt  }
0x4d: {  	_ =	shalt  }
0x4e: {  	_ =	shalt  }
0x4f: {  	_ =	shalt  }
0x50: {  	_ =	shalt  }
0x51: {  	_ =	shalt  }
0x52: {  	_ =	shalt  }
0x53: {  	_ =	shalt  }
0x54: {  	_ =	shalt  }
0x55: {  	_ =	shalt  }
0x56: {  	_ =	shalt  }
0x57: {  	_ =	shalt  }
0x58: {  	_ =	shalt  }
0x59: {  	_ =	shalt  }
0x5a: {  	_ =	shalt  }
0x5b: {  	_ =	shalt  }
0x5c: {  	_ =	shalt  }
0x5d: {  	_ =	shalt  }
0x5e: {  	_ =	shalt  }
0x5f: {  	_ =	shalt  }
0x60: {  	_ =	shalt  }
0x61: {  	_ =	shalt  }
0x62: {  	_ =	shalt  }
0x63: {  	_ =	shalt  }
0x64: {  	_ =	shalt  }
0x65: {  	_ =	shalt  }
0x66: {  	_ =	shalt  }
0x67: {  	_ =	shalt  }
0x68: {  	_ =	shalt  }
0x69: {  	_ =	shalt  }
0x6a: {  	_ =	shalt  }
0x6b: {  	_ =	shalt  }
0x6c: {  	_ =	shalt  }
0x6d: {  	_ =	shalt  }
0x6e: {  	_ =	shalt  }
0x6f: {  	_ =	shalt  }
0x70: {  	_ =	shalt  }
0x71: {  	_ =	shalt  }
0x72: {  	_ =	shalt  }
0x73: {  	_ =	shalt  }
0x74: {  	_ =	shalt  }
0x75: {  	_ =	shalt  }
0x76: {  	_ =	shalt  }
0x77: {  	_ =	shalt  }
0x78: {  	_ =	shalt  }
0x79: {  	_ =	shalt  }
0x7a: {  	_ =	shalt  }
0x7b: {  	_ =	shalt  }
0x7c: {  	_ =	shalt  }
0x7d: {  	_ =	shalt  }
0x7e: {  	_ =	shalt  }
0x7f: {  	_ =	shalt  }
0x80: {  	_ =	shalt  }
0x81: {  	_ =	shalt  }
0x82: {  	_ =	shalt  }
0x83: {  	_ =	shalt  }
0x84: {  	_ =	shalt  }
0x85: {  	_ =	shalt  }
0x86: {  	_ =	shalt  }
0x87: {  	_ =	shalt  }
.Lfunc_end0:
.L_simem_size_0:
called_computation_lowered:
.L_overlay_start_0:
0x88: {  	s2 =	sld [smem:$0x3FD9]  }
0x89: {  	s3 =	sld [smem:$0x3FFE];
	_ =	sdelay $0x1  }
0x8a: {  	s1 =	srdreg.scid  }
0x8b: {  	s0 =	sand.u32 $0x1, s1  }
0x8c: {  	s17 =	sshll.u32 s0, $0xA;
	s2 =	sadd.s32 s3, s2  }
0x8d: {  	s2 =	sadd.s32 s2, s17  }
0x8e: {  	[smem:$0x3FC2] =	sst s2  }
0x8f: {  	_ = 	snop  }
0x90: {  	s2 =	sld [smem:$0x3FC8];
	(tm) =	ssettm $0x1  }
0x91: {  	s18 =	sld [smem:$0x3FFB];
	_ =	sdelay $0x3  }
0x92: {  	_ =	strace s18  }
0x93: {  	s3 =	sld [smem:$0x3FFC];
	_ =	sdelay $0x3  }
0x94: {  	_ =	strace s3  }
0x95: {  	s3 =	sld [smem:$0x3FFD];
	_ =	sdelay $0x3  }
0x96: {  	_ =	strace s3  }
0x97: {  	_ =	strace $0x8FFFFFFF  }
0x98: {  	s19 =	sld [smem:$0x3FDB];
	_ =	sdelay $0x1  }
0x99: {  	s4 =	simm.s32 $_scs_section_size  }
0x9a: {  	s5 =	simm.s32 $_size__tile_overlayer_lowered;
	s6 =	simm.s32 $_tile_overlayer_lowered  }
0x9b: {  	s22 =	simm.s32 $0x1BFF;
	s21 =	sshll.u32 s6, $0x1;
	s3 =	sadd.s32 s4, s19  }
0x9c: {  	s7 =	simm.s32 $0x0;
	s20 =	sshll.u32 s5, $0x1;
	s5 =	sadd.s32 s21, s3  }
0x9d: {  	[timem:s7], [sflag:s22] =	dma.local [hbm:s5], s20  }
0x9e: {  	_ =	swait.ge [sflag:s22], s20  }
0x9f: {  	s4 =	ssub.s32 $0x0, s20;
	[sflag:s22] =	ssyncset.done $0x0  }
0xa0: {  	[sflag:s22] =	ssyncadd.s32 s4;
	_ =	sdelay $0x1  }
0xa1: {  	s23 =	simm.s32 $0x1B8B  }
0xa2: {  	_ =	swait.ge [sflag:s23], $0x1  }
0xa3: {  	[sflag:s23] =	ssyncset.done $0x0  }
0xa4: {  	s25 =	simm.s32 $0x1B8E;
	s24 =	sld [smem:$0x3FFE];
	[sflag:s23] =	ssyncadd.s32 $0xFFFFFFFF  }
0xa5: {  	s26 =	simm.s32 $execute0_lowered;
	[smem:$0x3FD2] =	sst s25  }
0xa6: {  	s5 =	sshll.u32 s26, $0x1;
	_ =	strace $0x80000046;
	[dreg:$0x1] =	wrdreg $0xFFFFFFFF  }
0xa7: {  	s28 =	simm.s32 $_size_execute0_lowered;
	s3 =	sadd.s32 s3, s5;
	[dreg:$0x0] =	wrdreg $0x0  }
0xa8: {  	s5 =	sshll.u32 s28, $0x1;
	[dreg:$0x2] =	wrdreg s3  }
0xa9: {  	[dreg:$0x3] =	wrdreg s5  }
0xaa: {  	[dreg:$0x4] =	wrdreg $0xC0  }
0xab: {  	_ =	task [dreg:s7], $0x5FFFF  }
0xac: {  	[dreg:$0x1] =	wrdreg $0xFFFFFFFF  }
0xad: {  	[dreg:$0x0] =	wrdreg $0x60  }
0xae: {  	[dreg:$0x2] =	wrdreg s2  }
0xaf: {  	[dreg:$0x3] =	wrdreg s24  }
0xb0: {  	[dreg:$0x4] =	wrdreg $0x9  }
0xb1: {  	_ =	task.clear_ibuf [dreg:s7], $0x5FFFF;
	_ =	strace $0x90000046  }
0xb2: {  	s29 =	simm.s32 $0x9;
	_ =	strace $0x80000048  }
0xb3: {  	_ =	swait.ge [sflag:s29], $0x1  }
0xb4: {  	[sflag:s29] =	ssyncadd.s32 $0xFFFFFFFF  }
0xb5: {  	_ =	strace $0x90000048  }
0xb6: {  	_ =	sfence  }
0xb7: {  	s30 =	sld [smem:$0x0];
	_ =	sdelay $0x2  }
0xb8: {  	s31 =	sshll.u32 s1, $0xD;
	s1 =	sshrl.u32 s1, $0x2  }
0xb9: {  	s3 =	sand.u32 $0x4000, s31;
	s1 =	sadd.s32 s1, s30  }
0xba: {  	s0 =	sor.u32 s3, s0;
	s1 =	sshll.u32 s1, $0x11  }
0xbb: {  	s0 =	sor.u32 s1, s0  }
0xbc: {  	s0 =	sadd.s32 $0x8F2B, s0  }
0xbd: {  	[sflag:s0] =	ssyncadd.remote.s32 $0x1  }
0xbe: {  	_ =	sfence.sel $0xFFFF  }
0xbf: {  	[dreg:$0x0] =	wrdreg $0xFFFFFFFF;
	(pc) =	sbr.abs _section_cstart, $3  }
0xc0: {  	[dreg:$0x1] =	wrdreg $0xFFFFFFFF  }
0xc1: {  	_ =	task.clear_ibuf [dreg:s7], $0x2FFFF;
	_ =	strace $0x9FFFFFFF  }
0xc2: {  	(tm) =	ssettm $0x7FFFFFFF  }
0xc3: {  	_ =	shalt  }
tec
execute0_lowered:
.L_overlay_start_1:
0x0: {  	(tag) =	ssettag $0x1  }
0x1: {  	s7 =	stileid.u32;
	s0 =	rddreg [dreg:$0x0]  }
0x2: {  	s1 =	srdreg.scid;
	s3 =	rddreg [dreg:$0x1];
	s28 =	simm.s32 $0x2  }
0x3: {  	s29 =	simm.s32 $0x4;
	s30 =	simm.s32 $0x0;
	s31 =	simm.s32 $0x0  }
0x4: {  	s2 =	sshll.u32 s7, $0x1;
	s1 =	sand.u32 $0x1, s1;
	s7 =	sshrl.u32 s7, $0x1  }
0x5: {  	s4 =	sand.u32 $0x2, s2;
	s2 =	simm.s32 $0x0;
	s20 =	smul.u32 $0x1E800, s7  }
0x6: {  	s22 =	smul.u32 $0xF4000, s7;
	p0 =	sne.s32 s7, $0x7;
	s4 =	sor.u32 s1, s4  }
0x7: {  	[smem:$0x7FF] =	sst s2;
	s1 =	ssub.s32 $0x2, s1;
	s5 =	smul.u32 $0x280, s4  }
0x8: {  	_ =	strace $0x80000047;
	s4 =	smul.u32 $0x7A1400, s4;
	s6 =	sshrl.u32 s1, $0x1  }
0x9: {  	s1 =	ssub.s32 s1, s6;
	s5 =	sadd.s32 s5, s3;
	s3 =	sadd.s32 $0x1C00, s3  }
0xa: {  	s8 =	sshrl.u32 s4, $0x3;
	s12 =	sadd.s32 s20, s4;
	s26 =	smax.u32 s1, $0x1  }
0xb: {  	s1 =	simm.s32 $0x3;
	s5 =	sadd.s32 $0x1200, s5;
	s15 =	sadd.s32 $0x1E8500, s12  }
0xc: {  	s13 =	sadd.s32 s3, s8;
	s16 =	sadd.s32 $0x2DC780, s12;
	s17 =	sadd.s32 $0x3D0A00, s12  }
0xd: {  	s19 =	sadd.s32 $0x4C4C80, s12;
	[dreg:$0x9] =	wrdreg s26;
	s26 =	simm.s32 $0x1  }
0xe: {  	[dreg:$0x3] =	wrdreg s5;
	s21 =	sadd.s32 $0x1E800, s13;
	s9 =	sadd.s32 $0x3D050, s13  }
0xf: {  	s23 =	sadd.s32 $0x5B8A0, s13;
	s24 =	sadd.s32 $0x7A0F0, s13;
	[dreg:$0x4] =	wrdreg s21  }
0x10: {  	s10 =	sadd.s32 $0xB7190, s13;
	s5 =	sadd.s32 s22, s4;
	[dreg:$0x5] =	wrdreg s9  }
0x11: {  	s11 =	sadd.s32 $0xD59E0, s13;
	s22 =	sadd.s32 $0x6AD180, s12;
	[dreg:$0x6] =	wrdreg s23  }
0x12: {  	[dreg:$0x7] =	wrdreg s24;
	s9 =	sadd.s32 $0x98940, s13;
	s5 =	sshrl.u32 s5, $0x3  }
0x13: {  	s13 =	sadd.s32 $0xF4230, s13;
	s25 =	sadd.s32 s0, s5;
	s0 =	sadd.s32 s0, s20  }
0x14: {  	s21 =	sadd.s32 $0xF4280, s12;
	s20 =	sadd.s32 $0x5B8F00, s12;
	s18 =	sadd.s32 s8, s0  }
0x15: {  	[dreg:$0x8] =	wrdreg s25;
	s0 =	simm.s32 $0xF400;
	s23 =	sadd.s32 $0x3D00, s18  }
.LBB2_1:
.Ltmp0:
0x16: {  	(pc) =	sbr.rel @p0 .LBB2_3-.Ltmp0, $1  }
0x17: {  	_ =	sdelay $0x3  }
0x18: {  	s4 =	rddreg [dreg:$0x3];
	s6 =	simm.s32 $0x1E800  }
0x19: {  	[tilespmem:s6], [sflag:$0x1] =	stream.linear.gather [hbm4b:s4+s2], $0x1400, $0x38;
	[tilespmem:$0x1FC00] =	vst v63  }
0x1a: {  	_ =	swait.ge [sflag:s26], $0x1400  }
0x1b: {  	[sflag:s26] =	ssyncset.done $0x0  }
0x1c: {  	s5 =	rddreg [dreg:$0x4];
	[sflag:s26] =	ssyncadd.s32 $0xFFFFEC00  }
0x1d: {  	[hbm4b:s5+s2] =	stream.linear.scatter [tilespmem:s6], [sflag:$0x3], $0x80, $0x38;
	[tilespmem:$0x1FC00] =	vst v63  }
0x1e: {  	s14 =	simm.s32 $0x1EC00;
	s8 =	sadd.s32 $0x10, s5  }
0x1f: {  	[hbm4b:s8+s2] =	stream.linear.scatter [tilespmem:s14], [sflag:$0x3], $0x80, $0x38;
	[tilespmem:$0x1FC00] =	vst v63  }
0x20: {  	s25 =	simm.s32 $0x1F000;
	s24 =	sadd.s32 $0x20, s5  }
0x21: {  	[hbm4b:s24+s2] =	stream.linear.scatter [tilespmem:s25], [sflag:$0x3], $0x80, $0x38;
	[tilespmem:$0x1FC00] =	vst v63  }
0x22: {  	s7 =	sadd.s32 $0x30, s5;
	s8 =	simm.s32 $0x1F400  }
0x23: {  	[hbm4b:s7+s2] =	stream.linear.scatter [tilespmem:s8], [sflag:$0x3], $0x80, $0x38;
	[tilespmem:$0x1FC00] =	vst v63  }
0x24: {  	s14 =	sadd.s32 $0x40, s5;
	s24 =	simm.s32 $0x1F800  }
0x25: {  	[hbm4b:s14+s2] =	stream.linear.scatter [tilespmem:s24], [sflag:$0x3], $0x80, $0x38;
	[tilespmem:$0x1FC00] =	vst v63  }
0x26: {  	_ =	swait.ge [sflag:s1], $0x280  }
0x27: {  	[sflag:s1] =	ssyncset.done $0x0  }
0x28: {  	s25 =	simm.s32 $0x1E880;
	s5 =	rddreg [dreg:$0x5];
	[sflag:s1] =	ssyncadd.s32 $0xFFFFFD80  }
0x29: {  	[hbm4b:s5+s2] =	stream.linear.scatter [tilespmem:s25], [sflag:$0x3], $0x80, $0x38;
	[tilespmem:$0x1FC00] =	vst v63  }
0x2a: {  	s7 =	simm.s32 $0x1EC80;
	s6 =	sadd.s32 $0x10, s5  }
0x2b: {  	[hbm4b:s6+s2] =	stream.linear.scatter [tilespmem:s7], [sflag:$0x3], $0x80, $0x38;
	[tilespmem:$0x1FC00] =	vst v63  }
0x2c: {  	s14 =	simm.s32 $0x1F080;
	s8 =	sadd.s32 $0x20, s5  }
0x2d: {  	[hbm4b:s8+s2] =	stream.linear.scatter [tilespmem:s14], [sflag:$0x3], $0x80, $0x38;
	[tilespmem:$0x1FC00] =	vst v63  }
0x2e: {  	s24 =	sadd.s32 $0x30, s5;
	s25 =	simm.s32 $0x1F480  }
0x2f: {  	[hbm4b:s24+s2] =	stream.linear.scatter [tilespmem:s25], [sflag:$0x3], $0x80, $0x38;
	[tilespmem:$0x1FC00] =	vst v63  }
0x30: {  	s5 =	sadd.s32 $0x40, s5;
	s6 =	simm.s32 $0x1F880  }
0x31: {  	[hbm4b:s5+s2] =	stream.linear.scatter [tilespmem:s6], [sflag:$0x3], $0x80, $0x38;
	[tilespmem:$0x1FC00] =	vst v63  }
0x32: {  	_ =	swait.ge [sflag:s1], $0x280  }
0x33: {  	[sflag:s1] =	ssyncset.done $0x0  }
0x34: {  	s7 =	simm.s32 $0x1E900;
	s5 =	rddreg [dreg:$0x6];
	[sflag:s1] =	ssyncadd.s32 $0xFFFFFD80  }
0x35: {  	[hbm4b:s5+s2] =	stream.linear.scatter [tilespmem:s7], [sflag:$0x3], $0x80, $0x38;
	[tilespmem:$0x1FC00] =	vst v63  }
0x36: {  	s14 =	simm.s32 $0x1ED00;
	s8 =	sadd.s32 $0x10, s5  }
0x37: {  	[hbm4b:s8+s2] =	stream.linear.scatter [tilespmem:s14], [sflag:$0x3], $0x80, $0x38;
	[tilespmem:$0x1FC00] =	vst v63  }
0x38: {  	s25 =	simm.s32 $0x1F100;
	s24 =	sadd.s32 $0x20, s5  }
0x39: {  	[hbm4b:s24+s2] =	stream.linear.scatter [tilespmem:s25], [sflag:$0x3], $0x80, $0x38;
	[tilespmem:$0x1FC00] =	vst v63  }
0x3a: {  	s7 =	sadd.s32 $0x30, s5;
	s8 =	simm.s32 $0x1F500  }
0x3b: {  	[hbm4b:s7+s2] =	stream.linear.scatter [tilespmem:s8], [sflag:$0x3], $0x80, $0x38;
	[tilespmem:$0x1FC00] =	vst v63  }
0x3c: {  	s14 =	sadd.s32 $0x40, s5;
	s24 =	simm.s32 $0x1F900  }
0x3d: {  	[hbm4b:s14+s2] =	stream.linear.scatter [tilespmem:s24], [sflag:$0x3], $0x80, $0x38;
	[tilespmem:$0x1FC00] =	vst v63  }
0x3e: {  	_ =	swait.ge [sflag:s1], $0x280  }
0x3f: {  	[sflag:s1] =	ssyncset.done $0x0  }
0x40: {  	s25 =	simm.s32 $0x1E980;
	s5 =	rddreg [dreg:$0x7];
	[sflag:s1] =	ssyncadd.s32 $0xFFFFFD80  }
0x41: {  	[hbm4b:s5+s2] =	stream.linear.scatter [tilespmem:s25], [sflag:$0x3], $0x80, $0x38;
	[tilespmem:$0x1FC00] =	vst v63  }
0x42: {  	s7 =	simm.s32 $0x1ED80;
	s6 =	sadd.s32 $0x10, s5  }
0x43: {  	[hbm4b:s6+s2] =	stream.linear.scatter [tilespmem:s7], [sflag:$0x3], $0x80, $0x38;
	[tilespmem:$0x1FC00] =	vst v63  }
0x44: {  	s14 =	simm.s32 $0x1F180;
	s8 =	sadd.s32 $0x20, s5  }
0x45: {  	[hbm4b:s8+s2] =	stream.linear.scatter [tilespmem:s14], [sflag:$0x3], $0x80, $0x38;
	[tilespmem:$0x1FC00] =	vst v63  }
0x46: {  	s24 =	sadd.s32 $0x30, s5;
	s25 =	simm.s32 $0x1F580  }
0x47: {  	[hbm4b:s24+s2] =	stream.linear.scatter [tilespmem:s25], [sflag:$0x3], $0x80, $0x38;
	[tilespmem:$0x1FC00] =	vst v63  }
0x48: {  	s7 =	sadd.s32 $0x40, s5;
	s8 =	simm.s32 $0x1F980  }
0x49: {  	[hbm4b:s7+s2] =	stream.linear.scatter [tilespmem:s8], [sflag:$0x3], $0x80, $0x38;
	[tilespmem:$0x1FC00] =	vst v63  }
0x4a: {  	_ =	swait.ge [sflag:s1], $0x280  }
0x4b: {  	[sflag:s1] =	ssyncset.done $0x0  }
0x4c: {  	s14 =	simm.s32 $0x1EA00;
	[sflag:s1] =	ssyncadd.s32 $0xFFFFFD80  }
0x4d: {  	[hbm4b:s9+s2] =	stream.linear.scatter [tilespmem:s14], [sflag:$0x3], $0x80, $0x38;
	[tilespmem:$0x1FC00] =	vst v63  }
0x4e: {  	s24 =	sadd.s32 $0x10, s9;
	s25 =	simm.s32 $0x1EE00  }
0x4f: {  	[hbm4b:s24+s2] =	stream.linear.scatter [tilespmem:s25], [sflag:$0x3], $0x80, $0x38;
	[tilespmem:$0x1FC00] =	vst v63  }
0x50: {  	s6 =	sadd.s32 $0x20, s9;
	s7 =	simm.s32 $0x1F200  }
0x51: {  	[hbm4b:s6+s2] =	stream.linear.scatter [tilespmem:s7], [sflag:$0x3], $0x80, $0x38;
	[tilespmem:$0x1FC00] =	vst v63  }
0x52: {  	s8 =	sadd.s32 $0x30, s9;
	s14 =	simm.s32 $0x1F600  }
0x53: {  	[hbm4b:s8+s2] =	stream.linear.scatter [tilespmem:s14], [sflag:$0x3], $0x80, $0x38;
	[tilespmem:$0x1FC00] =	vst v63  }
0x54: {  	s24 =	sadd.s32 $0x40, s9;
	s25 =	simm.s32 $0x1FA00  }
0x55: {  	[hbm4b:s24+s2] =	stream.linear.scatter [tilespmem:s25], [sflag:$0x3], $0x80, $0x38;
	[tilespmem:$0x1FC00] =	vst v63  }
0x56: {  	_ =	swait.ge [sflag:s1], $0x280  }
0x57: {  	[sflag:s1] =	ssyncset.done $0x0  }
0x58: {  	s5 =	simm.s32 $0x1EA80;
	[sflag:s1] =	ssyncadd.s32 $0xFFFFFD80  }
0x59: {  	[hbm4b:s10+s2] =	stream.linear.scatter [tilespmem:s5], [sflag:$0x3], $0x80, $0x38;
	[tilespmem:$0x1FC00] =	vst v63  }
0x5a: {  	s6 =	sadd.s32 $0x10, s10;
	s7 =	simm.s32 $0x1EE80  }
0x5b: {  	[hbm4b:s6+s2] =	stream.linear.scatter [tilespmem:s7], [sflag:$0x3], $0x80, $0x38;
	[tilespmem:$0x1FC00] =	vst v63  }
0x5c: {  	s8 =	sadd.s32 $0x20, s10;
	s14 =	simm.s32 $0x1F280  }
0x5d: {  	[hbm4b:s8+s2] =	stream.linear.scatter [tilespmem:s14], [sflag:$0x3], $0x80, $0x38;
	[tilespmem:$0x1FC00] =	vst v63  }
0x5e: {  	s24 =	sadd.s32 $0x30, s10;
	s25 =	simm.s32 $0x1F680  }
0x5f: {  	[hbm4b:s24+s2] =	stream.linear.scatter [tilespmem:s25], [sflag:$0x3], $0x80, $0x38;
	[tilespmem:$0x1FC00] =	vst v63  }
0x60: {  	s5 =	sadd.s32 $0x40, s10;
	s6 =	simm.s32 $0x1FA80  }
0x61: {  	[hbm4b:s5+s2] =	stream.linear.scatter [tilespmem:s6], [sflag:$0x3], $0x80, $0x38;
	[tilespmem:$0x1FC00] =	vst v63  }
0x62: {  	_ =	swait.ge [sflag:s1], $0x280  }
0x63: {  	[sflag:s1] =	ssyncset.done $0x0  }
0x64: {  	s7 =	simm.s32 $0x1EB00;
	[sflag:s1] =	ssyncadd.s32 $0xFFFFFD80  }
0x65: {  	[hbm4b:s11+s2] =	stream.linear.scatter [tilespmem:s7], [sflag:$0x3], $0x80, $0x38;
	[tilespmem:$0x1FC00] =	vst v63  }
0x66: {  	s8 =	sadd.s32 $0x10, s11;
	s14 =	simm.s32 $0x1EF00  }
0x67: {  	[hbm4b:s8+s2] =	stream.linear.scatter [tilespmem:s14], [sflag:$0x3], $0x80, $0x38;
	[tilespmem:$0x1FC00] =	vst v63  }
0x68: {  	s24 =	sadd.s32 $0x20, s11;
	s25 =	simm.s32 $0x1F300  }
0x69: {  	[hbm4b:s24+s2] =	stream.linear.scatter [tilespmem:s25], [sflag:$0x3], $0x80, $0x38;
	[tilespmem:$0x1FC00] =	vst v63  }
0x6a: {  	s5 =	sadd.s32 $0x30, s11;
	s6 =	simm.s32 $0x1F700  }
0x6b: {  	[hbm4b:s5+s2] =	stream.linear.scatter [tilespmem:s6], [sflag:$0x3], $0x80, $0x38;
	[tilespmem:$0x1FC00] =	vst v63  }
0x6c: {  	s7 =	sadd.s32 $0x40, s11;
	s8 =	simm.s32 $0x1FB00  }
0x6d: {  	[hbm4b:s7+s2] =	stream.linear.scatter [tilespmem:s8], [sflag:$0x3], $0x80, $0x38;
	[tilespmem:$0x1FC00] =	vst v63  }
0x6e: {  	_ =	swait.ge [sflag:s1], $0x280  }
0x6f: {  	[sflag:s1] =	ssyncset.done $0x0  }
0x70: {  	s14 =	simm.s32 $0x1EB80;
	[sflag:s1] =	ssyncadd.s32 $0xFFFFFD80  }
0x71: {  	[hbm4b:s13+s2] =	stream.linear.scatter [tilespmem:s14], [sflag:$0x3], $0x80, $0x38;
	[tilespmem:$0x1FC00] =	vst v63  }
0x72: {  	s24 =	sadd.s32 $0x10, s13;
	s25 =	simm.s32 $0x1EF80  }
0x73: {  	[hbm4b:s24+s2] =	stream.linear.scatter [tilespmem:s25], [sflag:$0x3], $0x80, $0x38;
	[tilespmem:$0x1FC00] =	vst v63  }
0x74: {  	s6 =	sadd.s32 $0x20, s13;
	s7 =	simm.s32 $0x1F380  }
0x75: {  	[hbm4b:s6+s2] =	stream.linear.scatter [tilespmem:s7], [sflag:$0x3], $0x80, $0x38;
	[tilespmem:$0x1FC00] =	vst v63  }
0x76: {  	s8 =	sadd.s32 $0x30, s13;
	s14 =	simm.s32 $0x1F780  }
0x77: {  	[hbm4b:s8+s2] =	stream.linear.scatter [tilespmem:s14], [sflag:$0x3], $0x80, $0x38;
	[tilespmem:$0x1FC00] =	vst v63  }
0x78: {  	s24 =	sadd.s32 $0x40, s13;
	s25 =	simm.s32 $0x1FB80  }
0x79: {  	[hbm4b:s24+s2] =	stream.linear.scatter [tilespmem:s25], [sflag:$0x3], $0x80, $0x38;
	[tilespmem:$0x1FC00] =	vst v63  }
0x7a: {  	_ =	swait.ge [sflag:s1], $0x280  }
0x7b: {  	[sflag:s1] =	ssyncset.done $0x0  }
0x7c: {  	[sflag:s1] =	ssyncadd.s32 $0xFFFFFD80  }
.LBB2_3:
0x7d: {  	[bflag:$0x0] =	sbarrier.arrive $0xFFFF  }
0x7e: {  	s4 =	rddreg [dreg:$0x8]  }
0x7f: {  	[tilespmem:s31], [sflag:$0x1] =	stream.linear.gather [hbm4b:s4+s31], $0xF400, $0x38;
	[tilespmem:$0x1FC00] =	vst v63  }
0x80: {  	s4 =	simm.s32 $0x0  }
.LBB2_4:
0x81: {  	_ =	swait.ge [sflag:s26], $0xF400  }
0x82: {  	p1 =	seq.s32 s4, $0x0;
	[sflag:s26] =	ssyncset.done $0x0  }
0x83: {  	s5 =	simm.s32 @!p1 $0x4;
	[sflag:s26] =	ssyncadd.s32 $0xFFFF0C00  }
0x84: {  	_ =	swait.ge @!p1 [sflag:s5], $0x1E80  }
0x85: {  	[sflag:s5] =	ssyncset.done @!p1 $0x0  }
0x86: {  	[sflag:s5] =	ssyncadd.s32 @!p1 $0xFFFFE180  }
0x87: {  	_ =	swait.ge @!p1 [sflag:s5], $0x1E80  }
0x88: {  	[sflag:s5] =	ssyncset.done @!p1 $0x0  }
0x89: {  	[sflag:s5] =	ssyncadd.s32 @!p1 $0xFFFFE180  }
0x8a: {  	_ =	swait.ge @!p1 [sflag:s5], $0x1E80  }
0x8b: {  	[sflag:s5] =	ssyncset.done @!p1 $0x0  }
0x8c: {  	[sflag:s5] =	ssyncadd.s32 @!p1 $0xFFFFE180  }
0x8d: {  	_ =	swait.ge @!p1 [sflag:s5], $0x1E80  }
0x8e: {  	[sflag:s5] =	ssyncset.done @!p1 $0x0  }
0x8f: {  	[sflag:s5] =	ssyncadd.s32 @!p1 $0xFFFFE180  }
0x90: {  	_ =	swait.ge @!p1 [sflag:s5], $0x1E80  }
0x91: {  	[sflag:s5] =	ssyncset.done @!p1 $0x0  }
0x92: {  	[sflag:s5] =	ssyncadd.s32 @!p1 $0xFFFFE180  }
0x93: {  	_ =	swait.ge @!p1 [sflag:s5], $0x1E80  }
0x94: {  	[sflag:s5] =	ssyncset.done @!p1 $0x0  }
0x95: {  	[sflag:s5] =	ssyncadd.s32 @!p1 $0xFFFFE180  }
0x96: {  	_ =	swait.ge @!p1 [sflag:s5], $0x1E80  }
0x97: {  	[sflag:s5] =	ssyncset.done @!p1 $0x0  }
0x98: {  	s14 =	smul.u32 $0x3D00, s4;
	[sflag:s5] =	ssyncadd.s32 @!p1 $0xFFFFE180  }
0x99: {  	_ =	swait.ge @!p1 [sflag:s5], $0x1E80  }
0x9a: {  	s25 =	sadd.s32 $0x1E80, s14;
	s24 =	sadd.s32 s12, s14;
	[sflag:s5] =	ssyncset.done @!p1 $0x0  }
0x9b: {  	s8 =	sadd.s32 s25, s18;
	[sflag:s5] =	ssyncadd.s32 @!p1 $0xFFFFE180;
	s5 =	sshrl.u32 s24, $0x3  }
0x9c: {  	[tilespmem:s0], [sflag:$0x2] =	stream.linear.gather [hbm4b:s8+s31], $0xF400, $0x38;
	[tilespmem:$0x1FC00] =	vst v63  }
0x9d: {  	s6 =	simm.s32 $0x400;
	s24 =	sadd.s32 s3, s5  }
0x9e: {  	s7 =	simm.s32 $0x0;
	s5 =	simm.s32 $0x10;
	s8 =	sadd.s32 $0x0, s24  }
.LBB2_5:
0x9f: {  	[hbm4b:s8+s2] =	stream.linear.scatter [tilespmem:s7], [sflag:$0x3], $0x80, $0x38;
	[tilespmem:$0x1FC00] =	vst v63  }
0xa0: {  	s8 =	smov.u32 s5;
	s7 =	smov.u32 s6;
	p1 =	sne.s32 s5, $0x3C0  }
.Ltmp1:
0xa1: {  	s5 =	sadd.s32 $0x10, s5;
	(pc) =	sbr.rel @p1 .LBB2_5-.Ltmp1, $2  }
0xa2: {  	_ =	sdelay $0x2  }
0xa3: {  	s6 =	sadd.s32 $0x400, s6;
	s8 =	sadd.s32 s8, s24  }
0xa4: {  	[hbm4b:s8+s2] =	stream.linear.scatter [tilespmem:s7], [sflag:$0x3], $0x80, $0x38;
	[tilespmem:$0x1FC00] =	vst v63  }
0xa5: {  	s5 =	sadd.s32 s21, s14  }
0xa6: {  	s5 =	sshrl.u32 s5, $0x3  }
0xa7: {  	s6 =	simm.s32 $0x10;
	s24 =	sadd.s32 s3, s5  }
0xa8: {  	s7 =	simm.s32 $0x480;
	s5 =	simm.s32 $0x80;
	s8 =	sadd.s32 $0x0, s24  }
.LBB2_7:
0xa9: {  	[hbm4b:s8+s2] =	stream.linear.scatter [tilespmem:s5], [sflag:$0x3], $0x80, $0x38;
	[tilespmem:$0x1FC00] =	vst v63  }
0xaa: {  	s8 =	smov.u32 s6;
	s5 =	smov.u32 s7;
	p1 =	sne.s32 s6, $0x3C0  }
.Ltmp2:
0xab: {  	s6 =	sadd.s32 $0x10, s6;
	(pc) =	sbr.rel @p1 .LBB2_7-.Ltmp2, $2  }
0xac: {  	_ =	sdelay $0x2  }
0xad: {  	s7 =	sadd.s32 $0x400, s7;
	s8 =	sadd.s32 s8, s24  }
0xae: {  	[hbm4b:s8+s2] =	stream.linear.scatter [tilespmem:s5], [sflag:$0x3], $0x80, $0x38;
	[tilespmem:$0x1FC00] =	vst v63  }
0xaf: {  	s24 =	sadd.s32 s15, s14  }
0xb0: {  	s5 =	sshrl.u32 s24, $0x3  }
0xb1: {  	s6 =	simm.s32 $0x10;
	s24 =	sadd.s32 s3, s5  }
0xb2: {  	s7 =	simm.s32 $0x500;
	s5 =	simm.s32 $0x100;
	s8 =	sadd.s32 $0x0, s24  }
.LBB2_9:
0xb3: {  	[hbm4b:s8+s2] =	stream.linear.scatter [tilespmem:s5], [sflag:$0x3], $0x80, $0x38;
	[tilespmem:$0x1FC00] =	vst v63  }
0xb4: {  	s8 =	smov.u32 s6;
	s5 =	smov.u32 s7;
	p1 =	sne.s32 s6, $0x3C0  }
.Ltmp3:
0xb5: {  	s6 =	sadd.s32 $0x10, s6;
	(pc) =	sbr.rel @p1 .LBB2_9-.Ltmp3, $2  }
0xb6: {  	_ =	sdelay $0x2  }
0xb7: {  	s7 =	sadd.s32 $0x400, s7;
	s8 =	sadd.s32 s8, s24  }
0xb8: {  	[hbm4b:s8+s2] =	stream.linear.scatter [tilespmem:s5], [sflag:$0x3], $0x80, $0x38;
	[tilespmem:$0x1FC00] =	vst v63  }
0xb9: {  	s24 =	sadd.s32 s16, s14  }
0xba: {  	s5 =	sshrl.u32 s24, $0x3  }
0xbb: {  	s6 =	simm.s32 $0x10;
	s24 =	sadd.s32 s3, s5  }
0xbc: {  	s7 =	simm.s32 $0x580;
	s5 =	simm.s32 $0x180;
	s8 =	sadd.s32 $0x0, s24  }
.LBB2_11:
0xbd: {  	[hbm4b:s8+s2] =	stream.linear.scatter [tilespmem:s5], [sflag:$0x3], $0x80, $0x38;
	[tilespmem:$0x1FC00] =	vst v63  }
0xbe: {  	s8 =	smov.u32 s6;
	s5 =	smov.u32 s7;
	p1 =	sne.s32 s6, $0x3C0  }
.Ltmp4:
0xbf: {  	s6 =	sadd.s32 $0x10, s6;
	(pc) =	sbr.rel @p1 .LBB2_11-.Ltmp4, $2  }
0xc0: {  	_ =	sdelay $0x2  }
0xc1: {  	s7 =	sadd.s32 $0x400, s7;
	s8 =	sadd.s32 s8, s24  }
0xc2: {  	[hbm4b:s8+s2] =	stream.linear.scatter [tilespmem:s5], [sflag:$0x3], $0x80, $0x38;
	[tilespmem:$0x1FC00] =	vst v63  }
0xc3: {  	s24 =	sadd.s32 s17, s14  }
0xc4: {  	s5 =	sshrl.u32 s24, $0x3  }
0xc5: {  	s6 =	simm.s32 $0x10;
	s24 =	sadd.s32 s3, s5  }
0xc6: {  	s7 =	simm.s32 $0x600;
	s5 =	simm.s32 $0x200;
	s8 =	sadd.s32 $0x0, s24  }
.LBB2_13:
0xc7: {  	[hbm4b:s8+s2] =	stream.linear.scatter [tilespmem:s5], [sflag:$0x3], $0x80, $0x38;
	[tilespmem:$0x1FC00] =	vst v63  }
0xc8: {  	s8 =	smov.u32 s6;
	s5 =	smov.u32 s7;
	p1 =	sne.s32 s6, $0x3C0  }
.Ltmp5:
0xc9: {  	s6 =	sadd.s32 $0x10, s6;
	(pc) =	sbr.rel @p1 .LBB2_13-.Ltmp5, $2  }
0xca: {  	_ =	sdelay $0x2  }
0xcb: {  	s7 =	sadd.s32 $0x400, s7;
	s8 =	sadd.s32 s8, s24  }
0xcc: {  	[hbm4b:s8+s2] =	stream.linear.scatter [tilespmem:s5], [sflag:$0x3], $0x80, $0x38;
	[tilespmem:$0x1FC00] =	vst v63  }
0xcd: {  	s24 =	sadd.s32 s19, s14  }
0xce: {  	s5 =	sshrl.u32 s24, $0x3  }
0xcf: {  	s6 =	simm.s32 $0x10;
	s24 =	sadd.s32 s3, s5  }
0xd0: {  	s7 =	simm.s32 $0x680;
	s5 =	simm.s32 $0x280;
	s8 =	sadd.s32 $0x0, s24  }
.LBB2_15:
0xd1: {  	[hbm4b:s8+s2] =	stream.linear.scatter [tilespmem:s5], [sflag:$0x3], $0x80, $0x38;
	[tilespmem:$0x1FC00] =	vst v63  }
0xd2: {  	s8 =	smov.u32 s6;
	s5 =	smov.u32 s7;
	p1 =	sne.s32 s6, $0x3C0  }
.Ltmp6:
0xd3: {  	s6 =	sadd.s32 $0x10, s6;
	(pc) =	sbr.rel @p1 .LBB2_15-.Ltmp6, $2  }
0xd4: {  	_ =	sdelay $0x2  }
0xd5: {  	s7 =	sadd.s32 $0x400, s7;
	s8 =	sadd.s32 s8, s24  }
0xd6: {  	[hbm4b:s8+s2] =	stream.linear.scatter [tilespmem:s5], [sflag:$0x3], $0x80, $0x38;
	[tilespmem:$0x1FC00] =	vst v63  }
0xd7: {  	s24 =	sadd.s32 s20, s14  }
0xd8: {  	s5 =	sshrl.u32 s24, $0x3  }
0xd9: {  	s6 =	simm.s32 $0x10;
	s24 =	sadd.s32 s3, s5  }
0xda: {  	s7 =	simm.s32 $0x700;
	s5 =	simm.s32 $0x300;
	s8 =	sadd.s32 $0x0, s24  }
.LBB2_17:
0xdb: {  	[hbm4b:s8+s2] =	stream.linear.scatter [tilespmem:s5], [sflag:$0x3], $0x80, $0x38;
	[tilespmem:$0x1FC00] =	vst v63  }
0xdc: {  	s8 =	smov.u32 s6;
	s5 =	smov.u32 s7;
	p1 =	sne.s32 s6, $0x3C0  }
.Ltmp7:
0xdd: {  	s6 =	sadd.s32 $0x10, s6;
	(pc) =	sbr.rel @p1 .LBB2_17-.Ltmp7, $2  }
0xde: {  	_ =	sdelay $0x2  }
0xdf: {  	s7 =	sadd.s32 $0x400, s7;
	s8 =	sadd.s32 s8, s24  }
0xe0: {  	[hbm4b:s8+s2] =	stream.linear.scatter [tilespmem:s5], [sflag:$0x3], $0x80, $0x38;
	[tilespmem:$0x1FC00] =	vst v63  }
0xe1: {  	s24 =	sadd.s32 s22, s14  }
0xe2: {  	s5 =	sshrl.u32 s24, $0x3  }
0xe3: {  	s6 =	simm.s32 $0x10;
	s24 =	sadd.s32 s3, s5  }
0xe4: {  	s7 =	simm.s32 $0x780;
	s5 =	simm.s32 $0x380;
	s8 =	sadd.s32 $0x0, s24  }
.LBB2_19:
0xe5: {  	[hbm4b:s8+s2] =	stream.linear.scatter [tilespmem:s5], [sflag:$0x3], $0x80, $0x38;
	[tilespmem:$0x1FC00] =	vst v63  }
0xe6: {  	s8 =	smov.u32 s6;
	s5 =	smov.u32 s7;
	p1 =	sne.s32 s6, $0x3C0  }
.Ltmp8:
0xe7: {  	s6 =	sadd.s32 $0x10, s6;
	(pc) =	sbr.rel @p1 .LBB2_19-.Ltmp8, $2  }
0xe8: {  	_ =	sdelay $0x2  }
0xe9: {  	s7 =	sadd.s32 $0x400, s7;
	s8 =	sadd.s32 s8, s24  }
0xea: {  	[hbm4b:s8+s2] =	stream.linear.scatter [tilespmem:s5], [sflag:$0x3], $0x80, $0x38;
	[tilespmem:$0x1FC00] =	vst v63  }
0xeb: {  	_ =	swait.ge [sflag:s28], $0xF400  }
0xec: {  	[sflag:s28] =	ssyncset.done $0x0  }
0xed: {  	[sflag:s28] =	ssyncadd.s32 $0xFFFF0C00  }
0xee: {  	_ =	swait.ge [sflag:s1], $0x1E80  }
0xef: {  	[sflag:s1] =	ssyncset.done $0x0  }
0xf0: {  	[sflag:s1] =	ssyncadd.s32 $0xFFFFE180  }
0xf1: {  	_ =	swait.ge [sflag:s1], $0x1E80  }
0xf2: {  	[sflag:s1] =	ssyncset.done $0x0  }
0xf3: {  	[sflag:s1] =	ssyncadd.s32 $0xFFFFE180  }
0xf4: {  	_ =	swait.ge [sflag:s1], $0x1E80  }
0xf5: {  	[sflag:s1] =	ssyncset.done $0x0  }
0xf6: {  	[sflag:s1] =	ssyncadd.s32 $0xFFFFE180  }
0xf7: {  	_ =	swait.ge [sflag:s1], $0x1E80  }
0xf8: {  	[sflag:s1] =	ssyncset.done $0x0  }
0xf9: {  	[sflag:s1] =	ssyncadd.s32 $0xFFFFE180  }
0xfa: {  	_ =	swait.ge [sflag:s1], $0x1E80  }
0xfb: {  	[sflag:s1] =	ssyncset.done $0x0  }
0xfc: {  	[sflag:s1] =	ssyncadd.s32 $0xFFFFE180  }
0xfd: {  	_ =	swait.ge [sflag:s1], $0x1E80  }
0xfe: {  	[sflag:s1] =	ssyncset.done $0x0  }
0xff: {  	[sflag:s1] =	ssyncadd.s32 $0xFFFFE180  }
0x100: {  	_ =	swait.ge [sflag:s1], $0x1E80  }
0x101: {  	[sflag:s1] =	ssyncset.done $0x0  }
0x102: {  	[sflag:s1] =	ssyncadd.s32 $0xFFFFE180  }
0x103: {  	_ =	swait.ge [sflag:s1], $0x1E80  }
0x104: {  	p1 =	seq.s32 s4, $0x7;
	s24 =	sadd.s32 s12, s25;
	[sflag:s1] =	ssyncset.done $0x0  }
0x105: {  	s5 =	sadd.s32 @!p1 s14, s23;
	s6 =	simm.s32 @!p1 $0x0;
	[sflag:s1] =	ssyncadd.s32 $0xFFFFE180  }
0x106: {  	[tilespmem:s6], [sflag:$0x1] =	stream.linear.gather @!p1 [hbm4b:s5+s6], $0xF400, $0x38;
	[tilespmem:$0x1FC00] =	vst v63  }
0x107: {  	s5 =	sshrl.u32 s24, $0x3  }
0x108: {  	s7 =	simm.s32 $0xF800;
	s14 =	sadd.s32 s3, s5  }
0x109: {  	s6 =	simm.s32 $0x10;
	s5 =	simm.s32 $0xF400;
	s8 =	sadd.s32 $0x0, s14  }
.LBB2_21:
0x10a: {  	[hbm4b:s8+s2] =	stream.linear.scatter [tilespmem:s5], [sflag:$0x4], $0x80, $0x38;
	[tilespmem:$0x1FC00] =	vst v63  }
0x10b: {  	s8 =	smov.u32 s6;
	s5 =	smov.u32 s7;
	p1 =	sne.s32 s6, $0x3C0  }
.Ltmp9:
0x10c: {  	s6 =	sadd.s32 $0x10, s6;
	(pc) =	sbr.rel @p1 .LBB2_21-.Ltmp9, $2  }
0x10d: {  	_ =	sdelay $0x2  }
0x10e: {  	s7 =	sadd.s32 $0x400, s7;
	s8 =	sadd.s32 s8, s14  }
0x10f: {  	[hbm4b:s8+s2] =	stream.linear.scatter [tilespmem:s5], [sflag:$0x4], $0x80, $0x38;
	[tilespmem:$0x1FC00] =	vst v63  }
0x110: {  	s24 =	sadd.s32 s21, s25  }
0x111: {  	s5 =	sshrl.u32 s24, $0x3  }
0x112: {  	s6 =	simm.s32 $0x10;
	s14 =	sadd.s32 s3, s5  }
0x113: {  	s7 =	simm.s32 $0xF880;
	s5 =	simm.s32 $0xF480;
	s8 =	sadd.s32 $0x0, s14  }
.LBB2_23:
0x114: {  	[hbm4b:s8+s2] =	stream.linear.scatter [tilespmem:s5], [sflag:$0x4], $0x80, $0x38;
	[tilespmem:$0x1FC00] =	vst v63  }
0x115: {  	s8 =	smov.u32 s6;
	s5 =	smov.u32 s7;
	p1 =	sne.s32 s6, $0x3C0  }
.Ltmp10:
0x116: {  	s6 =	sadd.s32 $0x10, s6;
	(pc) =	sbr.rel @p1 .LBB2_23-.Ltmp10, $2  }
0x117: {  	_ =	sdelay $0x2  }
0x118: {  	s7 =	sadd.s32 $0x400, s7;
	s8 =	sadd.s32 s8, s14  }
0x119: {  	[hbm4b:s8+s2] =	stream.linear.scatter [tilespmem:s5], [sflag:$0x4], $0x80, $0x38;
	[tilespmem:$0x1FC00] =	vst v63  }
0x11a: {  	s24 =	sadd.s32 s15, s25  }
0x11b: {  	s5 =	sshrl.u32 s24, $0x3  }
0x11c: {  	s6 =	simm.s32 $0x10;
	s14 =	sadd.s32 s3, s5  }
0x11d: {  	s7 =	simm.s32 $0xF900;
	s5 =	simm.s32 $0xF500;
	s8 =	sadd.s32 $0x0, s14  }
.LBB2_25:
0x11e: {  	[hbm4b:s8+s2] =	stream.linear.scatter [tilespmem:s5], [sflag:$0x4], $0x80, $0x38;
	[tilespmem:$0x1FC00] =	vst v63  }
0x11f: {  	s8 =	smov.u32 s6;
	s5 =	smov.u32 s7;
	p1 =	sne.s32 s6, $0x3C0  }
.Ltmp11:
0x120: {  	s6 =	sadd.s32 $0x10, s6;
	(pc) =	sbr.rel @p1 .LBB2_25-.Ltmp11, $2  }
0x121: {  	_ =	sdelay $0x2  }
0x122: {  	s7 =	sadd.s32 $0x400, s7;
	s8 =	sadd.s32 s8, s14  }
0x123: {  	[hbm4b:s8+s2] =	stream.linear.scatter [tilespmem:s5], [sflag:$0x4], $0x80, $0x38;
	[tilespmem:$0x1FC00] =	vst v63  }
0x124: {  	s24 =	sadd.s32 s16, s25  }
0x125: {  	s5 =	sshrl.u32 s24, $0x3  }
0x126: {  	s6 =	simm.s32 $0x10;
	s14 =	sadd.s32 s3, s5  }
0x127: {  	s7 =	simm.s32 $0xF980;
	s5 =	simm.s32 $0xF580;
	s8 =	sadd.s32 $0x0, s14  }
.LBB2_27:
0x128: {  	[hbm4b:s8+s2] =	stream.linear.scatter [tilespmem:s5], [sflag:$0x4], $0x80, $0x38;
	[tilespmem:$0x1FC00] =	vst v63  }
0x129: {  	s8 =	smov.u32 s6;
	s5 =	smov.u32 s7;
	p1 =	sne.s32 s6, $0x3C0  }
.Ltmp12:
0x12a: {  	s6 =	sadd.s32 $0x10, s6;
	(pc) =	sbr.rel @p1 .LBB2_27-.Ltmp12, $2  }
0x12b: {  	_ =	sdelay $0x2  }
0x12c: {  	s7 =	sadd.s32 $0x400, s7;
	s8 =	sadd.s32 s8, s14  }
0x12d: {  	[hbm4b:s8+s2] =	stream.linear.scatter [tilespmem:s5], [sflag:$0x4], $0x80, $0x38;
	[tilespmem:$0x1FC00] =	vst v63  }
0x12e: {  	s24 =	sadd.s32 s17, s25  }
0x12f: {  	s5 =	sshrl.u32 s24, $0x3  }
0x130: {  	s6 =	simm.s32 $0x10;
	s14 =	sadd.s32 s3, s5  }
0x131: {  	s7 =	simm.s32 $0xFA00;
	s5 =	simm.s32 $0xF600;
	s8 =	sadd.s32 $0x0, s14  }
.LBB2_29:
0x132: {  	[hbm4b:s8+s2] =	stream.linear.scatter [tilespmem:s5], [sflag:$0x4], $0x80, $0x38;
	[tilespmem:$0x1FC00] =	vst v63  }
0x133: {  	s8 =	smov.u32 s6;
	s5 =	smov.u32 s7;
	p1 =	sne.s32 s6, $0x3C0  }
.Ltmp13:
0x134: {  	s6 =	sadd.s32 $0x10, s6;
	(pc) =	sbr.rel @p1 .LBB2_29-.Ltmp13, $2  }
0x135: {  	_ =	sdelay $0x2  }
0x136: {  	s7 =	sadd.s32 $0x400, s7;
	s8 =	sadd.s32 s8, s14  }
0x137: {  	[hbm4b:s8+s2] =	stream.linear.scatter [tilespmem:s5], [sflag:$0x4], $0x80, $0x38;
	[tilespmem:$0x1FC00] =	vst v63  }
0x138: {  	s24 =	sadd.s32 s19, s25  }
0x139: {  	s5 =	sshrl.u32 s24, $0x3  }
0x13a: {  	s6 =	simm.s32 $0x10;
	s14 =	sadd.s32 s3, s5  }
0x13b: {  	s7 =	simm.s32 $0xFA80;
	s5 =	simm.s32 $0xF680;
	s8 =	sadd.s32 $0x0, s14  }
.LBB2_31:
0x13c: {  	[hbm4b:s8+s2] =	stream.linear.scatter [tilespmem:s5], [sflag:$0x4], $0x80, $0x38;
	[tilespmem:$0x1FC00] =	vst v63  }
0x13d: {  	s8 =	smov.u32 s6;
	s5 =	smov.u32 s7;
	p1 =	sne.s32 s6, $0x3C0  }
.Ltmp14:
0x13e: {  	s6 =	sadd.s32 $0x10, s6;
	(pc) =	sbr.rel @p1 .LBB2_31-.Ltmp14, $2  }
0x13f: {  	_ =	sdelay $0x2  }
0x140: {  	s7 =	sadd.s32 $0x400, s7;
	s8 =	sadd.s32 s8, s14  }
0x141: {  	[hbm4b:s8+s2] =	stream.linear.scatter [tilespmem:s5], [sflag:$0x4], $0x80, $0x38;
	[tilespmem:$0x1FC00] =	vst v63  }
0x142: {  	s24 =	sadd.s32 s20, s25  }
0x143: {  	s5 =	sshrl.u32 s24, $0x3  }
0x144: {  	s6 =	simm.s32 $0x10;
	s14 =	sadd.s32 s3, s5  }
0x145: {  	s7 =	simm.s32 $0xFB00;
	s5 =	simm.s32 $0xF700;
	s8 =	sadd.s32 $0x0, s14  }
.LBB2_33:
0x146: {  	[hbm4b:s8+s2] =	stream.linear.scatter [tilespmem:s5], [sflag:$0x4], $0x80, $0x38;
	[tilespmem:$0x1FC00] =	vst v63  }
0x147: {  	s8 =	smov.u32 s6;
	s5 =	smov.u32 s7;
	p1 =	sne.s32 s6, $0x3C0  }
.Ltmp15:
0x148: {  	s6 =	sadd.s32 $0x10, s6;
	(pc) =	sbr.rel @p1 .LBB2_33-.Ltmp15, $2  }
0x149: {  	_ =	sdelay $0x2  }
0x14a: {  	s7 =	sadd.s32 $0x400, s7;
	s8 =	sadd.s32 s8, s14  }
0x14b: {  	[hbm4b:s8+s2] =	stream.linear.scatter [tilespmem:s5], [sflag:$0x4], $0x80, $0x38;
	[tilespmem:$0x1FC00] =	vst v63  }
0x14c: {  	s25 =	sadd.s32 s22, s25  }
0x14d: {  	s5 =	sshrl.u32 s25, $0x3  }
0x14e: {  	s6 =	simm.s32 $0x10;
	s14 =	sadd.s32 s3, s5  }
0x14f: {  	s7 =	simm.s32 $0xFB80;
	s5 =	simm.s32 $0xF780;
	s8 =	sadd.s32 $0x0, s14  }
.LBB2_35:
0x150: {  	[hbm4b:s8+s2] =	stream.linear.scatter [tilespmem:s5], [sflag:$0x4], $0x80, $0x38;
	[tilespmem:$0x1FC00] =	vst v63  }
0x151: {  	s8 =	smov.u32 s6;
	s5 =	smov.u32 s7;
	p1 =	sne.s32 s6, $0x3C0  }
.Ltmp16:
0x152: {  	s6 =	sadd.s32 $0x10, s6;
	(pc) =	sbr.rel @p1 .LBB2_35-.Ltmp16, $2  }
0x153: {  	_ =	sdelay $0x2  }
0x154: {  	s7 =	sadd.s32 $0x400, s7;
	s8 =	sadd.s32 s8, s14  }
0x155: {  	s4 =	sadd.s32 $0x1, s4  }
0x156: {  	p1 =	sne.s32 s4, $0x8  }
.Ltmp17:
0x157: {  	_ = 	snop;
	(pc) =	sbr.rel @p1 .LBB2_4-.Ltmp17, $2  }
0x158: {  	_ =	sdelay $0x2  }
0x159: {  	[hbm4b:s8+s2] =	stream.linear.scatter [tilespmem:s5], [sflag:$0x4], $0x80, $0x38;
	[tilespmem:$0x1FC00] =	vst v63  }
0x15a: {  	_ =	swait.ge [sflag:s29], $0x1E80  }
0x15b: {  	[sflag:s29] =	ssyncset.done $0x0  }
0x15c: {  	[sflag:s29] =	ssyncadd.s32 $0xFFFFE180  }
0x15d: {  	_ =	swait.ge [sflag:s29], $0x1E80  }
0x15e: {  	[sflag:s29] =	ssyncset.done $0x0  }
0x15f: {  	[sflag:s29] =	ssyncadd.s32 $0xFFFFE180  }
0x160: {  	_ =	swait.ge [sflag:s29], $0x1E80  }
0x161: {  	[sflag:s29] =	ssyncset.done $0x0  }
0x162: {  	[sflag:s29] =	ssyncadd.s32 $0xFFFFE180  }
0x163: {  	_ =	swait.ge [sflag:s29], $0x1E80  }
0x164: {  	[sflag:s29] =	ssyncset.done $0x0  }
0x165: {  	[sflag:s29] =	ssyncadd.s32 $0xFFFFE180  }
0x166: {  	_ =	swait.ge [sflag:s29], $0x1E80  }
0x167: {  	[sflag:s29] =	ssyncset.done $0x0  }
0x168: {  	[sflag:s29] =	ssyncadd.s32 $0xFFFFE180  }
0x169: {  	_ =	swait.ge [sflag:s29], $0x1E80  }
0x16a: {  	[sflag:s29] =	ssyncset.done $0x0  }
0x16b: {  	[sflag:s29] =	ssyncadd.s32 $0xFFFFE180  }
0x16c: {  	_ =	swait.ge [sflag:s29], $0x1E80  }
0x16d: {  	[sflag:s29] =	ssyncset.done $0x0  }
0x16e: {  	[sflag:s29] =	ssyncadd.s32 $0xFFFFE180  }
0x16f: {  	_ =	swait.ge [sflag:s29], $0x1E80  }
0x170: {  	s30 =	sadd.s32 $0x1, s30;
	s4 =	rddreg [dreg:$0x9]  }
0x171: {  	p1 =	sne.s32 s30, s4  }
.Ltmp18:
0x172: {  	_ = 	snop;
	(pc) =	sbr.rel @p1 .LBB2_1-.Ltmp18, $3  }
0x173: {  	_ =	sdelay $0x1  }
0x174: {  	[sflag:s29] =	ssyncset.done $0x0  }
0x175: {  	[sflag:s29] =	ssyncadd.s32 $0xFFFFE180  }
0x176: {  	_ =	sfence.sel $0x180000  }
0x177: {  	[bflag:$0x0] =	sbarrier.arrive $0xFFFF  }
0x178: {  	_ =	strace $0x90000047  }
0x179: {  	s0 =	stileid.u32;
	[bflag:$0x2] =	sbarrier.arrive $0xFFFF  }
0x17a: {  	p0 =	sne.s32 s0, $0x0;
	s0 =	rddreg [dreg:$0x2]  }
0x17b: {  	s0 =	sadd.s32 @!p0 $0x100000, s0  }
0x17c: {  	[sflag:s0] =	ssyncadd.tile.s32 @!p0 $0x1;
	_ =	shalt  }
.Lfunc_end2:
_tile_overlayer_lowered:
.L_overlay_start_2:
0x17d: {  	(tag) =	ssettag $0x2  }
0x17e: {  	s0 =	rddreg [dreg:$0x0];
	s2 =	stileid.u32  }
0x17f: {  	s1 =	rddreg [dreg:$0x1];
	p0 =	sne.s32 s2, $0x0  }
0x180: {  	s3 =	rddreg [dreg:$0x2];
	[bflag:$0x3] =	sbarrier.arrive $0xFFFF;
	s2 =	simm.s32 @!p0 $0x1C05  }
0x181: {  	[timem:s3], [sflag:s2] =	dma.local @!p0 [hbm:s0], s1  }
0x182: {  	s0 =	simm.s32 @!p0 $0x5  }
0x183: {  	_ =	swait.ge @!p0 [sflag:s0], s1  }
0x184: {  	s1 =	ssub.s32 @!p0 $0x0, s1;
	[sflag:s0] =	ssyncset.done @!p0 $0x0  }
0x185: {  	[sflag:s0] =	ssyncadd.s32 @!p0 s1  }
0x186: {  	[bflag:$0x3] =	sbarrier.arrive $0xFFFF  }
0x187: {  	_ =	shalt  }

// kernel: kernel.8.cloned.1.call-start
scs
__scs_entry_jumppad:
0x0: {  	(pc) =	sbr.rel $0x88, $3  }
0x1: {  	(tag) =	ssettag $0x0;
	lr =	simm.s32 $0x1  }
0x2: {  	[smem:$0x3F9B] =	sst lr;
	_ =	strace $0xD0000000  }
0x3: {  	_ = 	snop  }
0x4: {  	_ = 	snop  }
0x5: {  	_ = 	snop  }
0x6: {  	_ = 	snop  }
0x7: {  	_ = 	snop  }
__scs_overlays_trampoline_lowered:
0x8: {  	[smem:$0x3FAA] =	sst s0  }
0x9: {  	[smem:$0x3FAB] =	sst s1  }
0xa: {  	[smem:$0x3FAC] =	sst s2  }
0xb: {  	[smem:$0x3FAD] =	sst s3  }
0xc: {  	[smem:$0x3FAE] =	sst s4  }
0xd: {  	[smem:$0x3FAF] =	sst s5  }
0xe: {  	[smem:$0x3FB0] =	sst s6  }
0xf: {  	[smem:$0x3FB1] =	sst s7  }
0x10: {  	[smem:$0x3FB2] =	sst s8  }
0x11: {  	[smem:$0x3FB3] =	sst s9;
	s0 =	simm.s32 @!p0 $0x0  }
0x12: {  	s1 =	sld [smem:$0x3F99];
	s0 =	simm.s32 @p0 $0x1  }
0x13: {  	[smem:$0x3FB4] =	sst s0;
	s0 =	simm.s32 @!p1 $0x0  }
0x14: {  	s2 =	sld [smem:$0x3F98];
	s0 =	simm.s32 @p1 $0x1  }
0x15: {  	[smem:$0x3FB5] =	sst s0;
	s0 =	simm.s32 @!p2 $0x0  }
0x16: {  	s3 =	sld [smem:$0x3FDB];
	s0 =	simm.s32 @p2 $0x1  }
0x17: {  	s4 =	simm.s32 $0x1BF5;
	[smem:$0x3FB7] =	sst s0  }
0x18: {  	s0 =	sld [smem:$0x3F9A];
	_ =	swait.ge [sflag:s4], $0x0  }
0x19: {  	s7 =	sld [smem:$0x3F9B]  }
0x1a: {  	s8 =	sadd.s32 $0xFFFFE003, lr  }
0x1b: {  	s9 =	sadd.s32 $0xFFFFFEF7, lr;
	s5 =	simm.s32 $0xFFFFFFFF;
	p2 =	slt.u32 s8, $0xFFFFF086  }
0x1c: {  	p1 =	slt.u32 s9, $0xF7A;
	s5 =	simm.s32 @!p2 $0x0  }
0x1d: {  	s5 =	simm.s32 @p1 $0x1;
	p0 =	seq.s32 s7, s2  }
0x1e: {  	s7 =	smul.u32 @!p0 $0xF7A, s2;
	p2 =	seq.s32 @!p0 s5, $0x0  }
0x1f: {  	s9 =	smul.u32 $0xF7A, s1;
	s8 =	simm.s32 @!p0 $0x1BF5;
	p2 =	por !p2, p0  }
0x20: {  	[sflag:s8] =	ssyncset.s32 @!p0 $0xFFFFF086;
	s6 =	sadd.s32 @!p0 s3, s7;
	s7 =	simm.s32 @!p0 $0x108  }
0x21: {  	s3 =	sadd.s32 s3, s9;
	s6 =	sadd.s32 @!p0 $0x88, s6;
	s7 =	simm.s32 @p2 $0x1082  }
0x22: {  	[simem:s7], [sflag:s8] =	dma.local @!p0 [hbm:s6], $0xF7A  }
0x23: {  	s9 =	sor.u32 $0xD0000000, s2;
	s6 =	simm.s32 $0x108;
	_ =	swait.ge @!p0 [sflag:s8], $0x0  }
0x24: {  	s3 =	sadd.s32 $0x88, s3;
	s6 =	simm.s32 @!p1 $0x1082;
	[sflag:s4] =	ssyncset.s32 $0xFFFFF086  }
0x25: {  	[simem:s6], [sflag:s4] =	dma.local [hbm:s3], $0xF7A  }
0x26: {  	[smem:$0x3F9B] =	sst s1;
	(tag) =	ssettag s2;
	_ =	strace s9  }
0x27: {  	s1 =	sld [smem:$0x3FAB]  }
0x28: {  	s2 =	sld [smem:$0x3FAC]  }
0x29: {  	s4 =	sld [smem:$0x3FAE]  }
0x2a: {  	p0 =	seq.s32 s5, $0x0;
	s5 =	sld [smem:$0x3FAF]  }
0x2b: {  	s6 =	sld [smem:$0x3FB0]  }
0x2c: {  	s7 =	sld [smem:$0x3FB1]  }
0x2d: {  	s3 =	simm.s32 $0x108;
	s8 =	sld [smem:$0x3FB2]  }
0x2e: {  	s3 =	simm.s32 @!p0 $0x1082;
	s9 =	sld [smem:$0x3FB3]  }
0x2f: {  	lr =	sadd.s32 s0, s3;
	s0 =	sld [smem:$0x3FAA]  }
0x30: {  	s3 =	sld [smem:$0x3FAD]  }
0x31: {  	[smem:$0x3FB6] =	sst s10  }
0x32: {  	s10 =	sld [smem:$0x3FB4];
	_ =	sdelay $0x3  }
0x33: {  	p0 =	seq.s32 s10, $0x1;
	s10 =	sld [smem:$0x3FB6];
	_ =	sdelay $0x3  }
0x34: {  	[smem:$0x3FB6] =	sst s10  }
0x35: {  	s10 =	sld [smem:$0x3FB5];
	_ =	sdelay $0x3  }
0x36: {  	p1 =	seq.s32 s10, $0x1;
	s10 =	sld [smem:$0x3FB6];
	_ =	sdelay $0x3  }
0x37: {  	[smem:$0x3FB6] =	sst s10  }
0x38: {  	s10 =	sld [smem:$0x3FB7]  }
0x39: {  	_ = 	snop;
	(pc) =	sbr.ind lr, $3  }
0x3a: {  	_ = 	snop  }
0x3b: {  	_ = 	snop  }
0x3c: {  	p2 =	seq.s32 s10, $0x1;
	s10 =	sld [smem:$0x3FB6]  }
0x3d: {  	_ =	shalt  }
0x3e: {  	_ =	shalt  }
0x3f: {  	_ =	shalt  }
0x40: {  	_ =	shalt  }
0x41: {  	_ =	shalt  }
0x42: {  	_ =	shalt  }
0x43: {  	_ =	shalt  }
0x44: {  	_ =	shalt  }
0x45: {  	_ =	shalt  }
0x46: {  	_ =	shalt  }
0x47: {  	_ =	shalt  }
0x48: {  	_ =	shalt  }
0x49: {  	_ =	shalt  }
0x4a: {  	_ =	shalt  }
0x4b: {  	_ =	shalt  }
0x4c: {  	_ =	shalt  }
0x4d: {  	_ =	shalt  }
0x4e: {  	_ =	shalt  }
0x4f: {  	_ =	shalt  }
0x50: {  	_ =	shalt  }
0x51: {  	_ =	shalt  }
0x52: {  	_ =	shalt  }
0x53: {  	_ =	shalt  }
0x54: {  	_ =	shalt  }
0x55: {  	_ =	shalt  }
0x56: {  	_ =	shalt  }
0x57: {  	_ =	shalt  }
0x58: {  	_ =	shalt  }
0x59: {  	_ =	shalt  }
0x5a: {  	_ =	shalt  }
0x5b: {  	_ =	shalt  }
0x5c: {  	_ =	shalt  }
0x5d: {  	_ =	shalt  }
0x5e: {  	_ =	shalt  }
0x5f: {  	_ =	shalt  }
0x60: {  	_ =	shalt  }
0x61: {  	_ =	shalt  }
0x62: {  	_ =	shalt  }
0x63: {  	_ =	shalt  }
0x64: {  	_ =	shalt  }
0x65: {  	_ =	shalt  }
0x66: {  	_ =	shalt  }
0x67: {  	_ =	shalt  }
0x68: {  	_ =	shalt  }
0x69: {  	_ =	shalt  }
0x6a: {  	_ =	shalt  }
0x6b: {  	_ =	shalt  }
0x6c: {  	_ =	shalt  }
0x6d: {  	_ =	shalt  }
0x6e: {  	_ =	shalt  }
0x6f: {  	_ =	shalt  }
0x70: {  	_ =	shalt  }
0x71: {  	_ =	shalt  }
0x72: {  	_ =	shalt  }
0x73: {  	_ =	shalt  }
0x74: {  	_ =	shalt  }
0x75: {  	_ =	shalt  }
0x76: {  	_ =	shalt  }
0x77: {  	_ =	shalt  }
0x78: {  	_ =	shalt  }
0x79: {  	_ =	shalt  }
0x7a: {  	_ =	shalt  }
0x7b: {  	_ =	shalt  }
0x7c: {  	_ =	shalt  }
0x7d: {  	_ =	shalt  }
0x7e: {  	_ =	shalt  }
0x7f: {  	_ =	shalt  }
0x80: {  	_ =	shalt  }
0x81: {  	_ =	shalt  }
0x82: {  	_ =	shalt  }
0x83: {  	_ =	shalt  }
0x84: {  	_ =	shalt  }
0x85: {  	_ =	shalt  }
0x86: {  	_ =	shalt  }
0x87: {  	_ =	shalt  }
.Lfunc_end0:
.L_simem_size_0:
called_computation.1_lowered:
.L_overlay_start_0:
0x88: {  	s2 =	sld [smem:$0x3FD9]  }
0x89: {  	s3 =	sld [smem:$0x3FFE];
	_ =	sdelay $0x1  }
0x8a: {  	s1 =	srdreg.scid  }
0x8b: {  	s0 =	sand.u32 $0x1, s1  }
0x8c: {  	s17 =	sshll.u32 s0, $0xA;
	s2 =	sadd.s32 s3, s2  }
0x8d: {  	s2 =	sadd.s32 s2, s17  }
0x8e: {  	[smem:$0x3FC2] =	sst s2  }
0x8f: {  	_ = 	snop  }
0x90: {  	s2 =	sld [smem:$0x3FD0];
	(tm) =	ssettm $0x1  }
0x91: {  	s18 =	sld [smem:$0x3FFB];
	_ =	sdelay $0x3  }
0x92: {  	_ =	strace s18  }
0x93: {  	s3 =	sld [smem:$0x3FFC];
	_ =	sdelay $0x3  }
0x94: {  	_ =	strace s3  }
0x95: {  	s3 =	sld [smem:$0x3FFD];
	_ =	sdelay $0x3  }
0x96: {  	_ =	strace s3  }
0x97: {  	_ =	strace $0x8FFFFFFF  }
0x98: {  	s19 =	sld [smem:$0x3FDB];
	_ =	sdelay $0x1  }
0x99: {  	s4 =	simm.s32 $_scs_section_size  }
0x9a: {  	s5 =	simm.s32 $_size__tile_overlayer_lowered;
	s6 =	simm.s32 $_tile_overlayer_lowered  }
0x9b: {  	s22 =	simm.s32 $0x1BFF;
	s21 =	sshll.u32 s6, $0x1;
	s3 =	sadd.s32 s4, s19  }
0x9c: {  	s7 =	simm.s32 $0x0;
	s20 =	sshll.u32 s5, $0x1;
	s5 =	sadd.s32 s21, s3  }
0x9d: {  	[timem:s7], [sflag:s22] =	dma.local [hbm:s5], s20  }
0x9e: {  	_ =	swait.ge [sflag:s22], s20  }
0x9f: {  	s4 =	ssub.s32 $0x0, s20;
	[sflag:s22] =	ssyncset.done $0x0  }
0xa0: {  	[sflag:s22] =	ssyncadd.s32 s4;
	_ =	sdelay $0x1  }
0xa1: {  	s23 =	simm.s32 $0x1B8B  }
0xa2: {  	_ =	swait.ge [sflag:s23], $0x1  }
0xa3: {  	[sflag:s23] =	ssyncset.done $0x0  }
0xa4: {  	s25 =	simm.s32 $0x1B8E;
	s24 =	sld [smem:$0x3FFE];
	[sflag:s23] =	ssyncadd.s32 $0xFFFFFFFF  }
0xa5: {  	s26 =	simm.s32 $execute0_lowered;
	[smem:$0x3FD2] =	sst s25  }
0xa6: {  	s5 =	sshll.u32 s26, $0x1;
	_ =	strace $0x80000049;
	[dreg:$0x1] =	wrdreg $0xFFFFFFFF  }
0xa7: {  	s28 =	simm.s32 $_size_execute0_lowered;
	s3 =	sadd.s32 s3, s5;
	[dreg:$0x0] =	wrdreg $0x0  }
0xa8: {  	s5 =	sshll.u32 s28, $0x1;
	[dreg:$0x2] =	wrdreg s3  }
0xa9: {  	[dreg:$0x3] =	wrdreg s5  }
0xaa: {  	[dreg:$0x4] =	wrdreg $0xC0  }
0xab: {  	_ =	task [dreg:s7], $0x5FFFF  }
0xac: {  	[dreg:$0x1] =	wrdreg $0xFFFFFFFF  }
0xad: {  	[dreg:$0x0] =	wrdreg $0x60  }
0xae: {  	[dreg:$0x2] =	wrdreg s24  }
0xaf: {  	[dreg:$0x3] =	wrdreg s2  }
0xb0: {  	[dreg:$0x4] =	wrdreg $0x9  }
0xb1: {  	_ =	task.clear_ibuf [dreg:s7], $0x5FFFF;
	_ =	strace $0x90000049  }
0xb2: {  	s29 =	simm.s32 $0x9;
	_ =	strace $0x8000004B  }
0xb3: {  	_ =	swait.ge [sflag:s29], $0x1  }
0xb4: {  	[sflag:s29] =	ssyncadd.s32 $0xFFFFFFFF  }
0xb5: {  	_ =	strace $0x9000004B  }
0xb6: {  	_ =	sfence  }
0xb7: {  	s30 =	sld [smem:$0x0];
	_ =	sdelay $0x2  }
0xb8: {  	s31 =	sshll.u32 s1, $0xD;
	s1 =	sshrl.u32 s1, $0x2  }
0xb9: {  	s3 =	sand.u32 $0x4000, s31;
	s1 =	sadd.s32 s1, s30  }
0xba: {  	s0 =	sor.u32 s3, s0;
	s1 =	sshll.u32 s1, $0x11  }
0xbb: {  	s0 =	sor.u32 s1, s0  }
0xbc: {  	s0 =	sadd.s32 $0x8F2B, s0  }
0xbd: {  	[sflag:s0] =	ssyncadd.remote.s32 $0x1  }
0xbe: {  	_ =	sfence.sel $0xFFFF  }
0xbf: {  	[dreg:$0x0] =	wrdreg $0xFFFFFFFF;
	(pc) =	sbr.abs _section_cstart, $3  }
0xc0: {  	[dreg:$0x1] =	wrdreg $0xFFFFFFFF  }
0xc1: {  	_ =	task.clear_ibuf [dreg:s7], $0x2FFFF;
	_ =	strace $0x9FFFFFFF  }
0xc2: {  	(tm) =	ssettm $0x7FFFFFFF  }
0xc3: {  	_ =	shalt  }
tec
execute0_lowered:
.L_overlay_start_1:
0x0: {  	(tag) =	ssettag $0x1  }
0x1: {  	s7 =	rddreg [dreg:$0x0];
	s1 =	srdreg.scid  }
0x2: {  	s0 =	stileid.u32;
	s4 =	rddreg [dreg:$0x1]  }
0x3: {  	s2 =	simm.s32 $0x0;
	s10 =	simm.s32 $0x5;
	s11 =	simm.s32 $0xA00  }
0x4: {  	s12 =	simm.s32 $0x1400;
	s13 =	simm.s32 $0x1E00;
	s14 =	simm.s32 $0x2800  }
0x5: {  	s15 =	simm.s32 $0x1;
	s16 =	simm.s32 $0x2;
	s17 =	simm.s32 $0x3  }
0x6: {  	s18 =	simm.s32 $0x4;
	s19 =	simm.s32 $0x14000;
	s20 =	simm.s32 $0x0  }
0x7: {  	s3 =	sand.u32 $0x1, s1;
	s5 =	sshll.u32 s0, $0x1;
	s1 =	rddreg [dreg:$0x2]  }
0x8: {  	[smem:$0x7FF] =	sst s2;
	s5 =	sor.u32 s3, s5;
	s6 =	ssub.s32 $0x2, s3  }
0x9: {  	_ =	strace $0x8000004A;
	s5 =	smul.u32 $0x140, s5;
	s9 =	sshrl.u32 s6, $0x1  }
0xa: {  	s3 =	sadd.s32 $0x1C00, s7;
	s9 =	ssub.s32 s6, s9;
	s6 =	sadd.s32 $0x3ECA0, s7  }
0xb: {  	s8 =	sadd.s32 s5, s7;
	s4 =	sadd.s32 s4, s5;
	s5 =	sadd.s32 $0x20450, s7  }
0xc: {  	s7 =	sadd.s32 $0x5D4F0, s7;
	s9 =	smax.u32 s9, $0x1;
	s8 =	sadd.s32 $0x3D2600, s8  }
.LBB2_1:
0xd: {  	[tilespmem:s2], [sflag:$0x5] =	stream.linear.gather [hbm4b:s4+s2], $0xA00, $0x38;
	[tilespmem:$0x14A00] =	vst v63  }
0xe: {  	_ =	swait.ge [sflag:s10], $0xA00  }
0xf: {  	[sflag:s10] =	ssyncset.done $0x0  }
0x10: {  	[sflag:s10] =	ssyncadd.s32 $0xFFFFF600  }
0x11: {  	[tilespmem:s11], [sflag:$0x1] =	stream.indirect.gather [hbm4b:s3+s11], $0x1, s2, s11, $0xb8;
	[tilespmem:$0x14A00] =	vst v63  }
0x12: {  	_ = 	snop  }
0x13: {  	[tilespmem:s12], [sflag:$0x2] =	stream.indirect.gather [hbm4b:s5+s11], $0x1, s2, s11, $0xb8;
	[tilespmem:$0x14A00] =	vst v63  }
0x14: {  	_ = 	snop  }
0x15: {  	[tilespmem:s13], [sflag:$0x3] =	stream.indirect.gather [hbm4b:s6+s11], $0x1, s2, s11, $0xb8;
	[tilespmem:$0x14A00] =	vst v63  }
0x16: {  	_ = 	snop  }
0x17: {  	[tilespmem:s14], [sflag:$0x4] =	stream.indirect.gather [hbm4b:s7+s11], $0x1, s2, s11, $0xb8;
	[tilespmem:$0x14A00] =	vst v63  }
0x18: {  	_ =	swait.ge [sflag:s15], $0xA00  }
0x19: {  	s24 =	sadd.s32 $0x0, s3;
	[sflag:s15] =	ssyncset.done $0x0  }
0x1a: {  	s21 =	simm.s32 $0x3200;
	s22 =	sadd.s32 $0x7A140, s24;
	[sflag:s15] =	ssyncadd.s32 $0xFFFFF600  }
0x1b: {  	[tilespmem:s21], [sflag:$0x1] =	stream.indirect.gather [hbm4b:s22+s11], $0x1, s2, s11, $0xb8;
	[tilespmem:$0x14A00] =	vst v63  }
0x1c: {  	_ =	swait.ge [sflag:s16], $0xA00  }
0x1d: {  	[sflag:s16] =	ssyncset.done $0x0  }
0x1e: {  	s28 =	simm.s32 $0x3C00;
	s29 =	sadd.s32 $0x98990, s24;
	[sflag:s16] =	ssyncadd.s32 $0xFFFFF600  }
0x1f: {  	[tilespmem:s28], [sflag:$0x2] =	stream.indirect.gather [hbm4b:s29+s11], $0x1, s2, s11, $0xb8;
	[tilespmem:$0x14A00] =	vst v63  }
0x20: {  	_ =	swait.ge [sflag:s17], $0xA00  }
0x21: {  	[sflag:s17] =	ssyncset.done $0x0  }
0x22: {  	s30 =	simm.s32 $0x4600;
	s31 =	sadd.s32 $0xB71E0, s24;
	[sflag:s17] =	ssyncadd.s32 $0xFFFFF600  }
0x23: {  	[tilespmem:s30], [sflag:$0x3] =	stream.indirect.gather [hbm4b:s31+s11], $0x1, s2, s11, $0xb8;
	[tilespmem:$0x14A00] =	vst v63  }
0x24: {  	_ =	swait.ge [sflag:s18], $0xA00  }
0x25: {  	s23 =	simm.s32 $0x5000;
	s24 =	sadd.s32 $0xD5A30, s24;
	[sflag:s18] =	ssyncset.done $0x0  }
0x26: {  	s21 =	simm.s32 $0x7A140;
	s22 =	simm.s32 $0x5A00;
	[sflag:s18] =	ssyncadd.s32 $0xFFFFF600  }
.LBB2_2:
0x27: {  	[tilespmem:s23], [sflag:$0x4] =	stream.indirect.gather [hbm4b:s24+s11], $0x1, s2, s11, $0xb8;
	[tilespmem:$0x14A00] =	vst v63  }
0x28: {  	s23 =	smov.u32 s21;
	s24 =	smov.u32 s22  }
0x29: {  	p0 =	sne.s32 s21, $0x2DC780;
	s21 =	sadd.s32 $0x7A140, s21;
	_ =	swait.ge [sflag:s15], $0xA00  }
0x2a: {  	s25 =	sadd.s32 s23, s3;
	[sflag:s15] =	ssyncset.done $0x0  }
0x2b: {  	s23 =	sadd.s32 $0x7A140, s25;
	[sflag:s15] =	ssyncadd.s32 $0xFFFFF600  }
0x2c: {  	[tilespmem:s22], [sflag:$0x1] =	stream.indirect.gather [hbm4b:s23+s11], $0x1, s2, s11, $0xb8;
	[tilespmem:$0x14A00] =	vst v63  }
0x2d: {  	_ =	swait.ge [sflag:s16], $0xA00  }
0x2e: {  	[sflag:s16] =	ssyncset.done $0x0  }
0x2f: {  	s26 =	sadd.s32 $0x98990, s25;
	s23 =	sadd.s32 $0xA00, s22;
	[sflag:s16] =	ssyncadd.s32 $0xFFFFF600  }
0x30: {  	[tilespmem:s23], [sflag:$0x2] =	stream.indirect.gather [hbm4b:s26+s11], $0x1, s2, s11, $0xb8;
	[tilespmem:$0x14A00] =	vst v63  }
0x31: {  	_ =	swait.ge [sflag:s17], $0xA00  }
0x32: {  	s23 =	sadd.s32 $0x1400, s22;
	[sflag:s17] =	ssyncset.done $0x0  }
.Ltmp0:
0x33: {  	s26 =	sadd.s32 $0xB71E0, s25;
	[sflag:s17] =	ssyncadd.s32 $0xFFFFF600;
	(pc) =	sbr.rel @p0 .LBB2_2-.Ltmp0, $4  }
0x34: {  	[tilespmem:s23], [sflag:$0x3] =	stream.indirect.gather [hbm4b:s26+s11], $0x1, s2, s11, $0xb8;
	[tilespmem:$0x14A00] =	vst v63  }
0x35: {  	_ =	swait.ge [sflag:s18], $0xA00  }
0x36: {  	s22 =	sadd.s32 $0x2800, s22;
	[sflag:s18] =	ssyncset.done $0x0  }
0x37: {  	s23 =	sadd.s32 $0x1E00, s24;
	s24 =	sadd.s32 $0xD5A30, s25;
	[sflag:s18] =	ssyncadd.s32 $0xFFFFF600  }
0x38: {  	[tilespmem:s23], [sflag:$0x4] =	stream.indirect.gather [hbm4b:s24+s11], $0x1, s2, s11, $0xb8;
	[tilespmem:$0x14A00] =	vst v63  }
0x39: {  	_ =	swait.ge [sflag:s15], $0xA00  }
0x3a: {  	[sflag:s15] =	ssyncset.done $0x0  }
0x3b: {  	[sflag:s15] =	ssyncadd.s32 $0xFFFFF600  }
0x3c: {  	_ =	swait.ge [sflag:s16], $0xA00  }
0x3d: {  	[sflag:s16] =	ssyncset.done $0x0  }
0x3e: {  	[sflag:s16] =	ssyncadd.s32 $0xFFFFF600  }
0x3f: {  	_ =	swait.ge [sflag:s17], $0xA00  }
0x40: {  	[sflag:s17] =	ssyncset.done $0x0  }
0x41: {  	[sflag:s17] =	ssyncadd.s32 $0xFFFFF600  }
0x42: {  	s20 =	sadd.s32 $0x1, s20;
	_ =	swait.ge [sflag:s18], $0xA00  }
0x43: {  	p0 =	sne.s32 s20, s9;
	[sflag:s18] =	ssyncset.done $0x0  }
.Ltmp1:
0x44: {  	[sflag:s18] =	ssyncadd.s32 $0xFFFFF600;
	(pc) =	sbr.rel @p0 .LBB2_1-.Ltmp1, $4  }
0x45: {  	[hbm4b:s8+s11] =	stream.strided.scatter [tilespmem:s11], [sflag:$0x5], $0x14000, s19, s11, $0x38;
	[tilespmem:$0x14A00] =	vst v63  }
0x46: {  	_ =	swait.ge [sflag:s10], $0x14000  }
0x47: {  	[sflag:s10] =	ssyncset.done $0x0  }
0x48: {  	[sflag:s10] =	ssyncadd.s32 $0xFFFEC000  }
0x49: {  	_ =	sfence.sel $0x180000  }
0x4a: {  	[bflag:$0x0] =	sbarrier.arrive $0xFFFF  }
0x4b: {  	p0 =	sne.s32 s0, $0x0;
	_ =	strace $0x9000004A  }
0x4c: {  	s0 =	sadd.s32 @!p0 $0x100000, s1;
	[bflag:$0x2] =	sbarrier.arrive $0xFFFF  }
0x4d: {  	[sflag:s0] =	ssyncadd.tile.s32 @!p0 $0x1;
	_ =	shalt  }
.Lfunc_end2:
_tile_overlayer_lowered:
.L_overlay_start_2:
0x4e: {  	(tag) =	ssettag $0x2  }
0x4f: {  	s0 =	rddreg [dreg:$0x0];
	s2 =	stileid.u32  }
0x50: {  	s1 =	rddreg [dreg:$0x1];
	p0 =	sne.s32 s2, $0x0  }
0x51: {  	s3 =	rddreg [dreg:$0x2];
	[bflag:$0x3] =	sbarrier.arrive $0xFFFF;
	s2 =	simm.s32 @!p0 $0x1C05  }
0x52: {  	[timem:s3], [sflag:s2] =	dma.local @!p0 [hbm:s0], s1  }
0x53: {  	s0 =	simm.s32 @!p0 $0x5  }
0x54: {  	_ =	swait.ge @!p0 [sflag:s0], s1  }
0x55: {  	s1 =	ssub.s32 @!p0 $0x0, s1;
	[sflag:s0] =	ssyncset.done @!p0 $0x0  }
0x56: {  	[sflag:s0] =	ssyncadd.s32 @!p0 s1  }
0x57: {  	[bflag:$0x3] =	sbarrier.arrive $0xFFFF  }
0x58: {  	_ =	shalt  }

</sc_bundles>
